<compile_context>
chip_gen: v7x
topology: tpu7x:2x2x1
jax: 0.10.2.dev20260603
libtpu: 0.0.44.dev20260713+nightly
codegen_flags: <defaults>
</compile_context>

<pallas_src>
import jax
import jax.numpy as jnp
from jax import lax
from jax.experimental import pallas as pl
from jax.experimental.pallas import tpu as pltpu
from jax.experimental.pallas import tpu_sc as plsc

N = 100000
HIDDEN = 128
HEADS = 4
G = 512

BLK = 4096
NB = 25
NP = NB * BLK
W = 64

N_TILES = 32
GROUPS = N // 32
G_BASE = GROUPS // N_TILES
G_REM = GROUPS % N_TILES
G_MAX = G_BASE + 1
RBUF = G_MAX * 32
GH = G * HEADS


def _logits_body(x_ref, w1_ref, b1_ref, w2_ref, b2_ref, logits_ref):
    x = x_ref[...]
    mu = jnp.mean(x, axis=1, keepdims=True)
    d = x - mu
    var = jnp.mean(d * d, axis=1, keepdims=True)
    xn = d * lax.rsqrt(var + 1e-5)
    h = jnp.dot(xn, w1_ref[...], preferred_element_type=jnp.float32) + b1_ref[...]
    h = h * jax.nn.sigmoid(h)
    lg = jnp.dot(h, w2_ref[...], preferred_element_type=jnp.float32) + b2_ref[...]
    logits_ref[...] = lg.T


def _logits_pass(x, ln_gamma, ln_beta, W1, b1, W2, b2):
    return pl.pallas_call(
        _logits_body,
        grid=(NB,),
        in_specs=[
            pl.BlockSpec((BLK, HIDDEN), lambda i: (i, 0)),
            pl.BlockSpec((HIDDEN, HIDDEN // 2), lambda i: (0, 0)),
            pl.BlockSpec((1, HIDDEN // 2), lambda i: (0, 0)),
            pl.BlockSpec((HIDDEN // 2, HEADS), lambda i: (0, 0)),
            pl.BlockSpec((1, HEADS), lambda i: (0, 0)),
        ],
        out_specs=pl.BlockSpec((HEADS, BLK), lambda i: (0, i)),
        out_shape=jax.ShapeDtypeStruct((HEADS, NP), jnp.float32),
    )(x, W1, b1.reshape(1, HIDDEN // 2), W2, b2.reshape(1, HEADS))


def _seg_partial_body(logits_hbm, batch_hbm, out_hbm, lbuf, ibuf, acc):
    c = lax.axis_index("c")
    s = lax.axis_index("s")
    w = s * 2 + c
    gs = G_BASE * w + jnp.minimum(w, G_REM)
    r0 = gs * 32

    def zero_body(j, _):
        acc[pl.ds(j * 16, 16)] = jnp.zeros((16,), jnp.float32)
        return 0
    lax.fori_loop(0, GH // 16, zero_body, 0)

    def run(ng):
        nr = ng * 32
        pltpu.sync_copy(batch_hbm.at[pl.ds(r0, nr)], ibuf.at[pl.ds(0, nr)])
        ibuf[pl.ds(nr, 16)] = jnp.zeros((16,), jnp.int32)
        for h in range(HEADS):
            pltpu.sync_copy(logits_hbm.at[pl.ds(h * NP + r0, nr)],
                            lbuf.at[pl.ds(h * RBUF, nr)])
        lane = lax.iota(jnp.int32, 16)
        last = lane == 15
        for h in range(HEADS):
            def chunk(k2, _, h=h):
                for u in range(2):
                    k = k2 * 2 + u
                    lvec = lbuf[pl.ds(h * RBUF + k * 16, 16)]
                    ex = jnp.exp(lvec)
                    cs = plsc.cumsum(ex)
                    ids = ibuf[pl.ds(k * 16, 16)]
                    ids_next = ibuf[pl.ds(k * 16 + 1, 16)]
                    bd = ids != ids_next
                    plsc.addupdate_scatter(acc, [ids + h * G], cs,
                                           mask=bd | last)
                    plsc.addupdate_scatter(acc, [ids_next + h * G], -cs,
                                           mask=bd & (~last))
                return 0
            lax.fori_loop(0, ng, chunk, 0)

    @pl.when(w < G_REM)
    def _():
        run(G_MAX)

    @pl.when(w >= G_REM)
    def _():
        run(G_BASE)

    pltpu.sync_copy(acc, out_hbm.at[w])


def _seg_partials(logits_flat, batch):
    mesh = plsc.VectorSubcoreMesh(core_axis_name="c", subcore_axis_name="s")
    f = pl.kernel(
        _seg_partial_body,
        compiler_params=pltpu.CompilerParams(needs_layout_passes=False),
        out_type=jax.ShapeDtypeStruct((N_TILES, GH), jnp.float32),
        mesh=mesh,
        scratch_types=[
            pltpu.VMEM((HEADS * RBUF,), jnp.float32),
            pltpu.VMEM((RBUF + 16,), jnp.int32),
            pltpu.VMEM((GH,), jnp.float32),
        ],
    )
    return f(logits_flat, batch)


def _weights_body(logits_hbm, batch_hbm, parts_hbm, wout_hbm,
                  lbuf, ibuf, wbuf, dbuf, pbuf):
    c = lax.axis_index("c")
    s = lax.axis_index("s")
    w = s * 2 + c
    gs = G_BASE * w + jnp.minimum(w, G_REM)
    r0 = gs * 32

    pltpu.sync_copy(parts_hbm, pbuf)

    def denom_body(j, _):
        dv = jnp.zeros((16,), jnp.float32)
        for t in range(N_TILES):
            dv = dv + pbuf[t, pl.ds(j * 16, 16)]
        dbuf[pl.ds(j * 16, 16)] = dv
        return 0
    lax.fori_loop(0, GH // 16, denom_body, 0)

    def run(ng):
        nr = ng * 32
        pltpu.sync_copy(batch_hbm.at[pl.ds(r0, nr)], ibuf.at[pl.ds(0, nr)])
        for h in range(HEADS):
            pltpu.sync_copy(logits_hbm.at[pl.ds(h * NP + r0, nr)],
                            lbuf.at[pl.ds(h * RBUF, nr)])
        for h in range(HEADS):
            def chunk(k, _, h=h):
                lvec = lbuf[pl.ds(h * RBUF + k * 16, 16)]
                ex = jnp.exp(lvec)
                ids = ibuf[pl.ds(k * 16, 16)]
                d = plsc.load_gather(dbuf, [ids + h * G])
                wbuf[pl.ds(h * RBUF + k * 16, 16)] = ex / (d + 1e-16)
                return 0
            lax.fori_loop(0, ng * 2, chunk, 0)

        for h in range(HEADS):
            pltpu.sync_copy(wbuf.at[pl.ds(h * RBUF, nr)],
                            wout_hbm.at[pl.ds(h * NP + r0, nr)])

    @pl.when(w < G_REM)
    def _():
        run(G_MAX)

    @pl.when(w >= G_REM)
    def _():
        run(G_BASE)


def _weights_pass(logits_flat, batch, partials):
    mesh = plsc.VectorSubcoreMesh(core_axis_name="c", subcore_axis_name="s")
    f = pl.kernel(
        _weights_body,
        compiler_params=pltpu.CompilerParams(needs_layout_passes=False),
        out_type=jax.ShapeDtypeStruct((HEADS * NP,), jnp.float32),
        mesh=mesh,
        scratch_types=[
            pltpu.VMEM((HEADS * RBUF,), jnp.float32),
            pltpu.VMEM((RBUF,), jnp.int32),
            pltpu.VMEM((HEADS * RBUF,), jnp.float32),
            pltpu.VMEM((GH,), jnp.float32),
            pltpu.VMEM((N_TILES, GH), jnp.float32),
        ],
    )
    return f(logits_flat, batch, partials)


def _pool_tail(i, x, exs, ids, gz_ref):
    hrow = lax.broadcasted_iota(jnp.int32, (HEADS, HIDDEN), 0)
    hcol = lax.broadcasted_iota(jnp.int32, (HEADS, HIDDEN), 1) // (HIDDEN // HEADS)
    sel = (hrow == hcol).astype(jnp.float32)
    eexp = jnp.dot(exs, sel, preferred_element_type=jnp.float32)
    xw = x * eexp

    @pl.when(i == 0)
    def _():
        gz_ref[...] = jnp.zeros((G + W, HIDDEN), jnp.float32)

    g0 = ids[0, 0]
    span = ids[0, BLK - 1] - g0 + 1

    @pl.when(span <= W)
    def _():
        rel = ids - g0
        gi = lax.broadcasted_iota(jnp.int32, (W, BLK), 0)
        oh = (gi == rel).astype(jnp.float32)
        contrib = jnp.dot(oh, xw, preferred_element_type=jnp.float32)
        gz_ref[pl.ds(g0, W), :] += contrib

    @pl.when(span > W)
    def _():
        gi = lax.broadcasted_iota(jnp.int32, (G, BLK), 0)
        oh = (gi == ids).astype(jnp.float32)
        contrib = jnp.dot(oh, xw, preferred_element_type=jnp.float32)
        gz_ref[pl.ds(0, G), :] += contrib


def _pool_body(lo, x_ref, lg_ref, b_ref, gz_ref):
    i = pl.program_id(0)
    gi = lo + i
    ids = b_ref[0]
    exs = jnp.exp(lg_ref[...]).T

    @pl.when(gi < NB - 1)
    def _():
        _pool_tail(i, x_ref[...], exs, ids, gz_ref)

    @pl.when(gi == NB - 1)
    def _():
        riota = lax.broadcasted_iota(jnp.int32, (BLK, 1), 0) + gi * BLK
        valid = riota < N
        x = jnp.where(valid, x_ref[...], 0.0)
        exm = jnp.where(valid, exs, 0.0)
        _pool_tail(i, x, exm, ids, gz_ref)


def _pool_pass(x, logitsT, batch3, lo, nb):
    import functools
    return pl.pallas_call(
        functools.partial(_pool_body, lo),
        grid=(nb,),
        in_specs=[
            pl.BlockSpec((BLK, HIDDEN), lambda i: (lo + i, 0)),
            pl.BlockSpec((HEADS, BLK), lambda i: (0, lo + i)),
            pl.BlockSpec((1, 1, BLK), lambda i: (lo + i, 0, 0)),
        ],
        out_specs=pl.BlockSpec((G + W, HIDDEN), lambda i: (0, 0)),
        out_shape=jax.ShapeDtypeStruct((G + W, HIDDEN), jnp.float32),
    )(x, logitsT, batch3)


def _final_body(w3_ref, znum_ref, parts_ref, gz_ref, ent_ref):
    den4 = jnp.sum(parts_ref[...], axis=0)
    den = den4.T
    hrow = lax.broadcasted_iota(jnp.int32, (HEADS, HIDDEN), 0)
    hcol = lax.broadcasted_iota(jnp.int32, (HEADS, HIDDEN), 1) // (HIDDEN // HEADS)
    sel = (hrow == hcol).astype(jnp.float32)
    dexp = jnp.dot(den, sel, preferred_element_type=jnp.float32)
    znum = znum_ref[pl.ds(0, G), :]
    gz_ref[...] = znum / (dexp + 1e-30)

    w3 = w3_ref[...]
    fi = (lax.broadcasted_iota(jnp.int32, (HEADS * NP // HIDDEN, HIDDEN), 0)
          * HIDDEN
          + lax.broadcasted_iota(jnp.int32, (HEADS * NP // HIDDEN, HIDDEN), 1))
    col = fi - (fi // NP) * NP
    w3 = jnp.where(col < N, w3, 0.0)
    el = w3 * jnp.log(w3 + 1e-8)
    es = jnp.sum(jnp.sum(el, axis=0, keepdims=True), axis=1, keepdims=True)
    ent_ref[...] = -es / (HEADS * G)


def _final_pass(w3, znum_pad, partials3):
    return pl.pallas_call(
        _final_body,
        in_specs=[
            pl.BlockSpec((HEADS * NP // HIDDEN, HIDDEN), lambda: (0, 0)),
            pl.BlockSpec((G + W, HIDDEN), lambda: (0, 0)),
            pl.BlockSpec((N_TILES, HEADS, G), lambda: (0, 0, 0)),
        ],
        out_specs=[
            pl.BlockSpec((G, HIDDEN), lambda: (0, 0)),
            pl.BlockSpec((1, 1), lambda: (0, 0)),
        ],
        out_shape=[
            jax.ShapeDtypeStruct((G, HIDDEN), jnp.float32),
            jax.ShapeDtypeStruct((1, 1), jnp.float32),
        ],
    )(w3, znum_pad, partials3)


def kernel(x, batch, num_graphs, ln_gamma, ln_beta, W1, b1, W2, b2):
    batch = batch.astype(jnp.int32)
    W1f = ln_gamma[:, None] * W1
    b1f = ln_beta @ W1 + b1
    logitsT = _logits_pass(x, ln_gamma, ln_beta, W1f, b1f, W2, b2)
    logits_flat = logitsT.reshape(HEADS * NP)
    partials = _seg_partials(logits_flat, batch)
    wflat = _weights_pass(logits_flat, batch, partials)
    wT = wflat.reshape(HEADS, NP)
    weights = wT[:, :N].T
    batch_pad = jnp.pad(batch, (0, NP - N), mode="edge")
    batch3 = batch_pad.reshape(NB, 1, BLK)
    gz_pad = _pool_pass(x, logitsT, batch3, 0, NB)
    w3 = wflat.reshape(HEADS * NP // HIDDEN, HIDDEN)
    partials3 = partials.reshape(N_TILES, HEADS, G)
    graph_z, ent = _final_pass(w3, gz_pad, partials3)
    mean_entropy = ent[0, 0]
    return (graph_z, weights, mean_entropy)

# --- scband reference (transcript-rebuilt; emitter-appended) ---
"""Pipeline reference for scband-multi-head-attention-pooling-22325240005209 (READ-ONLY COPY).

The authoritative reference and input builder live on the scoring server;
editing this copy changes nothing except your own understanding.
"""

import jax, jax.numpy as jnp
import numpy as np

N = 100000
HIDDEN = 128
HEADS = 4
HEAD_DIM = HIDDEN // HEADS
G = 512


def setup_inputs(seed: int = 0) -> dict:
    key = jax.random.key(seed)
    ks = jax.random.split(key, 8)
    x = jax.random.normal(ks[0], (N, HIDDEN), dtype=jnp.float32)
    batch = jnp.sort(jax.random.randint(ks[1], (N,), 0, G))
    ln_gamma = jnp.ones((HIDDEN,), dtype=jnp.float32)
    ln_beta = jnp.zeros((HIDDEN,), dtype=jnp.float32)
    W1 = jax.random.normal(ks[2], (HIDDEN, HIDDEN // 2), dtype=jnp.float32) * 0.05
    b1 = jnp.zeros((HIDDEN // 2,), dtype=jnp.float32)
    W2 = jax.random.normal(ks[3], (HIDDEN // 2, HEADS), dtype=jnp.float32) * 0.05
    b2 = jnp.zeros((HEADS,), dtype=jnp.float32)
    return {"x": x, "batch": batch, "num_graphs": G, "ln_gamma": ln_gamma, "ln_beta": ln_beta, "W1": W1, "b1": b1, "W2": W2, "b2": b2}


def reference(x, batch, num_graphs, ln_gamma, ln_beta, W1, b1, W2, b2):
    n = x.shape[0]
    # LayerNorm
    mu = jnp.mean(x, axis=-1, keepdims=True)
    var = jnp.var(x, axis=-1, keepdims=True)
    x_norm = (x - mu) / jnp.sqrt(var + 1e-5) * ln_gamma + ln_beta
    # attn MLP: Linear -> SiLU -> Linear
    h = x_norm @ W1 + b1
    h = h * jax.nn.sigmoid(h)
    logits = h @ W2 + b2  # [N, HEADS]
    # segment softmax over nodes grouped by graph id (per head)
    seg_max = jax.ops.segment_max(logits, batch, num_segments=G)
    seg_max = jnp.where(jnp.isfinite(seg_max), seg_max, 0.0)
    ex = jnp.exp(logits - seg_max[batch])
    denom = jax.ops.segment_sum(ex, batch, num_segments=G)
    weights = ex / (denom[batch] + 1e-16)
    # entropy regularizer
    eps = 1e-8
    entropy = -jnp.sum(weights * jnp.log(weights + eps), axis=0) / num_graphs
    mean_entropy = entropy.mean()
    # weighted multi-head pooling
    x_split = x.reshape(n, HEADS, HEAD_DIM)
    x_weighted = x_split * weights[:, :, None]
    x_weighted_flat = x_weighted.reshape(n, HIDDEN)
    graph_z = jax.ops.segment_sum(x_weighted_flat, batch, num_segments=G)
    return (graph_z, weights, mean_entropy)

if __name__ == "__main__":
    import jax
    _d = setup_inputs()
    print(jax.jit(kernel)(*tuple(_d.values())))

</pallas_src>

<mosaic_0001>
#map = affine_map<(d0, d1) -> (0)>
#map1 = affine_map<(d0, d1) -> (0, 0)>
module attributes {stable_mosaic.version = 14 : i64} {
  func.func @_weights_body(%arg0: i32, %arg1: i32, %arg2: memref<409600xf32, #tpu.memory_space<hbm>>, %arg3: memref<100000xi32, #tpu.memory_space<hbm>>, %arg4: memref<32x2048xf32, #tpu.memory_space<hbm>>, %arg5: memref<409600xf32, #tpu.memory_space<hbm>>, %arg6: memref<12544xf32, #tpu.memory_space<vmem>>, %arg7: memref<3136xi32, #tpu.memory_space<vmem>>, %arg8: memref<12544xf32, #tpu.memory_space<vmem>>, %arg9: memref<2048xf32, #tpu.memory_space<vmem>>, %arg10: memref<32x2048xf32, #tpu.memory_space<vmem>>) attributes {dimension_semantics = [#tpu.dimension_semantics<core_parallel>, #tpu.dimension_semantics<subcore_parallel>], iteration_bounds = array<i64: 2, 16>, scalar_prefetch = 0 : i64, scratch_operands = 5 : i64, tpu.core_type = #tpu.core_type<sc_vector_subcore>, window_params = [{transform_indices = #map}, {transform_indices = #map}, {transform_indices = #map1}, {transform_indices = #map}]} {
    %mul3A = arith.constant 2 : i32
    %mul3A_0 = arith.muli %arg1, %mul3A : i32
    %add3A = arith.addi %mul3A_0, %arg0 : i32
    %mul3A_1 = arith.constant 97 : i32
    %mul3A_2 = arith.muli %mul3A_1, %add3A : i32
    %min3A = arith.constant 21 : i32
    %min3A_3 = arith.minsi %add3A, %min3A : i32
    %add3A_4 = arith.addi %mul3A_2, %min3A_3 : i32
    %mul3A_5 = arith.constant 32 : i32
    %mul3A_6 = arith.muli %add3A_4, %mul3A_5 : i32
    "tpu.region"() ({
      %run_scoped3A = tpu.sem_alloc : memref<!tpu.dma_semaphore, #tpu.memory_space<semaphore_mem>>
      tpu.enqueue_dma source(%arg4 : memref<32x2048xf32, #tpu.memory_space<hbm>>) target(%arg10 : memref<32x2048xf32, #tpu.memory_space<vmem>>) target_semaphore(%run_scoped3A : memref<!tpu.dma_semaphore, #tpu.memory_space<semaphore_mem>>)
      tpu.wait_dma2 semaphore(%run_scoped3A : memref<!tpu.dma_semaphore, #tpu.memory_space<semaphore_mem>>) src(%arg4 : memref<32x2048xf32, #tpu.memory_space<hbm>>) dst(%arg10 : memref<32x2048xf32, #tpu.memory_space<vmem>>)
      tpu.yield
    }) : () -> ()
    %scan3A = arith.constant 0 : i32
    %scan3A_7 = arith.constant 0 : i32
    %scan3A_8 = arith.constant 128 : i32
    %scan3A_9 = arith.addi %scan3A_7, %scan3A_8 : i32
    %scan3A_10 = arith.constant 1 : i32
    %scan3A_11 = scf.for %scan3A_19 = %scan3A_7 to %scan3A_9 step %scan3A_10 iter_args(%scan3A_20 = %scan3A) -> (i32)  : i32 {
      %broadcast_in_dim3A = arith.constant 0.000000e+00 : f32
      %broadcast_in_dim3A_21 = vector.broadcast %broadcast_in_dim3A : f32 to vector<16xf32>
      %mul3A_22 = arith.constant 16 : i32
      %mul3A_23 = arith.muli %scan3A_19, %mul3A_22 : i32
      %get3A = arith.constant 0 : i32
      %get3A_24 = arith.index_cast %get3A : i32 to index
      %get3A_25 = arith.index_cast %mul3A_23 : i32 to index
      %get3A_26 = tpu.vector_load %arg10[%get3A_24, %get3A_25] {strides = array<i32>} : memref<32x2048xf32, #tpu.memory_space<vmem>>, vector<16xf32>,
      %add3A_27 = arith.addf %broadcast_in_dim3A_21, %get3A_26 : vector<16xf32>
      %mul3A_28 = arith.constant 16 : i32
      %mul3A_29 = arith.muli %scan3A_19, %mul3A_28 : i32
      %get3A_30 = arith.constant 1 : i32
      %get3A_31 = arith.index_cast %get3A_30 : i32 to index
      %get3A_32 = arith.index_cast %mul3A_29 : i32 to index
      %get3A_33 = tpu.vector_load %arg10[%get3A_31, %get3A_32] {strides = array<i32>} : memref<32x2048xf32, #tpu.memory_space<vmem>>, vector<16xf32>,
      %add3A_34 = arith.addf %add3A_27, %get3A_33 : vector<16xf32>
      %mul3A_35 = arith.constant 16 : i32
      %mul3A_36 = arith.muli %scan3A_19, %mul3A_35 : i32
      %get3A_37 = arith.constant 2 : i32
      %get3A_38 = arith.index_cast %get3A_37 : i32 to index
      %get3A_39 = arith.index_cast %mul3A_36 : i32 to index
      %get3A_40 = tpu.vector_load %arg10[%get3A_38, %get3A_39] {strides = array<i32>} : memref<32x2048xf32, #tpu.memory_space<vmem>>, vector<16xf32>,
      %add3A_41 = arith.addf %add3A_34, %get3A_40 : vector<16xf32>
      %mul3A_42 = arith.constant 16 : i32
      %mul3A_43 = arith.muli %scan3A_19, %mul3A_42 : i32
      %get3A_44 = arith.constant 3 : i32
      %get3A_45 = arith.index_cast %get3A_44 : i32 to index
      %get3A_46 = arith.index_cast %mul3A_43 : i32 to index
      %get3A_47 = tpu.vector_load %arg10[%get3A_45, %get3A_46] {strides = array<i32>} : memref<32x2048xf32, #tpu.memory_space<vmem>>, vector<16xf32>,
      %add3A_48 = arith.addf %add3A_41, %get3A_47 : vector<16xf32>
      %mul3A_49 = arith.constant 16 : i32
      %mul3A_50 = arith.muli %scan3A_19, %mul3A_49 : i32
      %get3A_51 = arith.constant 4 : i32
      %get3A_52 = arith.index_cast %get3A_51 : i32 to index
      %get3A_53 = arith.index_cast %mul3A_50 : i32 to index
      %get3A_54 = tpu.vector_load %arg10[%get3A_52, %get3A_53] {strides = array<i32>} : memref<32x2048xf32, #tpu.memory_space<vmem>>, vector<16xf32>,
      %add3A_55 = arith.addf %add3A_48, %get3A_54 : vector<16xf32>
      %mul3A_56 = arith.constant 16 : i32
      %mul3A_57 = arith.muli %scan3A_19, %mul3A_56 : i32
      %get3A_58 = arith.constant 5 : i32
      %get3A_59 = arith.index_cast %get3A_58 : i32 to index
      %get3A_60 = arith.index_cast %mul3A_57 : i32 to index
      %get3A_61 = tpu.vector_load %arg10[%get3A_59, %get3A_60] {strides = array<i32>} : memref<32x2048xf32, #tpu.memory_space<vmem>>, vector<16xf32>,
      %add3A_62 = arith.addf %add3A_55, %get3A_61 : vector<16xf32>
      %mul3A_63 = arith.constant 16 : i32
      %mul3A_64 = arith.muli %scan3A_19, %mul3A_63 : i32
      %get3A_65 = arith.constant 6 : i32
      %get3A_66 = arith.index_cast %get3A_65 : i32 to index
      %get3A_67 = arith.index_cast %mul3A_64 : i32 to index
      %get3A_68 = tpu.vector_load %arg10[%get3A_66, %get3A_67] {strides = array<i32>} : memref<32x2048xf32, #tpu.memory_space<vmem>>, vector<16xf32>,
      %add3A_69 = arith.addf %add3A_62, %get3A_68 : vector<16xf32>
      %mul3A_70 = arith.constant 16 : i32
      %mul3A_71 = arith.muli %scan3A_19, %mul3A_70 : i32
      %get3A_72 = arith.constant 7 : i32
      %get3A_73 = arith.index_cast %get3A_72 : i32 to index
      %get3A_74 = arith.index_cast %mul3A_71 : i32 to index
      %get3A_75 = tpu.vector_load %arg10[%get3A_73, %get3A_74] {strides = array<i32>} : memref<32x2048xf32, #tpu.memory_space<vmem>>, vector<16xf32>,
      %add3A_76 = arith.addf %add3A_69, %get3A_75 : vector<16xf32>
      %mul3A_77 = arith.constant 16 : i32
      %mul3A_78 = arith.muli %scan3A_19, %mul3A_77 : i32
      %get3A_79 = arith.constant 8 : i32
      %get3A_80 = arith.index_cast %get3A_79 : i32 to index
      %get3A_81 = arith.index_cast %mul3A_78 : i32 to index
      %get3A_82 = tpu.vector_load %arg10[%get3A_80, %get3A_81] {strides = array<i32>} : memref<32x2048xf32, #tpu.memory_space<vmem>>, vector<16xf32>,
      %add3A_83 = arith.addf %add3A_76, %get3A_82 : vector<16xf32>
      %mul3A_84 = arith.constant 16 : i32
      %mul3A_85 = arith.muli %scan3A_19, %mul3A_84 : i32
      %get3A_86 = arith.constant 9 : i32
      %get3A_87 = arith.index_cast %get3A_86 : i32 to index
      %get3A_88 = arith.index_cast %mul3A_85 : i32 to index
      %get3A_89 = tpu.vector_load %arg10[%get3A_87, %get3A_88] {strides = array<i32>} : memref<32x2048xf32, #tpu.memory_space<vmem>>, vector<16xf32>,
      %add3A_90 = arith.addf %add3A_83, %get3A_89 : vector<16xf32>
      %mul3A_91 = arith.constant 16 : i32
      %mul3A_92 = arith.muli %scan3A_19, %mul3A_91 : i32
      %get3A_93 = arith.constant 10 : i32
      %get3A_94 = arith.index_cast %get3A_93 : i32 to index
      %get3A_95 = arith.index_cast %mul3A_92 : i32 to index
      %get3A_96 = tpu.vector_load %arg10[%get3A_94, %get3A_95] {strides = array<i32>} : memref<32x2048xf32, #tpu.memory_space<vmem>>, vector<16xf32>,
      %add3A_97 = arith.addf %add3A_90, %get3A_96 : vector<16xf32>
      %mul3A_98 = arith.constant 16 : i32
      %mul3A_99 = arith.muli %scan3A_19, %mul3A_98 : i32
      %get3A_100 = arith.constant 11 : i32
      %get3A_101 = arith.index_cast %get3A_100 : i32 to index
      %get3A_102 = arith.index_cast %mul3A_99 : i32 to index
      %get3A_103 = tpu.vector_load %arg10[%get3A_101, %get3A_102] {strides = array<i32>} : memref<32x2048xf32, #tpu.memory_space<vmem>>, vector<16xf32>,
      %add3A_104 = arith.addf %add3A_97, %get3A_103 : vector<16xf32>
      %mul3A_105 = arith.constant 16 : i32
      %mul3A_106 = arith.muli %scan3A_19, %mul3A_105 : i32
      %get3A_107 = arith.constant 12 : i32
      %get3A_108 = arith.index_cast %get3A_107 : i32 to index
      %get3A_109 = arith.index_cast %mul3A_106 : i32 to index
      %get3A_110 = tpu.vector_load %arg10[%get3A_108, %get3A_109] {strides = array<i32>} : memref<32x2048xf32, #tpu.memory_space<vmem>>, vector<16xf32>,
      %add3A_111 = arith.addf %add3A_104, %get3A_110 : vector<16xf32>
      %mul3A_112 = arith.constant 16 : i32
      %mul3A_113 = arith.muli %scan3A_19, %mul3A_112 : i32
      %get3A_114 = arith.constant 13 : i32
      %get3A_115 = arith.index_cast %get3A_114 : i32 to index
      %get3A_116 = arith.index_cast %mul3A_113 : i32 to index
      %get3A_117 = tpu.vector_load %arg10[%get3A_115, %get3A_116] {strides = array<i32>} : memref<32x2048xf32, #tpu.memory_space<vmem>>, vector<16xf32>,
      %add3A_118 = arith.addf %add3A_111, %get3A_117 : vector<16xf32>
      %mul3A_119 = arith.constant 16 : i32
      %mul3A_120 = arith.muli %scan3A_19, %mul3A_119 : i32
      %get3A_121 = arith.constant 14 : i32
      %get3A_122 = arith.index_cast %get3A_121 : i32 to index
      %get3A_123 = arith.index_cast %mul3A_120 : i32 to index
      %get3A_124 = tpu.vector_load %arg10[%get3A_122, %get3A_123] {strides = array<i32>} : memref<32x2048xf32, #tpu.memory_space<vmem>>, vector<16xf32>,
      %add3A_125 = arith.addf %add3A_118, %get3A_124 : vector<16xf32>
      %mul3A_126 = arith.constant 16 : i32
      %mul3A_127 = arith.muli %scan3A_19, %mul3A_126 : i32
      %get3A_128 = arith.constant 15 : i32
      %get3A_129 = arith.index_cast %get3A_128 : i32 to index
      %get3A_130 = arith.index_cast %mul3A_127 : i32 to index
      %get3A_131 = tpu.vector_load %arg10[%get3A_129, %get3A_130] {strides = array<i32>} : memref<32x2048xf32, #tpu.memory_space<vmem>>, vector<16xf32>,
      %add3A_132 = arith.addf %add3A_125, %get3A_131 : vector<16xf32>
      %mul3A_133 = arith.constant 16 : i32
      %mul3A_134 = arith.muli %scan3A_19, %mul3A_133 : i32
      %get3A_135 = arith.constant 16 : i32
      %get3A_136 = arith.index_cast %get3A_135 : i32 to index
      %get3A_137 = arith.index_cast %mul3A_134 : i32 to index
      %get3A_138 = tpu.vector_load %arg10[%get3A_136, %get3A_137] {strides = array<i32>} : memref<32x2048xf32, #tpu.memory_space<vmem>>, vector<16xf32>,
      %add3A_139 = arith.addf %add3A_132, %get3A_138 : vector<16xf32>
      %mul3A_140 = arith.constant 16 : i32
      %mul3A_141 = arith.muli %scan3A_19, %mul3A_140 : i32
      %get3A_142 = arith.constant 17 : i32
      %get3A_143 = arith.index_cast %get3A_142 : i32 to index
      %get3A_144 = arith.index_cast %mul3A_141 : i32 to index
      %get3A_145 = tpu.vector_load %arg10[%get3A_143, %get3A_144] {strides = array<i32>} : memref<32x2048xf32, #tpu.memory_space<vmem>>, vector<16xf32>,
      %add3A_146 = arith.addf %add3A_139, %get3A_145 : vector<16xf32>
      %mul3A_147 = arith.constant 16 : i32
      %mul3A_148 = arith.muli %scan3A_19, %mul3A_147 : i32
      %get3A_149 = arith.constant 18 : i32
      %get3A_150 = arith.index_cast %get3A_149 : i32 to index
      %get3A_151 = arith.index_cast %mul3A_148 : i32 to index
      %get3A_152 = tpu.vector_load %arg10[%get3A_150, %get3A_151] {strides = array<i32>} : memref<32x2048xf32, #tpu.memory_space<vmem>>, vector<16xf32>,
      %add3A_153 = arith.addf %add3A_146, %get3A_152 : vector<16xf32>
      %mul3A_154 = arith.constant 16 : i32
      %mul3A_155 = arith.muli %scan3A_19, %mul3A_154 : i32
      %get3A_156 = arith.constant 19 : i32
      %get3A_157 = arith.index_cast %get3A_156 : i32 to index
      %get3A_158 = arith.index_cast %mul3A_155 : i32 to index
      %get3A_159 = tpu.vector_load %arg10[%get3A_157, %get3A_158] {strides = array<i32>} : memref<32x2048xf32, #tpu.memory_space<vmem>>, vector<16xf32>,
      %add3A_160 = arith.addf %add3A_153, %get3A_159 : vector<16xf32>
      %mul3A_161 = arith.constant 16 : i32
      %mul3A_162 = arith.muli %scan3A_19, %mul3A_161 : i32
      %get3A_163 = arith.constant 20 : i32
      %get3A_164 = arith.index_cast %get3A_163 : i32 to index
      %get3A_165 = arith.index_cast %mul3A_162 : i32 to index
      %get3A_166 = tpu.vector_load %arg10[%get3A_164, %get3A_165] {strides = array<i32>} : memref<32x2048xf32, #tpu.memory_space<vmem>>, vector<16xf32>,
      %add3A_167 = arith.addf %add3A_160, %get3A_166 : vector<16xf32>
      %mul3A_168 = arith.constant 16 : i32
      %mul3A_169 = arith.muli %scan3A_19, %mul3A_168 : i32
      %get3A_170 = arith.constant 21 : i32
      %get3A_171 = arith.index_cast %get3A_170 : i32 to index
      %get3A_172 = arith.index_cast %mul3A_169 : i32 to index
      %get3A_173 = tpu.vector_load %arg10[%get3A_171, %get3A_172] {strides = array<i32>} : memref<32x2048xf32, #tpu.memory_space<vmem>>, vector<16xf32>,
      %add3A_174 = arith.addf %add3A_167, %get3A_173 : vector<16xf32>
      %mul3A_175 = arith.constant 16 : i32
      %mul3A_176 = arith.muli %scan3A_19, %mul3A_175 : i32
      %get3A_177 = arith.constant 22 : i32
      %get3A_178 = arith.index_cast %get3A_177 : i32 to index
      %get3A_179 = arith.index_cast %mul3A_176 : i32 to index
      %get3A_180 = tpu.vector_load %arg10[%get3A_178, %get3A_179] {strides = array<i32>} : memref<32x2048xf32, #tpu.memory_space<vmem>>, vector<16xf32>,
      %add3A_181 = arith.addf %add3A_174, %get3A_180 : vector<16xf32>
      %mul3A_182 = arith.constant 16 : i32
      %mul3A_183 = arith.muli %scan3A_19, %mul3A_182 : i32
      %get3A_184 = arith.constant 23 : i32
      %get3A_185 = arith.index_cast %get3A_184 : i32 to index
      %get3A_186 = arith.index_cast %mul3A_183 : i32 to index
      %get3A_187 = tpu.vector_load %arg10[%get3A_185, %get3A_186] {strides = array<i32>} : memref<32x2048xf32, #tpu.memory_space<vmem>>, vector<16xf32>,
      %add3A_188 = arith.addf %add3A_181, %get3A_187 : vector<16xf32>
      %mul3A_189 = arith.constant 16 : i32
      %mul3A_190 = arith.muli %scan3A_19, %mul3A_189 : i32
      %get3A_191 = arith.constant 24 : i32
      %get3A_192 = arith.index_cast %get3A_191 : i32 to index
      %get3A_193 = arith.index_cast %mul3A_190 : i32 to index
      %get3A_194 = tpu.vector_load %arg10[%get3A_192, %get3A_193] {strides = array<i32>} : memref<32x2048xf32, #tpu.memory_space<vmem>>, vector<16xf32>,
      %add3A_195 = arith.addf %add3A_188, %get3A_194 : vector<16xf32>
      %mul3A_196 = arith.constant 16 : i32
      %mul3A_197 = arith.muli %scan3A_19, %mul3A_196 : i32
      %get3A_198 = arith.constant 25 : i32
      %get3A_199 = arith.index_cast %get3A_198 : i32 to index
      %get3A_200 = arith.index_cast %mul3A_197 : i32 to index
      %get3A_201 = tpu.vector_load %arg10[%get3A_199, %get3A_200] {strides = array<i32>} : memref<32x2048xf32, #tpu.memory_space<vmem>>, vector<16xf32>,
      %add3A_202 = arith.addf %add3A_195, %get3A_201 : vector<16xf32>
      %mul3A_203 = arith.constant 16 : i32
      %mul3A_204 = arith.muli %scan3A_19, %mul3A_203 : i32
      %get3A_205 = arith.constant 26 : i32
      %get3A_206 = arith.index_cast %get3A_205 : i32 to index
      %get3A_207 = arith.index_cast %mul3A_204 : i32 to index
      %get3A_208 = tpu.vector_load %arg10[%get3A_206, %get3A_207] {strides = array<i32>} : memref<32x2048xf32, #tpu.memory_space<vmem>>, vector<16xf32>,
      %add3A_209 = arith.addf %add3A_202, %get3A_208 : vector<16xf32>
      %mul3A_210 = arith.constant 16 : i32
      %mul3A_211 = arith.muli %scan3A_19, %mul3A_210 : i32
      %get3A_212 = arith.constant 27 : i32
      %get3A_213 = arith.index_cast %get3A_212 : i32 to index
      %get3A_214 = arith.index_cast %mul3A_211 : i32 to index
      %get3A_215 = tpu.vector_load %arg10[%get3A_213, %get3A_214] {strides = array<i32>} : memref<32x2048xf32, #tpu.memory_space<vmem>>, vector<16xf32>,
      %add3A_216 = arith.addf %add3A_209, %get3A_215 : vector<16xf32>
      %mul3A_217 = arith.constant 16 : i32
      %mul3A_218 = arith.muli %scan3A_19, %mul3A_217 : i32
      %get3A_219 = arith.constant 28 : i32
      %get3A_220 = arith.index_cast %get3A_219 : i32 to index
      %get3A_221 = arith.index_cast %mul3A_218 : i32 to index
      %get3A_222 = tpu.vector_load %arg10[%get3A_220, %get3A_221] {strides = array<i32>} : memref<32x2048xf32, #tpu.memory_space<vmem>>, vector<16xf32>,
      %add3A_223 = arith.addf %add3A_216, %get3A_222 : vector<16xf32>
      %mul3A_224 = arith.constant 16 : i32
      %mul3A_225 = arith.muli %scan3A_19, %mul3A_224 : i32
      %get3A_226 = arith.constant 29 : i32
      %get3A_227 = arith.index_cast %get3A_226 : i32 to index
      %get3A_228 = arith.index_cast %mul3A_225 : i32 to index
      %get3A_229 = tpu.vector_load %arg10[%get3A_227, %get3A_228] {strides = array<i32>} : memref<32x2048xf32, #tpu.memory_space<vmem>>, vector<16xf32>,
      %add3A_230 = arith.addf %add3A_223, %get3A_229 : vector<16xf32>
      %mul3A_231 = arith.constant 16 : i32
      %mul3A_232 = arith.muli %scan3A_19, %mul3A_231 : i32
      %get3A_233 = arith.constant 30 : i32
      %get3A_234 = arith.index_cast %get3A_233 : i32 to index
      %get3A_235 = arith.index_cast %mul3A_232 : i32 to index
      %get3A_236 = tpu.vector_load %arg10[%get3A_234, %get3A_235] {strides = array<i32>} : memref<32x2048xf32, #tpu.memory_space<vmem>>, vector<16xf32>,
      %add3A_237 = arith.addf %add3A_230, %get3A_236 : vector<16xf32>
      %mul3A_238 = arith.constant 16 : i32
      %mul3A_239 = arith.muli %scan3A_19, %mul3A_238 : i32
      %get3A_240 = arith.constant 31 : i32
      %get3A_241 = arith.index_cast %get3A_240 : i32 to index
      %get3A_242 = arith.index_cast %mul3A_239 : i32 to index
      %get3A_243 = tpu.vector_load %arg10[%get3A_241, %get3A_242] {strides = array<i32>} : memref<32x2048xf32, #tpu.memory_space<vmem>>, vector<16xf32>,
      %add3A_244 = arith.addf %add3A_237, %get3A_243 : vector<16xf32>
      %mul3A_245 = arith.constant 16 : i32
      %mul3A_246 = arith.muli %scan3A_19, %mul3A_245 : i32
      %swap3A = arith.index_cast %mul3A_246 : i32 to index
      %swap3A_247 = tpu.vector_load %arg9[%swap3A] {strides = array<i32>} : memref<2048xf32, #tpu.memory_space<vmem>>, vector<16xf32>,
      tpu.vector_store %arg9[%swap3A], %add3A_244 {strides = array<i32>} : memref<2048xf32, #tpu.memory_space<vmem>>, vector<16xf32>,
      %scan3A_248 = arith.constant 0 : i32
      scf.yield %scan3A_248 : i32
    }
    %scan3A_12 = arith.constant 128 : i32
    %lt3A = arith.constant 21 : i32
    %lt3A_13 = arith.cmpi slt, %add3A, %lt3A : i32
    %convert_element_type3A = arith.extui %lt3A_13 : i1 to i32
    %cond3A = arith.constant 0 : i32
    %cond3A_14 = arith.cmpi ne, %convert_element_type3A, %cond3A : i32
    scf.if %cond3A_14 {
      "tpu.region"() ({
        %run_scoped3A = tpu.sem_alloc : memref<!tpu.dma_semaphore, #tpu.memory_space<semaphore_mem>>
        %dma_start3A = arith.constant 0 : i32
        %dma_start3A_63 = tpu.memref_slice %arg7[%dma_start3A] : memref<3136xi32, #tpu.memory_space<vmem>> -> memref<3136xi32, #tpu.memory_space<vmem>>
        %dma_start3A_64 = tpu.memref_slice %arg3[%mul3A_6] : memref<100000xi32, #tpu.memory_space<hbm>> -> memref<3136xi32, #tpu.memory_space<hbm>>
        %dma_start3A_65 = arith.constant 0 : i32
        %dma_start3A_66 = tpu.memref_slice %arg7[%dma_start3A_65] : memref<3136xi32, #tpu.memory_space<vmem>> -> memref<3136xi32, #tpu.memory_space<vmem>>
        %dma_start3A_67 = tpu.memref_slice %arg3[%mul3A_6] : memref<100000xi32, #tpu.memory_space<hbm>> -> memref<3136xi32, #tpu.memory_space<hbm>>
        tpu.enqueue_dma source(%dma_start3A_67 : memref<3136xi32, #tpu.memory_space<hbm>>) target(%dma_start3A_66 : memref<3136xi32, #tpu.memory_space<vmem>>) target_semaphore(%run_scoped3A : memref<!tpu.dma_semaphore, #tpu.memory_space<semaphore_mem>>)
        %dma_wait3A = arith.constant 0 : i32
        %dma_wait3A_68 = tpu.memref_slice %arg7[%dma_wait3A] : memref<3136xi32, #tpu.memory_space<vmem>> -> memref<3136xi32, #tpu.memory_space<vmem>>
        %dma_wait3A_69 = tpu.memref_slice %arg3[%mul3A_6] : memref<100000xi32, #tpu.memory_space<hbm>> -> memref<3136xi32, #tpu.memory_space<hbm>>
        %dma_wait3A_70 = arith.constant 0 : i32
        %dma_wait3A_71 = tpu.memref_slice %arg7[%dma_wait3A_70] : memref<3136xi32, #tpu.memory_space<vmem>> -> memref<3136xi32, #tpu.memory_space<vmem>>
        %dma_wait3A_72 = tpu.memref_slice %arg3[%mul3A_6] : memref<100000xi32, #tpu.memory_space<hbm>> -> memref<3136xi32, #tpu.memory_space<hbm>>
        tpu.wait_dma2 semaphore(%run_scoped3A : memref<!tpu.dma_semaphore, #tpu.memory_space<semaphore_mem>>) src(%dma_wait3A_72 : memref<3136xi32, #tpu.memory_space<hbm>>) dst(%dma_wait3A_71 : memref<3136xi32, #tpu.memory_space<vmem>>)
        tpu.yield
      }) : () -> ()
      %add3A_19 = arith.constant 0 : i32
      %add3A_20 = arith.addi %add3A_19, %mul3A_6 : i32
      "tpu.region"() ({
        %run_scoped3A = tpu.sem_alloc : memref<!tpu.dma_semaphore, #tpu.memory_space<semaphore_mem>>
        %dma_start3A = arith.constant 0 : i32
        %dma_start3A_63 = tpu.memref_slice %arg6[%dma_start3A] : memref<12544xf32, #tpu.memory_space<vmem>> -> memref<3136xf32, #tpu.memory_space<vmem>>
        %dma_start3A_64 = tpu.memref_slice %arg2[%add3A_20] : memref<409600xf32, #tpu.memory_space<hbm>> -> memref<3136xf32, #tpu.memory_space<hbm>>
        %dma_start3A_65 = arith.constant 0 : i32
        %dma_start3A_66 = tpu.memref_slice %arg6[%dma_start3A_65] : memref<12544xf32, #tpu.memory_space<vmem>> -> memref<3136xf32, #tpu.memory_space<vmem>>
        %dma_start3A_67 = tpu.memref_slice %arg2[%add3A_20] : memref<409600xf32, #tpu.memory_space<hbm>> -> memref<3136xf32, #tpu.memory_space<hbm>>
        tpu.enqueue_dma source(%dma_start3A_67 : memref<3136xf32, #tpu.memory_space<hbm>>) target(%dma_start3A_66 : memref<3136xf32, #tpu.memory_space<vmem>>) target_semaphore(%run_scoped3A : memref<!tpu.dma_semaphore, #tpu.memory_space<semaphore_mem>>)
        %dma_wait3A = arith.constant 0 : i32
        %dma_wait3A_68 = tpu.memref_slice %arg6[%dma_wait3A] : memref<12544xf32, #tpu.memory_space<vmem>> -> memref<3136xf32, #tpu.memory_space<vmem>>
        %dma_wait3A_69 = tpu.memref_slice %arg2[%add3A_20] : memref<409600xf32, #tpu.memory_space<hbm>> -> memref<3136xf32, #tpu.memory_space<hbm>>
        %dma_wait3A_70 = arith.constant 0 : i32
        %dma_wait3A_71 = tpu.memref_slice %arg6[%dma_wait3A_70] : memref<12544xf32, #tpu.memory_space<vmem>> -> memref<3136xf32, #tpu.memory_space<vmem>>
        %dma_wait3A_72 = tpu.memref_slice %arg2[%add3A_20] : memref<409600xf32, #tpu.memory_space<hbm>> -> memref<3136xf32, #tpu.memory_space<hbm>>
        tpu.wait_dma2 semaphore(%run_scoped3A : memref<!tpu.dma_semaphore, #tpu.memory_space<semaphore_mem>>) src(%dma_wait3A_72 : memref<3136xf32, #tpu.memory_space<hbm>>) dst(%dma_wait3A_71 : memref<3136xf32, #tpu.memory_space<vmem>>)
        tpu.yield
      }) : () -> ()
      %add3A_21 = arith.constant 102400 : i32
      %add3A_22 = arith.addi %add3A_21, %mul3A_6 : i32
      "tpu.region"() ({
        %run_scoped3A = tpu.sem_alloc : memref<!tpu.dma_semaphore, #tpu.memory_space<semaphore_mem>>
        %dma_start3A = arith.constant 3136 : i32
        %dma_start3A_63 = tpu.memref_slice %arg6[%dma_start3A] : memref<12544xf32, #tpu.memory_space<vmem>> -> memref<3136xf32, #tpu.memory_space<vmem>>
        %dma_start3A_64 = tpu.memref_slice %arg2[%add3A_22] : memref<409600xf32, #tpu.memory_space<hbm>> -> memref<3136xf32, #tpu.memory_space<hbm>>
        %dma_start3A_65 = arith.constant 3136 : i32
        %dma_start3A_66 = tpu.memref_slice %arg6[%dma_start3A_65] : memref<12544xf32, #tpu.memory_space<vmem>> -> memref<3136xf32, #tpu.memory_space<vmem>>
        %dma_start3A_67 = tpu.memref_slice %arg2[%add3A_22] : memref<409600xf32, #tpu.memory_space<hbm>> -> memref<3136xf32, #tpu.memory_space<hbm>>
        tpu.enqueue_dma source(%dma_start3A_67 : memref<3136xf32, #tpu.memory_space<hbm>>) target(%dma_start3A_66 : memref<3136xf32, #tpu.memory_space<vmem>>) target_semaphore(%run_scoped3A : memref<!tpu.dma_semaphore, #tpu.memory_space<semaphore_mem>>)
        %dma_wait3A = arith.constant 3136 : i32
        %dma_wait3A_68 = tpu.memref_slice %arg6[%dma_wait3A] : memref<12544xf32, #tpu.memory_space<vmem>> -> memref<3136xf32, #tpu.memory_space<vmem>>
        %dma_wait3A_69 = tpu.memref_slice %arg2[%add3A_22] : memref<409600xf32, #tpu.memory_space<hbm>> -> memref<3136xf32, #tpu.memory_space<hbm>>
        %dma_wait3A_70 = arith.constant 3136 : i32
        %dma_wait3A_71 = tpu.memref_slice %arg6[%dma_wait3A_70] : memref<12544xf32, #tpu.memory_space<vmem>> -> memref<3136xf32, #tpu.memory_space<vmem>>
        %dma_wait3A_72 = tpu.memref_slice %arg2[%add3A_22] : memref<409600xf32, #tpu.memory_space<hbm>> -> memref<3136xf32, #tpu.memory_space<hbm>>
        tpu.wait_dma2 semaphore(%run_scoped3A : memref<!tpu.dma_semaphore, #tpu.memory_space<semaphore_mem>>) src(%dma_wait3A_72 : memref<3136xf32, #tpu.memory_space<hbm>>) dst(%dma_wait3A_71 : memref<3136xf32, #tpu.memory_space<vmem>>)
        tpu.yield
      }) : () -> ()
      %add3A_23 = arith.constant 204800 : i32
      %add3A_24 = arith.addi %add3A_23, %mul3A_6 : i32
      "tpu.region"() ({
        %run_scoped3A = tpu.sem_alloc : memref<!tpu.dma_semaphore, #tpu.memory_space<semaphore_mem>>
        %dma_start3A = arith.constant 6272 : i32
        %dma_start3A_63 = tpu.memref_slice %arg6[%dma_start3A] : memref<12544xf32, #tpu.memory_space<vmem>> -> memref<3136xf32, #tpu.memory_space<vmem>>
        %dma_start3A_64 = tpu.memref_slice %arg2[%add3A_24] : memref<409600xf32, #tpu.memory_space<hbm>> -> memref<3136xf32, #tpu.memory_space<hbm>>
        %dma_start3A_65 = arith.constant 6272 : i32
        %dma_start3A_66 = tpu.memref_slice %arg6[%dma_start3A_65] : memref<12544xf32, #tpu.memory_space<vmem>> -> memref<3136xf32, #tpu.memory_space<vmem>>
        %dma_start3A_67 = tpu.memref_slice %arg2[%add3A_24] : memref<409600xf32, #tpu.memory_space<hbm>> -> memref<3136xf32, #tpu.memory_space<hbm>>
        tpu.enqueue_dma source(%dma_start3A_67 : memref<3136xf32, #tpu.memory_space<hbm>>) target(%dma_start3A_66 : memref<3136xf32, #tpu.memory_space<vmem>>) target_semaphore(%run_scoped3A : memref<!tpu.dma_semaphore, #tpu.memory_space<semaphore_mem>>)
        %dma_wait3A = arith.constant 6272 : i32
        %dma_wait3A_68 = tpu.memref_slice %arg6[%dma_wait3A] : memref<12544xf32, #tpu.memory_space<vmem>> -> memref<3136xf32, #tpu.memory_space<vmem>>
        %dma_wait3A_69 = tpu.memref_slice %arg2[%add3A_24] : memref<409600xf32, #tpu.memory_space<hbm>> -> memref<3136xf32, #tpu.memory_space<hbm>>
        %dma_wait3A_70 = arith.constant 6272 : i32
        %dma_wait3A_71 = tpu.memref_slice %arg6[%dma_wait3A_70] : memref<12544xf32, #tpu.memory_space<vmem>> -> memref<3136xf32, #tpu.memory_space<vmem>>
        %dma_wait3A_72 = tpu.memref_slice %arg2[%add3A_24] : memref<409600xf32, #tpu.memory_space<hbm>> -> memref<3136xf32, #tpu.memory_space<hbm>>
        tpu.wait_dma2 semaphore(%run_scoped3A : memref<!tpu.dma_semaphore, #tpu.memory_space<semaphore_mem>>) src(%dma_wait3A_72 : memref<3136xf32, #tpu.memory_space<hbm>>) dst(%dma_wait3A_71 : memref<3136xf32, #tpu.memory_space<vmem>>)
        tpu.yield
      }) : () -> ()
      %add3A_25 = arith.constant 307200 : i32
      %add3A_26 = arith.addi %add3A_25, %mul3A_6 : i32
      "tpu.region"() ({
        %run_scoped3A = tpu.sem_alloc : memref<!tpu.dma_semaphore, #tpu.memory_space<semaphore_mem>>
        %dma_start3A = arith.constant 9408 : i32
        %dma_start3A_63 = tpu.memref_slice %arg6[%dma_start3A] : memref<12544xf32, #tpu.memory_space<vmem>> -> memref<3136xf32, #tpu.memory_space<vmem>>
        %dma_start3A_64 = tpu.memref_slice %arg2[%add3A_26] : memref<409600xf32, #tpu.memory_space<hbm>> -> memref<3136xf32, #tpu.memory_space<hbm>>
        %dma_start3A_65 = arith.constant 9408 : i32
        %dma_start3A_66 = tpu.memref_slice %arg6[%dma_start3A_65] : memref<12544xf32, #tpu.memory_space<vmem>> -> memref<3136xf32, #tpu.memory_space<vmem>>
        %dma_start3A_67 = tpu.memref_slice %arg2[%add3A_26] : memref<409600xf32, #tpu.memory_space<hbm>> -> memref<3136xf32, #tpu.memory_space<hbm>>
        tpu.enqueue_dma source(%dma_start3A_67 : memref<3136xf32, #tpu.memory_space<hbm>>) target(%dma_start3A_66 : memref<3136xf32, #tpu.memory_space<vmem>>) target_semaphore(%run_scoped3A : memref<!tpu.dma_semaphore, #tpu.memory_space<semaphore_mem>>)
        %dma_wait3A = arith.constant 9408 : i32
        %dma_wait3A_68 = tpu.memref_slice %arg6[%dma_wait3A] : memref<12544xf32, #tpu.memory_space<vmem>> -> memref<3136xf32, #tpu.memory_space<vmem>>
        %dma_wait3A_69 = tpu.memref_slice %arg2[%add3A_26] : memref<409600xf32, #tpu.memory_space<hbm>> -> memref<3136xf32, #tpu.memory_space<hbm>>
        %dma_wait3A_70 = arith.constant 9408 : i32
        %dma_wait3A_71 = tpu.memref_slice %arg6[%dma_wait3A_70] : memref<12544xf32, #tpu.memory_space<vmem>> -> memref<3136xf32, #tpu.memory_space<vmem>>
        %dma_wait3A_72 = tpu.memref_slice %arg2[%add3A_26] : memref<409600xf32, #tpu.memory_space<hbm>> -> memref<3136xf32, #tpu.memory_space<hbm>>
        tpu.wait_dma2 semaphore(%run_scoped3A : memref<!tpu.dma_semaphore, #tpu.memory_space<semaphore_mem>>) src(%dma_wait3A_72 : memref<3136xf32, #tpu.memory_space<hbm>>) dst(%dma_wait3A_71 : memref<3136xf32, #tpu.memory_space<vmem>>)
        tpu.yield
      }) : () -> ()
      %scan3A_27 = arith.constant 0 : i32
      %scan3A_28 = arith.constant 0 : i32
      %scan3A_29 = arith.constant 196 : i32
      %scan3A_30 = arith.addi %scan3A_28, %scan3A_29 : i32
      %scan3A_31 = arith.constant 1 : i32
      %scan3A_32 = scf.for %scan3A_63 = %scan3A_28 to %scan3A_30 step %scan3A_31 iter_args(%scan3A_64 = %scan3A_27) -> (i32)  : i32 {
        %mul3A_65 = arith.constant 16 : i32
        %mul3A_66 = arith.muli %scan3A_63, %mul3A_65 : i32
        %add3A_67 = arith.constant 0 : i32
        %add3A_68 = arith.addi %add3A_67, %mul3A_66 : i32
        %get3A = arith.index_cast %add3A_68 : i32 to index
        %get3A_69 = tpu.vector_load %arg6[%get3A] {strides = array<i32>} : memref<12544xf32, #tpu.memory_space<vmem>>, vector<16xf32>,
        %exp3A = math.exp %get3A_69 : vector<16xf32>
        %mul3A_70 = arith.constant 16 : i32
        %mul3A_71 = arith.muli %scan3A_63, %mul3A_70 : i32
        %get3A_72 = arith.index_cast %mul3A_71 : i32 to index
        %get3A_73 = tpu.vector_load %arg7[%get3A_72] {strides = array<i32>} : memref<3136xi32, #tpu.memory_space<vmem>>, vector<16xi32>,
        %add3A_74 = arith.constant 0 : i32
        %add3A_75 = vector.broadcast %add3A_74 : i32 to vector<16xi32>
        %add3A_76 = arith.addi %get3A_73, %add3A_75 : vector<16xi32>
        %gather3A = tpu.vector_load_idx %arg9[%add3A_76] : memref<2048xf32, #tpu.memory_space<vmem>>[vector<16xi32>], vector<16xf32>,
        %add3A_77 = arith.constant 1.000000e-16 : f32
        %add3A_78 = vector.broadcast %add3A_77 : f32 to vector<16xf32>
        %add3A_79 = arith.addf %gather3A, %add3A_78 : vector<16xf32>
        %div3A = arith.divf %exp3A, %add3A_79 : vector<16xf32>
        %mul3A_80 = arith.constant 16 : i32
        %mul3A_81 = arith.muli %scan3A_63, %mul3A_80 : i32
        %add3A_82 = arith.constant 0 : i32
        %add3A_83 = arith.addi %add3A_82, %mul3A_81 : i32
        %swap3A = arith.index_cast %add3A_83 : i32 to index
        %swap3A_84 = tpu.vector_load %arg8[%swap3A] {strides = array<i32>} : memref<12544xf32, #tpu.memory_space<vmem>>, vector<16xf32>,
        tpu.vector_store %arg8[%swap3A], %div3A {strides = array<i32>} : memref<12544xf32, #tpu.memory_space<vmem>>, vector<16xf32>,
        %scan3A_85 = arith.constant 0 : i32
        scf.yield %scan3A_85 : i32
      }
      %scan3A_33 = arith.constant 196 : i32
      %scan3A_34 = arith.constant 0 : i32
      %scan3A_35 = arith.constant 0 : i32
      %scan3A_36 = arith.constant 196 : i32
      %scan3A_37 = arith.addi %scan3A_35, %scan3A_36 : i32
      %scan3A_38 = arith.constant 1 : i32
      %scan3A_39 = scf.for %scan3A_63 = %scan3A_35 to %scan3A_37 step %scan3A_38 iter_args(%scan3A_64 = %scan3A_34) -> (i32)  : i32 {
        %mul3A_65 = arith.constant 16 : i32
        %mul3A_66 = arith.muli %scan3A_63, %mul3A_65 : i32
        %add3A_67 = arith.constant 3136 : i32
        %add3A_68 = arith.addi %add3A_67, %mul3A_66 : i32
        %get3A = arith.index_cast %add3A_68 : i32 to index
        %get3A_69 = tpu.vector_load %arg6[%get3A] {strides = array<i32>} : memref<12544xf32, #tpu.memory_space<vmem>>, vector<16xf32>,
        %exp3A = math.exp %get3A_69 : vector<16xf32>
        %mul3A_70 = arith.constant 16 : i32
        %mul3A_71 = arith.muli %scan3A_63, %mul3A_70 : i32
        %get3A_72 = arith.index_cast %mul3A_71 : i32 to index
        %get3A_73 = tpu.vector_load %arg7[%get3A_72] {strides = array<i32>} : memref<3136xi32, #tpu.memory_space<vmem>>, vector<16xi32>,
        %add3A_74 = arith.constant 512 : i32
        %add3A_75 = vector.broadcast %add3A_74 : i32 to vector<16xi32>
        %add3A_76 = arith.addi %get3A_73, %add3A_75 : vector<16xi32>
        %gather3A = tpu.vector_load_idx %arg9[%add3A_76] : memref<2048xf32, #tpu.memory_space<vmem>>[vector<16xi32>], vector<16xf32>,
        %add3A_77 = arith.constant 1.000000e-16 : f32
        %add3A_78 = vector.broadcast %add3A_77 : f32 to vector<16xf32>
        %add3A_79 = arith.addf %gather3A, %add3A_78 : vector<16xf32>
        %div3A = arith.divf %exp3A, %add3A_79 : vector<16xf32>
        %mul3A_80 = arith.constant 16 : i32
        %mul3A_81 = arith.muli %scan3A_63, %mul3A_80 : i32
        %add3A_82 = arith.constant 3136 : i32
        %add3A_83 = arith.addi %add3A_82, %mul3A_81 : i32
        %swap3A = arith.index_cast %add3A_83 : i32 to index
        %swap3A_84 = tpu.vector_load %arg8[%swap3A] {strides = array<i32>} : memref<12544xf32, #tpu.memory_space<vmem>>, vector<16xf32>,
        tpu.vector_store %arg8[%swap3A], %div3A {strides = array<i32>} : memref<12544xf32, #tpu.memory_space<vmem>>, vector<16xf32>,
        %scan3A_85 = arith.constant 0 : i32
        scf.yield %scan3A_85 : i32
      }
      %scan3A_40 = arith.constant 196 : i32
      %scan3A_41 = arith.constant 0 : i32
      %scan3A_42 = arith.constant 0 : i32
      %scan3A_43 = arith.constant 196 : i32
      %scan3A_44 = arith.addi %scan3A_42, %scan3A_43 : i32
      %scan3A_45 = arith.constant 1 : i32
      %scan3A_46 = scf.for %scan3A_63 = %scan3A_42 to %scan3A_44 step %scan3A_45 iter_args(%scan3A_64 = %scan3A_41) -> (i32)  : i32 {
        %mul3A_65 = arith.constant 16 : i32
        %mul3A_66 = arith.muli %scan3A_63, %mul3A_65 : i32
        %add3A_67 = arith.constant 6272 : i32
        %add3A_68 = arith.addi %add3A_67, %mul3A_66 : i32
        %get3A = arith.index_cast %add3A_68 : i32 to index
        %get3A_69 = tpu.vector_load %arg6[%get3A] {strides = array<i32>} : memref<12544xf32, #tpu.memory_space<vmem>>, vector<16xf32>,
        %exp3A = math.exp %get3A_69 : vector<16xf32>
        %mul3A_70 = arith.constant 16 : i32
        %mul3A_71 = arith.muli %scan3A_63, %mul3A_70 : i32
        %get3A_72 = arith.index_cast %mul3A_71 : i32 to index
        %get3A_73 = tpu.vector_load %arg7[%get3A_72] {strides = array<i32>} : memref<3136xi32, #tpu.memory_space<vmem>>, vector<16xi32>,
        %add3A_74 = arith.constant 1024 : i32
        %add3A_75 = vector.broadcast %add3A_74 : i32 to vector<16xi32>
        %add3A_76 = arith.addi %get3A_73, %add3A_75 : vector<16xi32>
        %gather3A = tpu.vector_load_idx %arg9[%add3A_76] : memref<2048xf32, #tpu.memory_space<vmem>>[vector<16xi32>], vector<16xf32>,
        %add3A_77 = arith.constant 1.000000e-16 : f32
        %add3A_78 = vector.broadcast %add3A_77 : f32 to vector<16xf32>
        %add3A_79 = arith.addf %gather3A, %add3A_78 : vector<16xf32>
        %div3A = arith.divf %exp3A, %add3A_79 : vector<16xf32>
        %mul3A_80 = arith.constant 16 : i32
        %mul3A_81 = arith.muli %scan3A_63, %mul3A_80 : i32
        %add3A_82 = arith.constant 6272 : i32
        %add3A_83 = arith.addi %add3A_82, %mul3A_81 : i32
        %swap3A = arith.index_cast %add3A_83 : i32 to index
        %swap3A_84 = tpu.vector_load %arg8[%swap3A] {strides = array<i32>} : memref<12544xf32, #tpu.memory_space<vmem>>, vector<16xf32>,
        tpu.vector_store %arg8[%swap3A], %div3A {strides = array<i32>} : memref<12544xf32, #tpu.memory_space<vmem>>, vector<16xf32>,
        %scan3A_85 = arith.constant 0 : i32
        scf.yield %scan3A_85 : i32
      }
      %scan3A_47 = arith.constant 196 : i32
      %scan3A_48 = arith.constant 0 : i32
      %scan3A_49 = arith.constant 0 : i32
      %scan3A_50 = arith.constant 196 : i32
      %scan3A_51 = arith.addi %scan3A_49, %scan3A_50 : i32
      %scan3A_52 = arith.constant 1 : i32
      %scan3A_53 = scf.for %scan3A_63 = %scan3A_49 to %scan3A_51 step %scan3A_52 iter_args(%scan3A_64 = %scan3A_48) -> (i32)  : i32 {
        %mul3A_65 = arith.constant 16 : i32
        %mul3A_66 = arith.muli %scan3A_63, %mul3A_65 : i32
        %add3A_67 = arith.constant 9408 : i32
        %add3A_68 = arith.addi %add3A_67, %mul3A_66 : i32
        %get3A = arith.index_cast %add3A_68 : i32 to index
        %get3A_69 = tpu.vector_load %arg6[%get3A] {strides = array<i32>} : memref<12544xf32, #tpu.memory_space<vmem>>, vector<16xf32>,
        %exp3A = math.exp %get3A_69 : vector<16xf32>
        %mul3A_70 = arith.constant 16 : i32
        %mul3A_71 = arith.muli %scan3A_63, %mul3A_70 : i32
        %get3A_72 = arith.index_cast %mul3A_71 : i32 to index
        %get3A_73 = tpu.vector_load %arg7[%get3A_72] {strides = array<i32>} : memref<3136xi32, #tpu.memory_space<vmem>>, vector<16xi32>,
        %add3A_74 = arith.constant 1536 : i32
        %add3A_75 = vector.broadcast %add3A_74 : i32 to vector<16xi32>
        %add3A_76 = arith.addi %get3A_73, %add3A_75 : vector<16xi32>
        %gather3A = tpu.vector_load_idx %arg9[%add3A_76] : memref<2048xf32, #tpu.memory_space<vmem>>[vector<16xi32>], vector<16xf32>,
        %add3A_77 = arith.constant 1.000000e-16 : f32
        %add3A_78 = vector.broadcast %add3A_77 : f32 to vector<16xf32>
        %add3A_79 = arith.addf %gather3A, %add3A_78 : vector<16xf32>
        %div3A = arith.divf %exp3A, %add3A_79 : vector<16xf32>
        %mul3A_80 = arith.constant 16 : i32
        %mul3A_81 = arith.muli %scan3A_63, %mul3A_80 : i32
        %add3A_82 = arith.constant 9408 : i32
        %add3A_83 = arith.addi %add3A_82, %mul3A_81 : i32
        %swap3A = arith.index_cast %add3A_83 : i32 to index
        %swap3A_84 = tpu.vector_load %arg8[%swap3A] {strides = array<i32>} : memref<12544xf32, #tpu.memory_space<vmem>>, vector<16xf32>,
        tpu.vector_store %arg8[%swap3A], %div3A {strides = array<i32>} : memref<12544xf32, #tpu.memory_space<vmem>>, vector<16xf32>,
        %scan3A_85 = arith.constant 0 : i32
        scf.yield %scan3A_85 : i32
      }
      %scan3A_54 = arith.constant 196 : i32
      %add3A_55 = arith.constant 0 : i32
      %add3A_56 = arith.addi %add3A_55, %mul3A_6 : i32
      "tpu.region"() ({
        %run_scoped3A = tpu.sem_alloc : memref<!tpu.dma_semaphore, #tpu.memory_space<semaphore_mem>>
        %dma_start3A = arith.constant 0 : i32
        %dma_start3A_63 = tpu.memref_slice %arg8[%dma_start3A] : memref<12544xf32, #tpu.memory_space<vmem>> -> memref<3136xf32, #tpu.memory_space<vmem>>
        %dma_start3A_64 = tpu.memref_slice %arg5[%add3A_56] : memref<409600xf32, #tpu.memory_space<hbm>> -> memref<3136xf32, #tpu.memory_space<hbm>>
        %dma_start3A_65 = tpu.memref_slice %arg5[%add3A_56] : memref<409600xf32, #tpu.memory_space<hbm>> -> memref<3136xf32, #tpu.memory_space<hbm>>
        %dma_start3A_66 = arith.constant 0 : i32
        %dma_start3A_67 = tpu.memref_slice %arg8[%dma_start3A_66] : memref<12544xf32, #tpu.memory_space<vmem>> -> memref<3136xf32, #tpu.memory_space<vmem>>
        tpu.enqueue_dma source(%dma_start3A_67 : memref<3136xf32, #tpu.memory_space<vmem>>) target(%dma_start3A_65 : memref<3136xf32, #tpu.memory_space<hbm>>) target_semaphore(%run_scoped3A : memref<!tpu.dma_semaphore, #tpu.memory_space<semaphore_mem>>)
        %dma_wait3A = arith.constant 0 : i32
        %dma_wait3A_68 = tpu.memref_slice %arg8[%dma_wait3A] : memref<12544xf32, #tpu.memory_space<vmem>> -> memref<3136xf32, #tpu.memory_space<vmem>>
        %dma_wait3A_69 = tpu.memref_slice %arg5[%add3A_56] : memref<409600xf32, #tpu.memory_space<hbm>> -> memref<3136xf32, #tpu.memory_space<hbm>>
        %dma_wait3A_70 = tpu.memref_slice %arg5[%add3A_56] : memref<409600xf32, #tpu.memory_space<hbm>> -> memref<3136xf32, #tpu.memory_space<hbm>>
        %dma_wait3A_71 = arith.constant 0 : i32
        %dma_wait3A_72 = tpu.memref_slice %arg8[%dma_wait3A_71] : memref<12544xf32, #tpu.memory_space<vmem>> -> memref<3136xf32, #tpu.memory_space<vmem>>
        tpu.wait_dma2 semaphore(%run_scoped3A : memref<!tpu.dma_semaphore, #tpu.memory_space<semaphore_mem>>) src(%dma_wait3A_72 : memref<3136xf32, #tpu.memory_space<vmem>>) dst(%dma_wait3A_70 : memref<3136xf32, #tpu.memory_space<hbm>>)
        tpu.yield
      }) : () -> ()
      %add3A_57 = arith.constant 102400 : i32
      %add3A_58 = arith.addi %add3A_57, %mul3A_6 : i32
      "tpu.region"() ({
        %run_scoped3A = tpu.sem_alloc : memref<!tpu.dma_semaphore, #tpu.memory_space<semaphore_mem>>
        %dma_start3A = arith.constant 3136 : i32
        %dma_start3A_63 = tpu.memref_slice %arg8[%dma_start3A] : memref<12544xf32, #tpu.memory_space<vmem>> -> memref<3136xf32, #tpu.memory_space<vmem>>
        %dma_start3A_64 = tpu.memref_slice %arg5[%add3A_58] : memref<409600xf32, #tpu.memory_space<hbm>> -> memref<3136xf32, #tpu.memory_space<hbm>>
        %dma_start3A_65 = tpu.memref_slice %arg5[%add3A_58] : memref<409600xf32, #tpu.memory_space<hbm>> -> memref<3136xf32, #tpu.memory_space<hbm>>
        %dma_start3A_66 = arith.constant 3136 : i32
        %dma_start3A_67 = tpu.memref_slice %arg8[%dma_start3A_66] : memref<12544xf32, #tpu.memory_space<vmem>> -> memref<3136xf32, #tpu.memory_space<vmem>>
        tpu.enqueue_dma source(%dma_start3A_67 : memref<3136xf32, #tpu.memory_space<vmem>>) target(%dma_start3A_65 : memref<3136xf32, #tpu.memory_space<hbm>>) target_semaphore(%run_scoped3A : memref<!tpu.dma_semaphore, #tpu.memory_space<semaphore_mem>>)
        %dma_wait3A = arith.constant 3136 : i32
        %dma_wait3A_68 = tpu.memref_slice %arg8[%dma_wait3A] : memref<12544xf32, #tpu.memory_space<vmem>> -> memref<3136xf32, #tpu.memory_space<vmem>>
        %dma_wait3A_69 = tpu.memref_slice %arg5[%add3A_58] : memref<409600xf32, #tpu.memory_space<hbm>> -> memref<3136xf32, #tpu.memory_space<hbm>>
        %dma_wait3A_70 = tpu.memref_slice %arg5[%add3A_58] : memref<409600xf32, #tpu.memory_space<hbm>> -> memref<3136xf32, #tpu.memory_space<hbm>>
        %dma_wait3A_71 = arith.constant 3136 : i32
        %dma_wait3A_72 = tpu.memref_slice %arg8[%dma_wait3A_71] : memref<12544xf32, #tpu.memory_space<vmem>> -> memref<3136xf32, #tpu.memory_space<vmem>>
        tpu.wait_dma2 semaphore(%run_scoped3A : memref<!tpu.dma_semaphore, #tpu.memory_space<semaphore_mem>>) src(%dma_wait3A_72 : memref<3136xf32, #tpu.memory_space<vmem>>) dst(%dma_wait3A_70 : memref<3136xf32, #tpu.memory_space<hbm>>)
        tpu.yield
      }) : () -> ()
      %add3A_59 = arith.constant 204800 : i32
      %add3A_60 = arith.addi %add3A_59, %mul3A_6 : i32
      "tpu.region"() ({
        %run_scoped3A = tpu.sem_alloc : memref<!tpu.dma_semaphore, #tpu.memory_space<semaphore_mem>>
        %dma_start3A = arith.constant 6272 : i32
        %dma_start3A_63 = tpu.memref_slice %arg8[%dma_start3A] : memref<12544xf32, #tpu.memory_space<vmem>> -> memref<3136xf32, #tpu.memory_space<vmem>>
        %dma_start3A_64 = tpu.memref_slice %arg5[%add3A_60] : memref<409600xf32, #tpu.memory_space<hbm>> -> memref<3136xf32, #tpu.memory_space<hbm>>
        %dma_start3A_65 = tpu.memref_slice %arg5[%add3A_60] : memref<409600xf32, #tpu.memory_space<hbm>> -> memref<3136xf32, #tpu.memory_space<hbm>>
        %dma_start3A_66 = arith.constant 6272 : i32
        %dma_start3A_67 = tpu.memref_slice %arg8[%dma_start3A_66] : memref<12544xf32, #tpu.memory_space<vmem>> -> memref<3136xf32, #tpu.memory_space<vmem>>
        tpu.enqueue_dma source(%dma_start3A_67 : memref<3136xf32, #tpu.memory_space<vmem>>) target(%dma_start3A_65 : memref<3136xf32, #tpu.memory_space<hbm>>) target_semaphore(%run_scoped3A : memref<!tpu.dma_semaphore, #tpu.memory_space<semaphore_mem>>)
        %dma_wait3A = arith.constant 6272 : i32
        %dma_wait3A_68 = tpu.memref_slice %arg8[%dma_wait3A] : memref<12544xf32, #tpu.memory_space<vmem>> -> memref<3136xf32, #tpu.memory_space<vmem>>
        %dma_wait3A_69 = tpu.memref_slice %arg5[%add3A_60] : memref<409600xf32, #tpu.memory_space<hbm>> -> memref<3136xf32, #tpu.memory_space<hbm>>
        %dma_wait3A_70 = tpu.memref_slice %arg5[%add3A_60] : memref<409600xf32, #tpu.memory_space<hbm>> -> memref<3136xf32, #tpu.memory_space<hbm>>
        %dma_wait3A_71 = arith.constant 6272 : i32
        %dma_wait3A_72 = tpu.memref_slice %arg8[%dma_wait3A_71] : memref<12544xf32, #tpu.memory_space<vmem>> -> memref<3136xf32, #tpu.memory_space<vmem>>
        tpu.wait_dma2 semaphore(%run_scoped3A : memref<!tpu.dma_semaphore, #tpu.memory_space<semaphore_mem>>) src(%dma_wait3A_72 : memref<3136xf32, #tpu.memory_space<vmem>>) dst(%dma_wait3A_70 : memref<3136xf32, #tpu.memory_space<hbm>>)
        tpu.yield
      }) : () -> ()
      %add3A_61 = arith.constant 307200 : i32
      %add3A_62 = arith.addi %add3A_61, %mul3A_6 : i32
      "tpu.region"() ({
        %run_scoped3A = tpu.sem_alloc : memref<!tpu.dma_semaphore, #tpu.memory_space<semaphore_mem>>
        %dma_start3A = arith.constant 9408 : i32
        %dma_start3A_63 = tpu.memref_slice %arg8[%dma_start3A] : memref<12544xf32, #tpu.memory_space<vmem>> -> memref<3136xf32, #tpu.memory_space<vmem>>
        %dma_start3A_64 = tpu.memref_slice %arg5[%add3A_62] : memref<409600xf32, #tpu.memory_space<hbm>> -> memref<3136xf32, #tpu.memory_space<hbm>>
        %dma_start3A_65 = tpu.memref_slice %arg5[%add3A_62] : memref<409600xf32, #tpu.memory_space<hbm>> -> memref<3136xf32, #tpu.memory_space<hbm>>
        %dma_start3A_66 = arith.constant 9408 : i32
        %dma_start3A_67 = tpu.memref_slice %arg8[%dma_start3A_66] : memref<12544xf32, #tpu.memory_space<vmem>> -> memref<3136xf32, #tpu.memory_space<vmem>>
        tpu.enqueue_dma source(%dma_start3A_67 : memref<3136xf32, #tpu.memory_space<vmem>>) target(%dma_start3A_65 : memref<3136xf32, #tpu.memory_space<hbm>>) target_semaphore(%run_scoped3A : memref<!tpu.dma_semaphore, #tpu.memory_space<semaphore_mem>>)
        %dma_wait3A = arith.constant 9408 : i32
        %dma_wait3A_68 = tpu.memref_slice %arg8[%dma_wait3A] : memref<12544xf32, #tpu.memory_space<vmem>> -> memref<3136xf32, #tpu.memory_space<vmem>>
        %dma_wait3A_69 = tpu.memref_slice %arg5[%add3A_62] : memref<409600xf32, #tpu.memory_space<hbm>> -> memref<3136xf32, #tpu.memory_space<hbm>>
        %dma_wait3A_70 = tpu.memref_slice %arg5[%add3A_62] : memref<409600xf32, #tpu.memory_space<hbm>> -> memref<3136xf32, #tpu.memory_space<hbm>>
        %dma_wait3A_71 = arith.constant 9408 : i32
        %dma_wait3A_72 = tpu.memref_slice %arg8[%dma_wait3A_71] : memref<12544xf32, #tpu.memory_space<vmem>> -> memref<3136xf32, #tpu.memory_space<vmem>>
        tpu.wait_dma2 semaphore(%run_scoped3A : memref<!tpu.dma_semaphore, #tpu.memory_space<semaphore_mem>>) src(%dma_wait3A_72 : memref<3136xf32, #tpu.memory_space<vmem>>) dst(%dma_wait3A_70 : memref<3136xf32, #tpu.memory_space<hbm>>)
        tpu.yield
      }) : () -> ()
    } else {
    }
    %ge3A = arith.constant 21 : i32
    %ge3A_15 = arith.cmpi sge, %add3A, %ge3A : i32
    %convert_element_type3A_16 = arith.extui %ge3A_15 : i1 to i32
    %cond3A_17 = arith.constant 0 : i32
    %cond3A_18 = arith.cmpi ne, %convert_element_type3A_16, %cond3A_17 : i32
    scf.if %cond3A_18 {
      "tpu.region"() ({
        %run_scoped3A = tpu.sem_alloc : memref<!tpu.dma_semaphore, #tpu.memory_space<semaphore_mem>>
        %dma_start3A = arith.constant 0 : i32
        %dma_start3A_63 = tpu.memref_slice %arg7[%dma_start3A] : memref<3136xi32, #tpu.memory_space<vmem>> -> memref<3104xi32, #tpu.memory_space<vmem>>
        %dma_start3A_64 = tpu.memref_slice %arg3[%mul3A_6] : memref<100000xi32, #tpu.memory_space<hbm>> -> memref<3104xi32, #tpu.memory_space<hbm>>
        %dma_start3A_65 = arith.constant 0 : i32
        %dma_start3A_66 = tpu.memref_slice %arg7[%dma_start3A_65] : memref<3136xi32, #tpu.memory_space<vmem>> -> memref<3104xi32, #tpu.memory_space<vmem>>
        %dma_start3A_67 = tpu.memref_slice %arg3[%mul3A_6] : memref<100000xi32, #tpu.memory_space<hbm>> -> memref<3104xi32, #tpu.memory_space<hbm>>
        tpu.enqueue_dma source(%dma_start3A_67 : memref<3104xi32, #tpu.memory_space<hbm>>) target(%dma_start3A_66 : memref<3104xi32, #tpu.memory_space<vmem>>) target_semaphore(%run_scoped3A : memref<!tpu.dma_semaphore, #tpu.memory_space<semaphore_mem>>)
        %dma_wait3A = arith.constant 0 : i32
        %dma_wait3A_68 = tpu.memref_slice %arg7[%dma_wait3A] : memref<3136xi32, #tpu.memory_space<vmem>> -> memref<3104xi32, #tpu.memory_space<vmem>>
        %dma_wait3A_69 = tpu.memref_slice %arg3[%mul3A_6] : memref<100000xi32, #tpu.memory_space<hbm>> -> memref<3104xi32, #tpu.memory_space<hbm>>
        %dma_wait3A_70 = arith.constant 0 : i32
        %dma_wait3A_71 = tpu.memref_slice %arg7[%dma_wait3A_70] : memref<3136xi32, #tpu.memory_space<vmem>> -> memref<3104xi32, #tpu.memory_space<vmem>>
        %dma_wait3A_72 = tpu.memref_slice %arg3[%mul3A_6] : memref<100000xi32, #tpu.memory_space<hbm>> -> memref<3104xi32, #tpu.memory_space<hbm>>
        tpu.wait_dma2 semaphore(%run_scoped3A : memref<!tpu.dma_semaphore, #tpu.memory_space<semaphore_mem>>) src(%dma_wait3A_72 : memref<3104xi32, #tpu.memory_space<hbm>>) dst(%dma_wait3A_71 : memref<3104xi32, #tpu.memory_space<vmem>>)
        tpu.yield
      }) : () -> ()
      %add3A_19 = arith.constant 0 : i32
      %add3A_20 = arith.addi %add3A_19, %mul3A_6 : i32
      "tpu.region"() ({
        %run_scoped3A = tpu.sem_alloc : memref<!tpu.dma_semaphore, #tpu.memory_space<semaphore_mem>>
        %dma_start3A = arith.constant 0 : i32
        %dma_start3A_63 = tpu.memref_slice %arg6[%dma_start3A] : memref<12544xf32, #tpu.memory_space<vmem>> -> memref<3104xf32, #tpu.memory_space<vmem>>
        %dma_start3A_64 = tpu.memref_slice %arg2[%add3A_20] : memref<409600xf32, #tpu.memory_space<hbm>> -> memref<3104xf32, #tpu.memory_space<hbm>>
        %dma_start3A_65 = arith.constant 0 : i32
        %dma_start3A_66 = tpu.memref_slice %arg6[%dma_start3A_65] : memref<12544xf32, #tpu.memory_space<vmem>> -> memref<3104xf32, #tpu.memory_space<vmem>>
        %dma_start3A_67 = tpu.memref_slice %arg2[%add3A_20] : memref<409600xf32, #tpu.memory_space<hbm>> -> memref<3104xf32, #tpu.memory_space<hbm>>
        tpu.enqueue_dma source(%dma_start3A_67 : memref<3104xf32, #tpu.memory_space<hbm>>) target(%dma_start3A_66 : memref<3104xf32, #tpu.memory_space<vmem>>) target_semaphore(%run_scoped3A : memref<!tpu.dma_semaphore, #tpu.memory_space<semaphore_mem>>)
        %dma_wait3A = arith.constant 0 : i32
        %dma_wait3A_68 = tpu.memref_slice %arg6[%dma_wait3A] : memref<12544xf32, #tpu.memory_space<vmem>> -> memref<3104xf32, #tpu.memory_space<vmem>>
        %dma_wait3A_69 = tpu.memref_slice %arg2[%add3A_20] : memref<409600xf32, #tpu.memory_space<hbm>> -> memref<3104xf32, #tpu.memory_space<hbm>>
        %dma_wait3A_70 = arith.constant 0 : i32
        %dma_wait3A_71 = tpu.memref_slice %arg6[%dma_wait3A_70] : memref<12544xf32, #tpu.memory_space<vmem>> -> memref<3104xf32, #tpu.memory_space<vmem>>
        %dma_wait3A_72 = tpu.memref_slice %arg2[%add3A_20] : memref<409600xf32, #tpu.memory_space<hbm>> -> memref<3104xf32, #tpu.memory_space<hbm>>
        tpu.wait_dma2 semaphore(%run_scoped3A : memref<!tpu.dma_semaphore, #tpu.memory_space<semaphore_mem>>) src(%dma_wait3A_72 : memref<3104xf32, #tpu.memory_space<hbm>>) dst(%dma_wait3A_71 : memref<3104xf32, #tpu.memory_space<vmem>>)
        tpu.yield
      }) : () -> ()
      %add3A_21 = arith.constant 102400 : i32
      %add3A_22 = arith.addi %add3A_21, %mul3A_6 : i32
      "tpu.region"() ({
        %run_scoped3A = tpu.sem_alloc : memref<!tpu.dma_semaphore, #tpu.memory_space<semaphore_mem>>
        %dma_start3A = arith.constant 3136 : i32
        %dma_start3A_63 = tpu.memref_slice %arg6[%dma_start3A] : memref<12544xf32, #tpu.memory_space<vmem>> -> memref<3104xf32, #tpu.memory_space<vmem>>
        %dma_start3A_64 = tpu.memref_slice %arg2[%add3A_22] : memref<409600xf32, #tpu.memory_space<hbm>> -> memref<3104xf32, #tpu.memory_space<hbm>>
        %dma_start3A_65 = arith.constant 3136 : i32
        %dma_start3A_66 = tpu.memref_slice %arg6[%dma_start3A_65] : memref<12544xf32, #tpu.memory_space<vmem>> -> memref<3104xf32, #tpu.memory_space<vmem>>
        %dma_start3A_67 = tpu.memref_slice %arg2[%add3A_22] : memref<409600xf32, #tpu.memory_space<hbm>> -> memref<3104xf32, #tpu.memory_space<hbm>>
        tpu.enqueue_dma source(%dma_start3A_67 : memref<3104xf32, #tpu.memory_space<hbm>>) target(%dma_start3A_66 : memref<3104xf32, #tpu.memory_space<vmem>>) target_semaphore(%run_scoped3A : memref<!tpu.dma_semaphore, #tpu.memory_space<semaphore_mem>>)
        %dma_wait3A = arith.constant 3136 : i32
        %dma_wait3A_68 = tpu.memref_slice %arg6[%dma_wait3A] : memref<12544xf32, #tpu.memory_space<vmem>> -> memref<3104xf32, #tpu.memory_space<vmem>>
        %dma_wait3A_69 = tpu.memref_slice %arg2[%add3A_22] : memref<409600xf32, #tpu.memory_space<hbm>> -> memref<3104xf32, #tpu.memory_space<hbm>>
        %dma_wait3A_70 = arith.constant 3136 : i32
        %dma_wait3A_71 = tpu.memref_slice %arg6[%dma_wait3A_70] : memref<12544xf32, #tpu.memory_space<vmem>> -> memref<3104xf32, #tpu.memory_space<vmem>>
        %dma_wait3A_72 = tpu.memref_slice %arg2[%add3A_22] : memref<409600xf32, #tpu.memory_space<hbm>> -> memref<3104xf32, #tpu.memory_space<hbm>>
        tpu.wait_dma2 semaphore(%run_scoped3A : memref<!tpu.dma_semaphore, #tpu.memory_space<semaphore_mem>>) src(%dma_wait3A_72 : memref<3104xf32, #tpu.memory_space<hbm>>) dst(%dma_wait3A_71 : memref<3104xf32, #tpu.memory_space<vmem>>)
        tpu.yield
      }) : () -> ()
      %add3A_23 = arith.constant 204800 : i32
      %add3A_24 = arith.addi %add3A_23, %mul3A_6 : i32
      "tpu.region"() ({
        %run_scoped3A = tpu.sem_alloc : memref<!tpu.dma_semaphore, #tpu.memory_space<semaphore_mem>>
        %dma_start3A = arith.constant 6272 : i32
        %dma_start3A_63 = tpu.memref_slice %arg6[%dma_start3A] : memref<12544xf32, #tpu.memory_space<vmem>> -> memref<3104xf32, #tpu.memory_space<vmem>>
        %dma_start3A_64 = tpu.memref_slice %arg2[%add3A_24] : memref<409600xf32, #tpu.memory_space<hbm>> -> memref<3104xf32, #tpu.memory_space<hbm>>
        %dma_start3A_65 = arith.constant 6272 : i32
        %dma_start3A_66 = tpu.memref_slice %arg6[%dma_start3A_65] : memref<12544xf32, #tpu.memory_space<vmem>> -> memref<3104xf32, #tpu.memory_space<vmem>>
        %dma_start3A_67 = tpu.memref_slice %arg2[%add3A_24] : memref<409600xf32, #tpu.memory_space<hbm>> -> memref<3104xf32, #tpu.memory_space<hbm>>
        tpu.enqueue_dma source(%dma_start3A_67 : memref<3104xf32, #tpu.memory_space<hbm>>) target(%dma_start3A_66 : memref<3104xf32, #tpu.memory_space<vmem>>) target_semaphore(%run_scoped3A : memref<!tpu.dma_semaphore, #tpu.memory_space<semaphore_mem>>)
        %dma_wait3A = arith.constant 6272 : i32
        %dma_wait3A_68 = tpu.memref_slice %arg6[%dma_wait3A] : memref<12544xf32, #tpu.memory_space<vmem>> -> memref<3104xf32, #tpu.memory_space<vmem>>
        %dma_wait3A_69 = tpu.memref_slice %arg2[%add3A_24] : memref<409600xf32, #tpu.memory_space<hbm>> -> memref<3104xf32, #tpu.memory_space<hbm>>
        %dma_wait3A_70 = arith.constant 6272 : i32
        %dma_wait3A_71 = tpu.memref_slice %arg6[%dma_wait3A_70] : memref<12544xf32, #tpu.memory_space<vmem>> -> memref<3104xf32, #tpu.memory_space<vmem>>
        %dma_wait3A_72 = tpu.memref_slice %arg2[%add3A_24] : memref<409600xf32, #tpu.memory_space<hbm>> -> memref<3104xf32, #tpu.memory_space<hbm>>
        tpu.wait_dma2 semaphore(%run_scoped3A : memref<!tpu.dma_semaphore, #tpu.memory_space<semaphore_mem>>) src(%dma_wait3A_72 : memref<3104xf32, #tpu.memory_space<hbm>>) dst(%dma_wait3A_71 : memref<3104xf32, #tpu.memory_space<vmem>>)
        tpu.yield
      }) : () -> ()
      %add3A_25 = arith.constant 307200 : i32
      %add3A_26 = arith.addi %add3A_25, %mul3A_6 : i32
      "tpu.region"() ({
        %run_scoped3A = tpu.sem_alloc : memref<!tpu.dma_semaphore, #tpu.memory_space<semaphore_mem>>
        %dma_start3A = arith.constant 9408 : i32
        %dma_start3A_63 = tpu.memref_slice %arg6[%dma_start3A] : memref<12544xf32, #tpu.memory_space<vmem>> -> memref<3104xf32, #tpu.memory_space<vmem>>
        %dma_start3A_64 = tpu.memref_slice %arg2[%add3A_26] : memref<409600xf32, #tpu.memory_space<hbm>> -> memref<3104xf32, #tpu.memory_space<hbm>>
        %dma_start3A_65 = arith.constant 9408 : i32
        %dma_start3A_66 = tpu.memref_slice %arg6[%dma_start3A_65] : memref<12544xf32, #tpu.memory_space<vmem>> -> memref<3104xf32, #tpu.memory_space<vmem>>
        %dma_start3A_67 = tpu.memref_slice %arg2[%add3A_26] : memref<409600xf32, #tpu.memory_space<hbm>> -> memref<3104xf32, #tpu.memory_space<hbm>>
        tpu.enqueue_dma source(%dma_start3A_67 : memref<3104xf32, #tpu.memory_space<hbm>>) target(%dma_start3A_66 : memref<3104xf32, #tpu.memory_space<vmem>>) target_semaphore(%run_scoped3A : memref<!tpu.dma_semaphore, #tpu.memory_space<semaphore_mem>>)
        %dma_wait3A = arith.constant 9408 : i32
        %dma_wait3A_68 = tpu.memref_slice %arg6[%dma_wait3A] : memref<12544xf32, #tpu.memory_space<vmem>> -> memref<3104xf32, #tpu.memory_space<vmem>>
        %dma_wait3A_69 = tpu.memref_slice %arg2[%add3A_26] : memref<409600xf32, #tpu.memory_space<hbm>> -> memref<3104xf32, #tpu.memory_space<hbm>>
        %dma_wait3A_70 = arith.constant 9408 : i32
        %dma_wait3A_71 = tpu.memref_slice %arg6[%dma_wait3A_70] : memref<12544xf32, #tpu.memory_space<vmem>> -> memref<3104xf32, #tpu.memory_space<vmem>>
        %dma_wait3A_72 = tpu.memref_slice %arg2[%add3A_26] : memref<409600xf32, #tpu.memory_space<hbm>> -> memref<3104xf32, #tpu.memory_space<hbm>>
        tpu.wait_dma2 semaphore(%run_scoped3A : memref<!tpu.dma_semaphore, #tpu.memory_space<semaphore_mem>>) src(%dma_wait3A_72 : memref<3104xf32, #tpu.memory_space<hbm>>) dst(%dma_wait3A_71 : memref<3104xf32, #tpu.memory_space<vmem>>)
        tpu.yield
      }) : () -> ()
      %scan3A_27 = arith.constant 0 : i32
      %scan3A_28 = arith.constant 0 : i32
      %scan3A_29 = arith.constant 194 : i32
      %scan3A_30 = arith.addi %scan3A_28, %scan3A_29 : i32
      %scan3A_31 = arith.constant 1 : i32
      %scan3A_32 = scf.for %scan3A_63 = %scan3A_28 to %scan3A_30 step %scan3A_31 iter_args(%scan3A_64 = %scan3A_27) -> (i32)  : i32 {
        %mul3A_65 = arith.constant 16 : i32
        %mul3A_66 = arith.muli %scan3A_63, %mul3A_65 : i32
        %add3A_67 = arith.constant 0 : i32
        %add3A_68 = arith.addi %add3A_67, %mul3A_66 : i32
        %get3A = arith.index_cast %add3A_68 : i32 to index
        %get3A_69 = tpu.vector_load %arg6[%get3A] {strides = array<i32>} : memref<12544xf32, #tpu.memory_space<vmem>>, vector<16xf32>,
        %exp3A = math.exp %get3A_69 : vector<16xf32>
        %mul3A_70 = arith.constant 16 : i32
        %mul3A_71 = arith.muli %scan3A_63, %mul3A_70 : i32
        %get3A_72 = arith.index_cast %mul3A_71 : i32 to index
        %get3A_73 = tpu.vector_load %arg7[%get3A_72] {strides = array<i32>} : memref<3136xi32, #tpu.memory_space<vmem>>, vector<16xi32>,
        %add3A_74 = arith.constant 0 : i32
        %add3A_75 = vector.broadcast %add3A_74 : i32 to vector<16xi32>
        %add3A_76 = arith.addi %get3A_73, %add3A_75 : vector<16xi32>
        %gather3A = tpu.vector_load_idx %arg9[%add3A_76] : memref<2048xf32, #tpu.memory_space<vmem>>[vector<16xi32>], vector<16xf32>,
        %add3A_77 = arith.constant 1.000000e-16 : f32
        %add3A_78 = vector.broadcast %add3A_77 : f32 to vector<16xf32>
        %add3A_79 = arith.addf %gather3A, %add3A_78 : vector<16xf32>
        %div3A = arith.divf %exp3A, %add3A_79 : vector<16xf32>
        %mul3A_80 = arith.constant 16 : i32
        %mul3A_81 = arith.muli %scan3A_63, %mul3A_80 : i32
        %add3A_82 = arith.constant 0 : i32
        %add3A_83 = arith.addi %add3A_82, %mul3A_81 : i32
        %swap3A = arith.index_cast %add3A_83 : i32 to index
        %swap3A_84 = tpu.vector_load %arg8[%swap3A] {strides = array<i32>} : memref<12544xf32, #tpu.memory_space<vmem>>, vector<16xf32>,
        tpu.vector_store %arg8[%swap3A], %div3A {strides = array<i32>} : memref<12544xf32, #tpu.memory_space<vmem>>, vector<16xf32>,
        %scan3A_85 = arith.constant 0 : i32
        scf.yield %scan3A_85 : i32
      }
      %scan3A_33 = arith.constant 194 : i32
      %scan3A_34 = arith.constant 0 : i32
      %scan3A_35 = arith.constant 0 : i32
      %scan3A_36 = arith.constant 194 : i32
      %scan3A_37 = arith.addi %scan3A_35, %scan3A_36 : i32
      %scan3A_38 = arith.constant 1 : i32
      %scan3A_39 = scf.for %scan3A_63 = %scan3A_35 to %scan3A_37 step %scan3A_38 iter_args(%scan3A_64 = %scan3A_34) -> (i32)  : i32 {
        %mul3A_65 = arith.constant 16 : i32
        %mul3A_66 = arith.muli %scan3A_63, %mul3A_65 : i32
        %add3A_67 = arith.constant 3136 : i32
        %add3A_68 = arith.addi %add3A_67, %mul3A_66 : i32
        %get3A = arith.index_cast %add3A_68 : i32 to index
        %get3A_69 = tpu.vector_load %arg6[%get3A] {strides = array<i32>} : memref<12544xf32, #tpu.memory_space<vmem>>, vector<16xf32>,
        %exp3A = math.exp %get3A_69 : vector<16xf32>
        %mul3A_70 = arith.constant 16 : i32
        %mul3A_71 = arith.muli %scan3A_63, %mul3A_70 : i32
        %get3A_72 = arith.index_cast %mul3A_71 : i32 to index
        %get3A_73 = tpu.vector_load %arg7[%get3A_72] {strides = array<i32>} : memref<3136xi32, #tpu.memory_space<vmem>>, vector<16xi32>,
        %add3A_74 = arith.constant 512 : i32
        %add3A_75 = vector.broadcast %add3A_74 : i32 to vector<16xi32>
        %add3A_76 = arith.addi %get3A_73, %add3A_75 : vector<16xi32>
        %gather3A = tpu.vector_load_idx %arg9[%add3A_76] : memref<2048xf32, #tpu.memory_space<vmem>>[vector<16xi32>], vector<16xf32>,
        %add3A_77 = arith.constant 1.000000e-16 : f32
        %add3A_78 = vector.broadcast %add3A_77 : f32 to vector<16xf32>
        %add3A_79 = arith.addf %gather3A, %add3A_78 : vector<16xf32>
        %div3A = arith.divf %exp3A, %add3A_79 : vector<16xf32>
        %mul3A_80 = arith.constant 16 : i32
        %mul3A_81 = arith.muli %scan3A_63, %mul3A_80 : i32
        %add3A_82 = arith.constant 3136 : i32
        %add3A_83 = arith.addi %add3A_82, %mul3A_81 : i32
        %swap3A = arith.index_cast %add3A_83 : i32 to index
        %swap3A_84 = tpu.vector_load %arg8[%swap3A] {strides = array<i32>} : memref<12544xf32, #tpu.memory_space<vmem>>, vector<16xf32>,
        tpu.vector_store %arg8[%swap3A], %div3A {strides = array<i32>} : memref<12544xf32, #tpu.memory_space<vmem>>, vector<16xf32>,
        %scan3A_85 = arith.constant 0 : i32
        scf.yield %scan3A_85 : i32
      }
      %scan3A_40 = arith.constant 194 : i32
      %scan3A_41 = arith.constant 0 : i32
      %scan3A_42 = arith.constant 0 : i32
      %scan3A_43 = arith.constant 194 : i32
      %scan3A_44 = arith.addi %scan3A_42, %scan3A_43 : i32
      %scan3A_45 = arith.constant 1 : i32
      %scan3A_46 = scf.for %scan3A_63 = %scan3A_42 to %scan3A_44 step %scan3A_45 iter_args(%scan3A_64 = %scan3A_41) -> (i32)  : i32 {
        %mul3A_65 = arith.constant 16 : i32
        %mul3A_66 = arith.muli %scan3A_63, %mul3A_65 : i32
        %add3A_67 = arith.constant 6272 : i32
        %add3A_68 = arith.addi %add3A_67, %mul3A_66 : i32
        %get3A = arith.index_cast %add3A_68 : i32 to index
        %get3A_69 = tpu.vector_load %arg6[%get3A] {strides = array<i32>} : memref<12544xf32, #tpu.memory_space<vmem>>, vector<16xf32>,
        %exp3A = math.exp %get3A_69 : vector<16xf32>
        %mul3A_70 = arith.constant 16 : i32
        %mul3A_71 = arith.muli %scan3A_63, %mul3A_70 : i32
        %get3A_72 = arith.index_cast %mul3A_71 : i32 to index
        %get3A_73 = tpu.vector_load %arg7[%get3A_72] {strides = array<i32>} : memref<3136xi32, #tpu.memory_space<vmem>>, vector<16xi32>,
        %add3A_74 = arith.constant 1024 : i32
        %add3A_75 = vector.broadcast %add3A_74 : i32 to vector<16xi32>
        %add3A_76 = arith.addi %get3A_73, %add3A_75 : vector<16xi32>
        %gather3A = tpu.vector_load_idx %arg9[%add3A_76] : memref<2048xf32, #tpu.memory_space<vmem>>[vector<16xi32>], vector<16xf32>,
        %add3A_77 = arith.constant 1.000000e-16 : f32
        %add3A_78 = vector.broadcast %add3A_77 : f32 to vector<16xf32>
        %add3A_79 = arith.addf %gather3A, %add3A_78 : vector<16xf32>
        %div3A = arith.divf %exp3A, %add3A_79 : vector<16xf32>
        %mul3A_80 = arith.constant 16 : i32
        %mul3A_81 = arith.muli %scan3A_63, %mul3A_80 : i32
        %add3A_82 = arith.constant 6272 : i32
        %add3A_83 = arith.addi %add3A_82, %mul3A_81 : i32
        %swap3A = arith.index_cast %add3A_83 : i32 to index
        %swap3A_84 = tpu.vector_load %arg8[%swap3A] {strides = array<i32>} : memref<12544xf32, #tpu.memory_space<vmem>>, vector<16xf32>,
        tpu.vector_store %arg8[%swap3A], %div3A {strides = array<i32>} : memref<12544xf32, #tpu.memory_space<vmem>>, vector<16xf32>,
        %scan3A_85 = arith.constant 0 : i32
        scf.yield %scan3A_85 : i32
      }
      %scan3A_47 = arith.constant 194 : i32
      %scan3A_48 = arith.constant 0 : i32
      %scan3A_49 = arith.constant 0 : i32
      %scan3A_50 = arith.constant 194 : i32
      %scan3A_51 = arith.addi %scan3A_49, %scan3A_50 : i32
      %scan3A_52 = arith.constant 1 : i32
      %scan3A_53 = scf.for %scan3A_63 = %scan3A_49 to %scan3A_51 step %scan3A_52 iter_args(%scan3A_64 = %scan3A_48) -> (i32)  : i32 {
        %mul3A_65 = arith.constant 16 : i32
        %mul3A_66 = arith.muli %scan3A_63, %mul3A_65 : i32
        %add3A_67 = arith.constant 9408 : i32
        %add3A_68 = arith.addi %add3A_67, %mul3A_66 : i32
        %get3A = arith.index_cast %add3A_68 : i32 to index
        %get3A_69 = tpu.vector_load %arg6[%get3A] {strides = array<i32>} : memref<12544xf32, #tpu.memory_space<vmem>>, vector<16xf32>,
        %exp3A = math.exp %get3A_69 : vector<16xf32>
        %mul3A_70 = arith.constant 16 : i32
        %mul3A_71 = arith.muli %scan3A_63, %mul3A_70 : i32
        %get3A_72 = arith.index_cast %mul3A_71 : i32 to index
        %get3A_73 = tpu.vector_load %arg7[%get3A_72] {strides = array<i32>} : memref<3136xi32, #tpu.memory_space<vmem>>, vector<16xi32>,
        %add3A_74 = arith.constant 1536 : i32
        %add3A_75 = vector.broadcast %add3A_74 : i32 to vector<16xi32>
        %add3A_76 = arith.addi %get3A_73, %add3A_75 : vector<16xi32>
        %gather3A = tpu.vector_load_idx %arg9[%add3A_76] : memref<2048xf32, #tpu.memory_space<vmem>>[vector<16xi32>], vector<16xf32>,
        %add3A_77 = arith.constant 1.000000e-16 : f32
        %add3A_78 = vector.broadcast %add3A_77 : f32 to vector<16xf32>
        %add3A_79 = arith.addf %gather3A, %add3A_78 : vector<16xf32>
        %div3A = arith.divf %exp3A, %add3A_79 : vector<16xf32>
        %mul3A_80 = arith.constant 16 : i32
        %mul3A_81 = arith.muli %scan3A_63, %mul3A_80 : i32
        %add3A_82 = arith.constant 9408 : i32
        %add3A_83 = arith.addi %add3A_82, %mul3A_81 : i32
        %swap3A = arith.index_cast %add3A_83 : i32 to index
        %swap3A_84 = tpu.vector_load %arg8[%swap3A] {strides = array<i32>} : memref<12544xf32, #tpu.memory_space<vmem>>, vector<16xf32>,
        tpu.vector_store %arg8[%swap3A], %div3A {strides = array<i32>} : memref<12544xf32, #tpu.memory_space<vmem>>, vector<16xf32>,
        %scan3A_85 = arith.constant 0 : i32
        scf.yield %scan3A_85 : i32
      }
      %scan3A_54 = arith.constant 194 : i32
      %add3A_55 = arith.constant 0 : i32
      %add3A_56 = arith.addi %add3A_55, %mul3A_6 : i32
      "tpu.region"() ({
        %run_scoped3A = tpu.sem_alloc : memref<!tpu.dma_semaphore, #tpu.memory_space<semaphore_mem>>
        %dma_start3A = arith.constant 0 : i32
        %dma_start3A_63 = tpu.memref_slice %arg8[%dma_start3A] : memref<12544xf32, #tpu.memory_space<vmem>> -> memref<3104xf32, #tpu.memory_space<vmem>>
        %dma_start3A_64 = tpu.memref_slice %arg5[%add3A_56] : memref<409600xf32, #tpu.memory_space<hbm>> -> memref<3104xf32, #tpu.memory_space<hbm>>
        %dma_start3A_65 = tpu.memref_slice %arg5[%add3A_56] : memref<409600xf32, #tpu.memory_space<hbm>> -> memref<3104xf32, #tpu.memory_space<hbm>>
        %dma_start3A_66 = arith.constant 0 : i32
        %dma_start3A_67 = tpu.memref_slice %arg8[%dma_start3A_66] : memref<12544xf32, #tpu.memory_space<vmem>> -> memref<3104xf32, #tpu.memory_space<vmem>>
        tpu.enqueue_dma source(%dma_start3A_67 : memref<3104xf32, #tpu.memory_space<vmem>>) target(%dma_start3A_65 : memref<3104xf32, #tpu.memory_space<hbm>>) target_semaphore(%run_scoped3A : memref<!tpu.dma_semaphore, #tpu.memory_space<semaphore_mem>>)
        %dma_wait3A = arith.constant 0 : i32
        %dma_wait3A_68 = tpu.memref_slice %arg8[%dma_wait3A] : memref<12544xf32, #tpu.memory_space<vmem>> -> memref<3104xf32, #tpu.memory_space<vmem>>
        %dma_wait3A_69 = tpu.memref_slice %arg5[%add3A_56] : memref<409600xf32, #tpu.memory_space<hbm>> -> memref<3104xf32, #tpu.memory_space<hbm>>
        %dma_wait3A_70 = tpu.memref_slice %arg5[%add3A_56] : memref<409600xf32, #tpu.memory_space<hbm>> -> memref<3104xf32, #tpu.memory_space<hbm>>
        %dma_wait3A_71 = arith.constant 0 : i32
        %dma_wait3A_72 = tpu.memref_slice %arg8[%dma_wait3A_71] : memref<12544xf32, #tpu.memory_space<vmem>> -> memref<3104xf32, #tpu.memory_space<vmem>>
        tpu.wait_dma2 semaphore(%run_scoped3A : memref<!tpu.dma_semaphore, #tpu.memory_space<semaphore_mem>>) src(%dma_wait3A_72 : memref<3104xf32, #tpu.memory_space<vmem>>) dst(%dma_wait3A_70 : memref<3104xf32, #tpu.memory_space<hbm>>)
        tpu.yield
      }) : () -> ()
      %add3A_57 = arith.constant 102400 : i32
      %add3A_58 = arith.addi %add3A_57, %mul3A_6 : i32
      "tpu.region"() ({
        %run_scoped3A = tpu.sem_alloc : memref<!tpu.dma_semaphore, #tpu.memory_space<semaphore_mem>>
        %dma_start3A = arith.constant 3136 : i32
        %dma_start3A_63 = tpu.memref_slice %arg8[%dma_start3A] : memref<12544xf32, #tpu.memory_space<vmem>> -> memref<3104xf32, #tpu.memory_space<vmem>>
        %dma_start3A_64 = tpu.memref_slice %arg5[%add3A_58] : memref<409600xf32, #tpu.memory_space<hbm>> -> memref<3104xf32, #tpu.memory_space<hbm>>
        %dma_start3A_65 = tpu.memref_slice %arg5[%add3A_58] : memref<409600xf32, #tpu.memory_space<hbm>> -> memref<3104xf32, #tpu.memory_space<hbm>>
        %dma_start3A_66 = arith.constant 3136 : i32
        %dma_start3A_67 = tpu.memref_slice %arg8[%dma_start3A_66] : memref<12544xf32, #tpu.memory_space<vmem>> -> memref<3104xf32, #tpu.memory_space<vmem>>
        tpu.enqueue_dma source(%dma_start3A_67 : memref<3104xf32, #tpu.memory_space<vmem>>) target(%dma_start3A_65 : memref<3104xf32, #tpu.memory_space<hbm>>) target_semaphore(%run_scoped3A : memref<!tpu.dma_semaphore, #tpu.memory_space<semaphore_mem>>)
        %dma_wait3A = arith.constant 3136 : i32
        %dma_wait3A_68 = tpu.memref_slice %arg8[%dma_wait3A] : memref<12544xf32, #tpu.memory_space<vmem>> -> memref<3104xf32, #tpu.memory_space<vmem>>
        %dma_wait3A_69 = tpu.memref_slice %arg5[%add3A_58] : memref<409600xf32, #tpu.memory_space<hbm>> -> memref<3104xf32, #tpu.memory_space<hbm>>
        %dma_wait3A_70 = tpu.memref_slice %arg5[%add3A_58] : memref<409600xf32, #tpu.memory_space<hbm>> -> memref<3104xf32, #tpu.memory_space<hbm>>
        %dma_wait3A_71 = arith.constant 3136 : i32
        %dma_wait3A_72 = tpu.memref_slice %arg8[%dma_wait3A_71] : memref<12544xf32, #tpu.memory_space<vmem>> -> memref<3104xf32, #tpu.memory_space<vmem>>
        tpu.wait_dma2 semaphore(%run_scoped3A : memref<!tpu.dma_semaphore, #tpu.memory_space<semaphore_mem>>) src(%dma_wait3A_72 : memref<3104xf32, #tpu.memory_space<vmem>>) dst(%dma_wait3A_70 : memref<3104xf32, #tpu.memory_space<hbm>>)
        tpu.yield
      }) : () -> ()
      %add3A_59 = arith.constant 204800 : i32
      %add3A_60 = arith.addi %add3A_59, %mul3A_6 : i32
      "tpu.region"() ({
        %run_scoped3A = tpu.sem_alloc : memref<!tpu.dma_semaphore, #tpu.memory_space<semaphore_mem>>
        %dma_start3A = arith.constant 6272 : i32
        %dma_start3A_63 = tpu.memref_slice %arg8[%dma_start3A] : memref<12544xf32, #tpu.memory_space<vmem>> -> memref<3104xf32, #tpu.memory_space<vmem>>
        %dma_start3A_64 = tpu.memref_slice %arg5[%add3A_60] : memref<409600xf32, #tpu.memory_space<hbm>> -> memref<3104xf32, #tpu.memory_space<hbm>>
        %dma_start3A_65 = tpu.memref_slice %arg5[%add3A_60] : memref<409600xf32, #tpu.memory_space<hbm>> -> memref<3104xf32, #tpu.memory_space<hbm>>
        %dma_start3A_66 = arith.constant 6272 : i32
        %dma_start3A_67 = tpu.memref_slice %arg8[%dma_start3A_66] : memref<12544xf32, #tpu.memory_space<vmem>> -> memref<3104xf32, #tpu.memory_space<vmem>>
        tpu.enqueue_dma source(%dma_start3A_67 : memref<3104xf32, #tpu.memory_space<vmem>>) target(%dma_start3A_65 : memref<3104xf32, #tpu.memory_space<hbm>>) target_semaphore(%run_scoped3A : memref<!tpu.dma_semaphore, #tpu.memory_space<semaphore_mem>>)
        %dma_wait3A = arith.constant 6272 : i32
        %dma_wait3A_68 = tpu.memref_slice %arg8[%dma_wait3A] : memref<12544xf32, #tpu.memory_space<vmem>> -> memref<3104xf32, #tpu.memory_space<vmem>>
        %dma_wait3A_69 = tpu.memref_slice %arg5[%add3A_60] : memref<409600xf32, #tpu.memory_space<hbm>> -> memref<3104xf32, #tpu.memory_space<hbm>>
        %dma_wait3A_70 = tpu.memref_slice %arg5[%add3A_60] : memref<409600xf32, #tpu.memory_space<hbm>> -> memref<3104xf32, #tpu.memory_space<hbm>>
        %dma_wait3A_71 = arith.constant 6272 : i32
        %dma_wait3A_72 = tpu.memref_slice %arg8[%dma_wait3A_71] : memref<12544xf32, #tpu.memory_space<vmem>> -> memref<3104xf32, #tpu.memory_space<vmem>>
        tpu.wait_dma2 semaphore(%run_scoped3A : memref<!tpu.dma_semaphore, #tpu.memory_space<semaphore_mem>>) src(%dma_wait3A_72 : memref<3104xf32, #tpu.memory_space<vmem>>) dst(%dma_wait3A_70 : memref<3104xf32, #tpu.memory_space<hbm>>)
        tpu.yield
      }) : () -> ()
      %add3A_61 = arith.constant 307200 : i32
      %add3A_62 = arith.addi %add3A_61, %mul3A_6 : i32
      "tpu.region"() ({
        %run_scoped3A = tpu.sem_alloc : memref<!tpu.dma_semaphore, #tpu.memory_space<semaphore_mem>>
        %dma_start3A = arith.constant 9408 : i32
        %dma_start3A_63 = tpu.memref_slice %arg8[%dma_start3A] : memref<12544xf32, #tpu.memory_space<vmem>> -> memref<3104xf32, #tpu.memory_space<vmem>>
        %dma_start3A_64 = tpu.memref_slice %arg5[%add3A_62] : memref<409600xf32, #tpu.memory_space<hbm>> -> memref<3104xf32, #tpu.memory_space<hbm>>
        %dma_start3A_65 = tpu.memref_slice %arg5[%add3A_62] : memref<409600xf32, #tpu.memory_space<hbm>> -> memref<3104xf32, #tpu.memory_space<hbm>>
        %dma_start3A_66 = arith.constant 9408 : i32
        %dma_start3A_67 = tpu.memref_slice %arg8[%dma_start3A_66] : memref<12544xf32, #tpu.memory_space<vmem>> -> memref<3104xf32, #tpu.memory_space<vmem>>
        tpu.enqueue_dma source(%dma_start3A_67 : memref<3104xf32, #tpu.memory_space<vmem>>) target(%dma_start3A_65 : memref<3104xf32, #tpu.memory_space<hbm>>) target_semaphore(%run_scoped3A : memref<!tpu.dma_semaphore, #tpu.memory_space<semaphore_mem>>)
        %dma_wait3A = arith.constant 9408 : i32
        %dma_wait3A_68 = tpu.memref_slice %arg8[%dma_wait3A] : memref<12544xf32, #tpu.memory_space<vmem>> -> memref<3104xf32, #tpu.memory_space<vmem>>
        %dma_wait3A_69 = tpu.memref_slice %arg5[%add3A_62] : memref<409600xf32, #tpu.memory_space<hbm>> -> memref<3104xf32, #tpu.memory_space<hbm>>
        %dma_wait3A_70 = tpu.memref_slice %arg5[%add3A_62] : memref<409600xf32, #tpu.memory_space<hbm>> -> memref<3104xf32, #tpu.memory_space<hbm>>
        %dma_wait3A_71 = arith.constant 9408 : i32
        %dma_wait3A_72 = tpu.memref_slice %arg8[%dma_wait3A_71] : memref<12544xf32, #tpu.memory_space<vmem>> -> memref<3104xf32, #tpu.memory_space<vmem>>
        tpu.wait_dma2 semaphore(%run_scoped3A : memref<!tpu.dma_semaphore, #tpu.memory_space<semaphore_mem>>) src(%dma_wait3A_72 : memref<3104xf32, #tpu.memory_space<vmem>>) dst(%dma_wait3A_70 : memref<3104xf32, #tpu.memory_space<hbm>>)
        tpu.yield
      }) : () -> ()
    } else {
    }
    return
  }
}

#map = affine_map<(d0, d1) -> (0)>
#map1 = affine_map<(d0, d1) -> (0, 0)>
module attributes {stable_mosaic.version = 14 : i64} {
  func.func @_seg_partial_body(%arg0: i32, %arg1: i32, %arg2: memref<409600xf32, #tpu.memory_space<hbm>>, %arg3: memref<100000xi32, #tpu.memory_space<hbm>>, %arg4: memref<32x2048xf32, #tpu.memory_space<hbm>>, %arg5: memref<12544xf32, #tpu.memory_space<vmem>>, %arg6: memref<3152xi32, #tpu.memory_space<vmem>>, %arg7: memref<2048xf32, #tpu.memory_space<vmem>>) attributes {dimension_semantics = [#tpu.dimension_semantics<core_parallel>, #tpu.dimension_semantics<subcore_parallel>], iteration_bounds = array<i64: 2, 16>, scalar_prefetch = 0 : i64, scratch_operands = 3 : i64, tpu.core_type = #tpu.core_type<sc_vector_subcore>, window_params = [{transform_indices = #map}, {transform_indices = #map}, {transform_indices = #map1}]} {
    %mul3A = arith.constant 2 : i32
    %mul3A_0 = arith.muli %arg1, %mul3A : i32
    %add3A = arith.addi %mul3A_0, %arg0 : i32
    %mul3A_1 = arith.constant 97 : i32
    %mul3A_2 = arith.muli %mul3A_1, %add3A : i32
    %min3A = arith.constant 21 : i32
    %min3A_3 = arith.minsi %add3A, %min3A : i32
    %add3A_4 = arith.addi %mul3A_2, %min3A_3 : i32
    %mul3A_5 = arith.constant 32 : i32
    %mul3A_6 = arith.muli %add3A_4, %mul3A_5 : i32
    %scan3A = arith.constant 0 : i32
    %scan3A_7 = arith.constant 0 : i32
    %scan3A_8 = arith.constant 128 : i32
    %scan3A_9 = arith.addi %scan3A_7, %scan3A_8 : i32
    %scan3A_10 = arith.constant 1 : i32
    %scan3A_11 = scf.for %scan3A_19 = %scan3A_7 to %scan3A_9 step %scan3A_10 iter_args(%scan3A_20 = %scan3A) -> (i32)  : i32 {
      %broadcast_in_dim3A = arith.constant 0.000000e+00 : f32
      %broadcast_in_dim3A_21 = vector.broadcast %broadcast_in_dim3A : f32 to vector<16xf32>
      %mul3A_22 = arith.constant 16 : i32
      %mul3A_23 = arith.muli %scan3A_19, %mul3A_22 : i32
      %swap3A = arith.index_cast %mul3A_23 : i32 to index
      %swap3A_24 = tpu.vector_load %arg7[%swap3A] {strides = array<i32>} : memref<2048xf32, #tpu.memory_space<vmem>>, vector<16xf32>,
      tpu.vector_store %arg7[%swap3A], %broadcast_in_dim3A_21 {strides = array<i32>} : memref<2048xf32, #tpu.memory_space<vmem>>, vector<16xf32>,
      %scan3A_25 = arith.constant 0 : i32
      scf.yield %scan3A_25 : i32
    }
    %scan3A_12 = arith.constant 128 : i32
    %lt3A = arith.constant 21 : i32
    %lt3A_13 = arith.cmpi slt, %add3A, %lt3A : i32
    %convert_element_type3A = arith.extui %lt3A_13 : i1 to i32
    %cond3A = arith.constant 0 : i32
    %cond3A_14 = arith.cmpi ne, %convert_element_type3A, %cond3A : i32
    scf.if %cond3A_14 {
      "tpu.region"() ({
        %run_scoped3A = tpu.sem_alloc : memref<!tpu.dma_semaphore, #tpu.memory_space<semaphore_mem>>
        %dma_start3A = arith.constant 0 : i32
        %dma_start3A_59 = tpu.memref_slice %arg6[%dma_start3A] : memref<3152xi32, #tpu.memory_space<vmem>> -> memref<3136xi32, #tpu.memory_space<vmem>>
        %dma_start3A_60 = tpu.memref_slice %arg3[%mul3A_6] : memref<100000xi32, #tpu.memory_space<hbm>> -> memref<3136xi32, #tpu.memory_space<hbm>>
        %dma_start3A_61 = arith.constant 0 : i32
        %dma_start3A_62 = tpu.memref_slice %arg6[%dma_start3A_61] : memref<3152xi32, #tpu.memory_space<vmem>> -> memref<3136xi32, #tpu.memory_space<vmem>>
        %dma_start3A_63 = tpu.memref_slice %arg3[%mul3A_6] : memref<100000xi32, #tpu.memory_space<hbm>> -> memref<3136xi32, #tpu.memory_space<hbm>>
        tpu.enqueue_dma source(%dma_start3A_63 : memref<3136xi32, #tpu.memory_space<hbm>>) target(%dma_start3A_62 : memref<3136xi32, #tpu.memory_space<vmem>>) target_semaphore(%run_scoped3A : memref<!tpu.dma_semaphore, #tpu.memory_space<semaphore_mem>>)
        %dma_wait3A = arith.constant 0 : i32
        %dma_wait3A_64 = tpu.memref_slice %arg6[%dma_wait3A] : memref<3152xi32, #tpu.memory_space<vmem>> -> memref<3136xi32, #tpu.memory_space<vmem>>
        %dma_wait3A_65 = tpu.memref_slice %arg3[%mul3A_6] : memref<100000xi32, #tpu.memory_space<hbm>> -> memref<3136xi32, #tpu.memory_space<hbm>>
        %dma_wait3A_66 = arith.constant 0 : i32
        %dma_wait3A_67 = tpu.memref_slice %arg6[%dma_wait3A_66] : memref<3152xi32, #tpu.memory_space<vmem>> -> memref<3136xi32, #tpu.memory_space<vmem>>
        %dma_wait3A_68 = tpu.memref_slice %arg3[%mul3A_6] : memref<100000xi32, #tpu.memory_space<hbm>> -> memref<3136xi32, #tpu.memory_space<hbm>>
        tpu.wait_dma2 semaphore(%run_scoped3A : memref<!tpu.dma_semaphore, #tpu.memory_space<semaphore_mem>>) src(%dma_wait3A_68 : memref<3136xi32, #tpu.memory_space<hbm>>) dst(%dma_wait3A_67 : memref<3136xi32, #tpu.memory_space<vmem>>)
        tpu.yield
      }) : () -> ()
      %broadcast_in_dim3A = arith.constant 0 : i32
      %broadcast_in_dim3A_19 = vector.broadcast %broadcast_in_dim3A : i32 to vector<16xi32>
      %swap3A = arith.constant 3136 : index
      %swap3A_20 = tpu.vector_load %arg6[%swap3A] {strides = array<i32>} : memref<3152xi32, #tpu.memory_space<vmem>>, vector<16xi32>,
      tpu.vector_store %arg6[%swap3A], %broadcast_in_dim3A_19 {strides = array<i32>} : memref<3152xi32, #tpu.memory_space<vmem>>, vector<16xi32>,
      %add3A_21 = arith.constant 0 : i32
      %add3A_22 = arith.addi %add3A_21, %mul3A_6 : i32
      "tpu.region"() ({
        %run_scoped3A = tpu.sem_alloc : memref<!tpu.dma_semaphore, #tpu.memory_space<semaphore_mem>>
        %dma_start3A = arith.constant 0 : i32
        %dma_start3A_59 = tpu.memref_slice %arg5[%dma_start3A] : memref<12544xf32, #tpu.memory_space<vmem>> -> memref<3136xf32, #tpu.memory_space<vmem>>
        %dma_start3A_60 = tpu.memref_slice %arg2[%add3A_22] : memref<409600xf32, #tpu.memory_space<hbm>> -> memref<3136xf32, #tpu.memory_space<hbm>>
        %dma_start3A_61 = arith.constant 0 : i32
        %dma_start3A_62 = tpu.memref_slice %arg5[%dma_start3A_61] : memref<12544xf32, #tpu.memory_space<vmem>> -> memref<3136xf32, #tpu.memory_space<vmem>>
        %dma_start3A_63 = tpu.memref_slice %arg2[%add3A_22] : memref<409600xf32, #tpu.memory_space<hbm>> -> memref<3136xf32, #tpu.memory_space<hbm>>
        tpu.enqueue_dma source(%dma_start3A_63 : memref<3136xf32, #tpu.memory_space<hbm>>) target(%dma_start3A_62 : memref<3136xf32, #tpu.memory_space<vmem>>) target_semaphore(%run_scoped3A : memref<!tpu.dma_semaphore, #tpu.memory_space<semaphore_mem>>)
        %dma_wait3A = arith.constant 0 : i32
        %dma_wait3A_64 = tpu.memref_slice %arg5[%dma_wait3A] : memref<12544xf32, #tpu.memory_space<vmem>> -> memref<3136xf32, #tpu.memory_space<vmem>>
        %dma_wait3A_65 = tpu.memref_slice %arg2[%add3A_22] : memref<409600xf32, #tpu.memory_space<hbm>> -> memref<3136xf32, #tpu.memory_space<hbm>>
        %dma_wait3A_66 = arith.constant 0 : i32
        %dma_wait3A_67 = tpu.memref_slice %arg5[%dma_wait3A_66] : memref<12544xf32, #tpu.memory_space<vmem>> -> memref<3136xf32, #tpu.memory_space<vmem>>
        %dma_wait3A_68 = tpu.memref_slice %arg2[%add3A_22] : memref<409600xf32, #tpu.memory_space<hbm>> -> memref<3136xf32, #tpu.memory_space<hbm>>
        tpu.wait_dma2 semaphore(%run_scoped3A : memref<!tpu.dma_semaphore, #tpu.memory_space<semaphore_mem>>) src(%dma_wait3A_68 : memref<3136xf32, #tpu.memory_space<hbm>>) dst(%dma_wait3A_67 : memref<3136xf32, #tpu.memory_space<vmem>>)
        tpu.yield
      }) : () -> ()
      %add3A_23 = arith.constant 102400 : i32
      %add3A_24 = arith.addi %add3A_23, %mul3A_6 : i32
      "tpu.region"() ({
        %run_scoped3A = tpu.sem_alloc : memref<!tpu.dma_semaphore, #tpu.memory_space<semaphore_mem>>
        %dma_start3A = arith.constant 3136 : i32
        %dma_start3A_59 = tpu.memref_slice %arg5[%dma_start3A] : memref<12544xf32, #tpu.memory_space<vmem>> -> memref<3136xf32, #tpu.memory_space<vmem>>
        %dma_start3A_60 = tpu.memref_slice %arg2[%add3A_24] : memref<409600xf32, #tpu.memory_space<hbm>> -> memref<3136xf32, #tpu.memory_space<hbm>>
        %dma_start3A_61 = arith.constant 3136 : i32
        %dma_start3A_62 = tpu.memref_slice %arg5[%dma_start3A_61] : memref<12544xf32, #tpu.memory_space<vmem>> -> memref<3136xf32, #tpu.memory_space<vmem>>
        %dma_start3A_63 = tpu.memref_slice %arg2[%add3A_24] : memref<409600xf32, #tpu.memory_space<hbm>> -> memref<3136xf32, #tpu.memory_space<hbm>>
        tpu.enqueue_dma source(%dma_start3A_63 : memref<3136xf32, #tpu.memory_space<hbm>>) target(%dma_start3A_62 : memref<3136xf32, #tpu.memory_space<vmem>>) target_semaphore(%run_scoped3A : memref<!tpu.dma_semaphore, #tpu.memory_space<semaphore_mem>>)
        %dma_wait3A = arith.constant 3136 : i32
        %dma_wait3A_64 = tpu.memref_slice %arg5[%dma_wait3A] : memref<12544xf32, #tpu.memory_space<vmem>> -> memref<3136xf32, #tpu.memory_space<vmem>>
        %dma_wait3A_65 = tpu.memref_slice %arg2[%add3A_24] : memref<409600xf32, #tpu.memory_space<hbm>> -> memref<3136xf32, #tpu.memory_space<hbm>>
        %dma_wait3A_66 = arith.constant 3136 : i32
        %dma_wait3A_67 = tpu.memref_slice %arg5[%dma_wait3A_66] : memref<12544xf32, #tpu.memory_space<vmem>> -> memref<3136xf32, #tpu.memory_space<vmem>>
        %dma_wait3A_68 = tpu.memref_slice %arg2[%add3A_24] : memref<409600xf32, #tpu.memory_space<hbm>> -> memref<3136xf32, #tpu.memory_space<hbm>>
        tpu.wait_dma2 semaphore(%run_scoped3A : memref<!tpu.dma_semaphore, #tpu.memory_space<semaphore_mem>>) src(%dma_wait3A_68 : memref<3136xf32, #tpu.memory_space<hbm>>) dst(%dma_wait3A_67 : memref<3136xf32, #tpu.memory_space<vmem>>)
        tpu.yield
      }) : () -> ()
      %add3A_25 = arith.constant 204800 : i32
      %add3A_26 = arith.addi %add3A_25, %mul3A_6 : i32
      "tpu.region"() ({
        %run_scoped3A = tpu.sem_alloc : memref<!tpu.dma_semaphore, #tpu.memory_space<semaphore_mem>>
        %dma_start3A = arith.constant 6272 : i32
        %dma_start3A_59 = tpu.memref_slice %arg5[%dma_start3A] : memref<12544xf32, #tpu.memory_space<vmem>> -> memref<3136xf32, #tpu.memory_space<vmem>>
        %dma_start3A_60 = tpu.memref_slice %arg2[%add3A_26] : memref<409600xf32, #tpu.memory_space<hbm>> -> memref<3136xf32, #tpu.memory_space<hbm>>
        %dma_start3A_61 = arith.constant 6272 : i32
        %dma_start3A_62 = tpu.memref_slice %arg5[%dma_start3A_61] : memref<12544xf32, #tpu.memory_space<vmem>> -> memref<3136xf32, #tpu.memory_space<vmem>>
        %dma_start3A_63 = tpu.memref_slice %arg2[%add3A_26] : memref<409600xf32, #tpu.memory_space<hbm>> -> memref<3136xf32, #tpu.memory_space<hbm>>
        tpu.enqueue_dma source(%dma_start3A_63 : memref<3136xf32, #tpu.memory_space<hbm>>) target(%dma_start3A_62 : memref<3136xf32, #tpu.memory_space<vmem>>) target_semaphore(%run_scoped3A : memref<!tpu.dma_semaphore, #tpu.memory_space<semaphore_mem>>)
        %dma_wait3A = arith.constant 6272 : i32
        %dma_wait3A_64 = tpu.memref_slice %arg5[%dma_wait3A] : memref<12544xf32, #tpu.memory_space<vmem>> -> memref<3136xf32, #tpu.memory_space<vmem>>
        %dma_wait3A_65 = tpu.memref_slice %arg2[%add3A_26] : memref<409600xf32, #tpu.memory_space<hbm>> -> memref<3136xf32, #tpu.memory_space<hbm>>
        %dma_wait3A_66 = arith.constant 6272 : i32
        %dma_wait3A_67 = tpu.memref_slice %arg5[%dma_wait3A_66] : memref<12544xf32, #tpu.memory_space<vmem>> -> memref<3136xf32, #tpu.memory_space<vmem>>
        %dma_wait3A_68 = tpu.memref_slice %arg2[%add3A_26] : memref<409600xf32, #tpu.memory_space<hbm>> -> memref<3136xf32, #tpu.memory_space<hbm>>
        tpu.wait_dma2 semaphore(%run_scoped3A : memref<!tpu.dma_semaphore, #tpu.memory_space<semaphore_mem>>) src(%dma_wait3A_68 : memref<3136xf32, #tpu.memory_space<hbm>>) dst(%dma_wait3A_67 : memref<3136xf32, #tpu.memory_space<vmem>>)
        tpu.yield
      }) : () -> ()
      %add3A_27 = arith.constant 307200 : i32
      %add3A_28 = arith.addi %add3A_27, %mul3A_6 : i32
      "tpu.region"() ({
        %run_scoped3A = tpu.sem_alloc : memref<!tpu.dma_semaphore, #tpu.memory_space<semaphore_mem>>
        %dma_start3A = arith.constant 9408 : i32
        %dma_start3A_59 = tpu.memref_slice %arg5[%dma_start3A] : memref<12544xf32, #tpu.memory_space<vmem>> -> memref<3136xf32, #tpu.memory_space<vmem>>
        %dma_start3A_60 = tpu.memref_slice %arg2[%add3A_28] : memref<409600xf32, #tpu.memory_space<hbm>> -> memref<3136xf32, #tpu.memory_space<hbm>>
        %dma_start3A_61 = arith.constant 9408 : i32
        %dma_start3A_62 = tpu.memref_slice %arg5[%dma_start3A_61] : memref<12544xf32, #tpu.memory_space<vmem>> -> memref<3136xf32, #tpu.memory_space<vmem>>
        %dma_start3A_63 = tpu.memref_slice %arg2[%add3A_28] : memref<409600xf32, #tpu.memory_space<hbm>> -> memref<3136xf32, #tpu.memory_space<hbm>>
        tpu.enqueue_dma source(%dma_start3A_63 : memref<3136xf32, #tpu.memory_space<hbm>>) target(%dma_start3A_62 : memref<3136xf32, #tpu.memory_space<vmem>>) target_semaphore(%run_scoped3A : memref<!tpu.dma_semaphore, #tpu.memory_space<semaphore_mem>>)
        %dma_wait3A = arith.constant 9408 : i32
        %dma_wait3A_64 = tpu.memref_slice %arg5[%dma_wait3A] : memref<12544xf32, #tpu.memory_space<vmem>> -> memref<3136xf32, #tpu.memory_space<vmem>>
        %dma_wait3A_65 = tpu.memref_slice %arg2[%add3A_28] : memref<409600xf32, #tpu.memory_space<hbm>> -> memref<3136xf32, #tpu.memory_space<hbm>>
        %dma_wait3A_66 = arith.constant 9408 : i32
        %dma_wait3A_67 = tpu.memref_slice %arg5[%dma_wait3A_66] : memref<12544xf32, #tpu.memory_space<vmem>> -> memref<3136xf32, #tpu.memory_space<vmem>>
        %dma_wait3A_68 = tpu.memref_slice %arg2[%add3A_28] : memref<409600xf32, #tpu.memory_space<hbm>> -> memref<3136xf32, #tpu.memory_space<hbm>>
        tpu.wait_dma2 semaphore(%run_scoped3A : memref<!tpu.dma_semaphore, #tpu.memory_space<semaphore_mem>>) src(%dma_wait3A_68 : memref<3136xf32, #tpu.memory_space<hbm>>) dst(%dma_wait3A_67 : memref<3136xf32, #tpu.memory_space<vmem>>)
        tpu.yield
      }) : () -> ()
      %iota3A = tpu.iota {dimensions = array<i32: 0>} : vector<16xi32>
      %eq3A = arith.constant 15 : i32
      %eq3A_29 = vector.broadcast %eq3A : i32 to vector<16xi32>
      %eq3A_30 = arith.cmpi eq, %iota3A, %eq3A_29 : vector<16xi32>
      %scan3A_31 = arith.constant 0 : i32
      %scan3A_32 = arith.constant 0 : i32
      %scan3A_33 = arith.constant 98 : i32
      %scan3A_34 = arith.addi %scan3A_32, %scan3A_33 : i32
      %scan3A_35 = arith.constant 1 : i32
      %scan3A_36 = scf.for %scan3A_59 = %scan3A_32 to %scan3A_34 step %scan3A_35 iter_args(%scan3A_60 = %scan3A_31) -> (i32)  : i32 {
        %mul3A_61 = arith.constant 2 : i32
        %mul3A_62 = arith.muli %scan3A_59, %mul3A_61 : i32
        %add3A_63 = arith.constant 0 : i32
        %add3A_64 = arith.addi %mul3A_62, %add3A_63 : i32
        %mul3A_65 = arith.constant 16 : i32
        %mul3A_66 = arith.muli %add3A_64, %mul3A_65 : i32
        %add3A_67 = arith.constant 0 : i32
        %add3A_68 = arith.addi %add3A_67, %mul3A_66 : i32
        %get3A = arith.index_cast %add3A_68 : i32 to index
        %get3A_69 = tpu.vector_load %arg5[%get3A] {strides = array<i32>} : memref<12544xf32, #tpu.memory_space<vmem>>, vector<16xf32>,
        %exp3A = math.exp %get3A_69 : vector<16xf32>
        %broadcast_in_dim3A_70 = arith.constant true
        %broadcast_in_dim3A_71 = vector.broadcast %broadcast_in_dim3A_70 : i1 to vector<16xi1>
        %masked_cumsum3A = tpu.scan <sum>, %exp3A masked %broadcast_in_dim3A_71 : vector<16xf32>, vector<16xi1> -> vector<16xf32>
        %mul3A_72 = arith.constant 16 : i32
        %mul3A_73 = arith.muli %add3A_64, %mul3A_72 : i32
        %get3A_74 = arith.index_cast %mul3A_73 : i32 to index
        %get3A_75 = tpu.vector_load %arg6[%get3A_74] {strides = array<i32>} : memref<3152xi32, #tpu.memory_space<vmem>>, vector<16xi32>,
        %mul3A_76 = arith.constant 16 : i32
        %mul3A_77 = arith.muli %add3A_64, %mul3A_76 : i32
        %add3A_78 = arith.constant 1 : i32
        %add3A_79 = arith.addi %mul3A_77, %add3A_78 : i32
        %get3A_80 = arith.index_cast %add3A_79 : i32 to index
        %get3A_81 = tpu.vector_load %arg6[%get3A_80] {strides = array<i32>} : memref<3152xi32, #tpu.memory_space<vmem>>, vector<16xi32>,
        %ne3A = arith.cmpi ne, %get3A_75, %get3A_81 : vector<16xi32>
        %add3A_82 = arith.constant 0 : i32
        %add3A_83 = vector.broadcast %add3A_82 : i32 to vector<16xi32>
        %add3A_84 = arith.addi %get3A_75, %add3A_83 : vector<16xi32>
        %or3A = arith.ori %ne3A, %eq3A_30 : vector<16xi1>
        tpu.vector_store_idx %arg7[%add3A_84], %masked_cumsum3A masked %or3A {add = true} : memref<2048xf32, #tpu.memory_space<vmem>>[vector<16xi32>], vector<16xf32>, vector<16xi1>
        %add3A_85 = arith.constant 0 : i32
        %add3A_86 = vector.broadcast %add3A_85 : i32 to vector<16xi32>
        %add3A_87 = arith.addi %get3A_81, %add3A_86 : vector<16xi32>
        %neg3A = arith.constant 0.000000e+00 : f32
        %neg3A_88 = vector.broadcast %neg3A : f32 to vector<16xf32>
        %neg3A_89 = arith.subf %neg3A_88, %masked_cumsum3A : vector<16xf32>
        %not3A = arith.constant dense<true> : vector<16xi1>
        %not3A_90 = arith.xori %eq3A_30, %not3A : vector<16xi1>
        %and3A = arith.andi %ne3A, %not3A_90 : vector<16xi1>
        tpu.vector_store_idx %arg7[%add3A_87], %neg3A_89 masked %and3A {add = true} : memref<2048xf32, #tpu.memory_space<vmem>>[vector<16xi32>], vector<16xf32>, vector<16xi1>
        %mul3A_91 = arith.constant 2 : i32
        %mul3A_92 = arith.muli %scan3A_59, %mul3A_91 : i32
        %add3A_93 = arith.constant 1 : i32
        %add3A_94 = arith.addi %mul3A_92, %add3A_93 : i32
        %mul3A_95 = arith.constant 16 : i32
        %mul3A_96 = arith.muli %add3A_94, %mul3A_95 : i32
        %add3A_97 = arith.constant 0 : i32
        %add3A_98 = arith.addi %add3A_97, %mul3A_96 : i32
        %get3A_99 = arith.index_cast %add3A_98 : i32 to index
        %get3A_100 = tpu.vector_load %arg5[%get3A_99] {strides = array<i32>} : memref<12544xf32, #tpu.memory_space<vmem>>, vector<16xf32>,
        %exp3A_101 = math.exp %get3A_100 : vector<16xf32>
        %broadcast_in_dim3A_102 = arith.constant true
        %broadcast_in_dim3A_103 = vector.broadcast %broadcast_in_dim3A_102 : i1 to vector<16xi1>
        %masked_cumsum3A_104 = tpu.scan <sum>, %exp3A_101 masked %broadcast_in_dim3A_103 : vector<16xf32>, vector<16xi1> -> vector<16xf32>
        %mul3A_105 = arith.constant 16 : i32
        %mul3A_106 = arith.muli %add3A_94, %mul3A_105 : i32
        %get3A_107 = arith.index_cast %mul3A_106 : i32 to index
        %get3A_108 = tpu.vector_load %arg6[%get3A_107] {strides = array<i32>} : memref<3152xi32, #tpu.memory_space<vmem>>, vector<16xi32>,
        %mul3A_109 = arith.constant 16 : i32
        %mul3A_110 = arith.muli %add3A_94, %mul3A_109 : i32
        %add3A_111 = arith.constant 1 : i32
        %add3A_112 = arith.addi %mul3A_110, %add3A_111 : i32
        %get3A_113 = arith.index_cast %add3A_112 : i32 to index
        %get3A_114 = tpu.vector_load %arg6[%get3A_113] {strides = array<i32>} : memref<3152xi32, #tpu.memory_space<vmem>>, vector<16xi32>,
        %ne3A_115 = arith.cmpi ne, %get3A_108, %get3A_114 : vector<16xi32>
        %add3A_116 = arith.constant 0 : i32
        %add3A_117 = vector.broadcast %add3A_116 : i32 to vector<16xi32>
        %add3A_118 = arith.addi %get3A_108, %add3A_117 : vector<16xi32>
        %or3A_119 = arith.ori %ne3A_115, %eq3A_30 : vector<16xi1>
        tpu.vector_store_idx %arg7[%add3A_118], %masked_cumsum3A_104 masked %or3A_119 {add = true} : memref<2048xf32, #tpu.memory_space<vmem>>[vector<16xi32>], vector<16xf32>, vector<16xi1>
        %add3A_120 = arith.constant 0 : i32
        %add3A_121 = vector.broadcast %add3A_120 : i32 to vector<16xi32>
        %add3A_122 = arith.addi %get3A_114, %add3A_121 : vector<16xi32>
        %neg3A_123 = arith.constant 0.000000e+00 : f32
        %neg3A_124 = vector.broadcast %neg3A_123 : f32 to vector<16xf32>
        %neg3A_125 = arith.subf %neg3A_124, %masked_cumsum3A_104 : vector<16xf32>
        %not3A_126 = arith.constant dense<true> : vector<16xi1>
        %not3A_127 = arith.xori %eq3A_30, %not3A_126 : vector<16xi1>
        %and3A_128 = arith.andi %ne3A_115, %not3A_127 : vector<16xi1>
        tpu.vector_store_idx %arg7[%add3A_122], %neg3A_125 masked %and3A_128 {add = true} : memref<2048xf32, #tpu.memory_space<vmem>>[vector<16xi32>], vector<16xf32>, vector<16xi1>
        %scan3A_129 = arith.constant 0 : i32
        scf.yield %scan3A_129 : i32
      }
      %scan3A_37 = arith.constant 98 : i32
      %scan3A_38 = arith.constant 0 : i32
      %scan3A_39 = arith.constant 0 : i32
      %scan3A_40 = arith.constant 98 : i32
      %scan3A_41 = arith.addi %scan3A_39, %scan3A_40 : i32
      %scan3A_42 = arith.constant 1 : i32
      %scan3A_43 = scf.for %scan3A_59 = %scan3A_39 to %scan3A_41 step %scan3A_42 iter_args(%scan3A_60 = %scan3A_38) -> (i32)  : i32 {
        %mul3A_61 = arith.constant 2 : i32
        %mul3A_62 = arith.muli %scan3A_59, %mul3A_61 : i32
        %add3A_63 = arith.constant 0 : i32
        %add3A_64 = arith.addi %mul3A_62, %add3A_63 : i32
        %mul3A_65 = arith.constant 16 : i32
        %mul3A_66 = arith.muli %add3A_64, %mul3A_65 : i32
        %add3A_67 = arith.constant 3136 : i32
        %add3A_68 = arith.addi %add3A_67, %mul3A_66 : i32
        %get3A = arith.index_cast %add3A_68 : i32 to index
        %get3A_69 = tpu.vector_load %arg5[%get3A] {strides = array<i32>} : memref<12544xf32, #tpu.memory_space<vmem>>, vector<16xf32>,
        %exp3A = math.exp %get3A_69 : vector<16xf32>
        %broadcast_in_dim3A_70 = arith.constant true
        %broadcast_in_dim3A_71 = vector.broadcast %broadcast_in_dim3A_70 : i1 to vector<16xi1>
        %masked_cumsum3A = tpu.scan <sum>, %exp3A masked %broadcast_in_dim3A_71 : vector<16xf32>, vector<16xi1> -> vector<16xf32>
        %mul3A_72 = arith.constant 16 : i32
        %mul3A_73 = arith.muli %add3A_64, %mul3A_72 : i32
        %get3A_74 = arith.index_cast %mul3A_73 : i32 to index
        %get3A_75 = tpu.vector_load %arg6[%get3A_74] {strides = array<i32>} : memref<3152xi32, #tpu.memory_space<vmem>>, vector<16xi32>,
        %mul3A_76 = arith.constant 16 : i32
        %mul3A_77 = arith.muli %add3A_64, %mul3A_76 : i32
        %add3A_78 = arith.constant 1 : i32
        %add3A_79 = arith.addi %mul3A_77, %add3A_78 : i32
        %get3A_80 = arith.index_cast %add3A_79 : i32 to index
        %get3A_81 = tpu.vector_load %arg6[%get3A_80] {strides = array<i32>} : memref<3152xi32, #tpu.memory_space<vmem>>, vector<16xi32>,
        %ne3A = arith.cmpi ne, %get3A_75, %get3A_81 : vector<16xi32>
        %add3A_82 = arith.constant 512 : i32
        %add3A_83 = vector.broadcast %add3A_82 : i32 to vector<16xi32>
        %add3A_84 = arith.addi %get3A_75, %add3A_83 : vector<16xi32>
        %or3A = arith.ori %ne3A, %eq3A_30 : vector<16xi1>
        tpu.vector_store_idx %arg7[%add3A_84], %masked_cumsum3A masked %or3A {add = true} : memref<2048xf32, #tpu.memory_space<vmem>>[vector<16xi32>], vector<16xf32>, vector<16xi1>
        %add3A_85 = arith.constant 512 : i32
        %add3A_86 = vector.broadcast %add3A_85 : i32 to vector<16xi32>
        %add3A_87 = arith.addi %get3A_81, %add3A_86 : vector<16xi32>
        %neg3A = arith.constant 0.000000e+00 : f32
        %neg3A_88 = vector.broadcast %neg3A : f32 to vector<16xf32>
        %neg3A_89 = arith.subf %neg3A_88, %masked_cumsum3A : vector<16xf32>
        %not3A = arith.constant dense<true> : vector<16xi1>
        %not3A_90 = arith.xori %eq3A_30, %not3A : vector<16xi1>
        %and3A = arith.andi %ne3A, %not3A_90 : vector<16xi1>
        tpu.vector_store_idx %arg7[%add3A_87], %neg3A_89 masked %and3A {add = true} : memref<2048xf32, #tpu.memory_space<vmem>>[vector<16xi32>], vector<16xf32>, vector<16xi1>
        %mul3A_91 = arith.constant 2 : i32
        %mul3A_92 = arith.muli %scan3A_59, %mul3A_91 : i32
        %add3A_93 = arith.constant 1 : i32
        %add3A_94 = arith.addi %mul3A_92, %add3A_93 : i32
        %mul3A_95 = arith.constant 16 : i32
        %mul3A_96 = arith.muli %add3A_94, %mul3A_95 : i32
        %add3A_97 = arith.constant 3136 : i32
        %add3A_98 = arith.addi %add3A_97, %mul3A_96 : i32
        %get3A_99 = arith.index_cast %add3A_98 : i32 to index
        %get3A_100 = tpu.vector_load %arg5[%get3A_99] {strides = array<i32>} : memref<12544xf32, #tpu.memory_space<vmem>>, vector<16xf32>,
        %exp3A_101 = math.exp %get3A_100 : vector<16xf32>
        %broadcast_in_dim3A_102 = arith.constant true
        %broadcast_in_dim3A_103 = vector.broadcast %broadcast_in_dim3A_102 : i1 to vector<16xi1>
        %masked_cumsum3A_104 = tpu.scan <sum>, %exp3A_101 masked %broadcast_in_dim3A_103 : vector<16xf32>, vector<16xi1> -> vector<16xf32>
        %mul3A_105 = arith.constant 16 : i32
        %mul3A_106 = arith.muli %add3A_94, %mul3A_105 : i32
        %get3A_107 = arith.index_cast %mul3A_106 : i32 to index
        %get3A_108 = tpu.vector_load %arg6[%get3A_107] {strides = array<i32>} : memref<3152xi32, #tpu.memory_space<vmem>>, vector<16xi32>,
        %mul3A_109 = arith.constant 16 : i32
        %mul3A_110 = arith.muli %add3A_94, %mul3A_109 : i32
        %add3A_111 = arith.constant 1 : i32
        %add3A_112 = arith.addi %mul3A_110, %add3A_111 : i32
        %get3A_113 = arith.index_cast %add3A_112 : i32 to index
        %get3A_114 = tpu.vector_load %arg6[%get3A_113] {strides = array<i32>} : memref<3152xi32, #tpu.memory_space<vmem>>, vector<16xi32>,
        %ne3A_115 = arith.cmpi ne, %get3A_108, %get3A_114 : vector<16xi32>
        %add3A_116 = arith.constant 512 : i32
        %add3A_117 = vector.broadcast %add3A_116 : i32 to vector<16xi32>
        %add3A_118 = arith.addi %get3A_108, %add3A_117 : vector<16xi32>
        %or3A_119 = arith.ori %ne3A_115, %eq3A_30 : vector<16xi1>
        tpu.vector_store_idx %arg7[%add3A_118], %masked_cumsum3A_104 masked %or3A_119 {add = true} : memref<2048xf32, #tpu.memory_space<vmem>>[vector<16xi32>], vector<16xf32>, vector<16xi1>
        %add3A_120 = arith.constant 512 : i32
        %add3A_121 = vector.broadcast %add3A_120 : i32 to vector<16xi32>
        %add3A_122 = arith.addi %get3A_114, %add3A_121 : vector<16xi32>
        %neg3A_123 = arith.constant 0.000000e+00 : f32
        %neg3A_124 = vector.broadcast %neg3A_123 : f32 to vector<16xf32>
        %neg3A_125 = arith.subf %neg3A_124, %masked_cumsum3A_104 : vector<16xf32>
        %not3A_126 = arith.constant dense<true> : vector<16xi1>
        %not3A_127 = arith.xori %eq3A_30, %not3A_126 : vector<16xi1>
        %and3A_128 = arith.andi %ne3A_115, %not3A_127 : vector<16xi1>
        tpu.vector_store_idx %arg7[%add3A_122], %neg3A_125 masked %and3A_128 {add = true} : memref<2048xf32, #tpu.memory_space<vmem>>[vector<16xi32>], vector<16xf32>, vector<16xi1>
        %scan3A_129 = arith.constant 0 : i32
        scf.yield %scan3A_129 : i32
      }
      %scan3A_44 = arith.constant 98 : i32
      %scan3A_45 = arith.constant 0 : i32
      %scan3A_46 = arith.constant 0 : i32
      %scan3A_47 = arith.constant 98 : i32
      %scan3A_48 = arith.addi %scan3A_46, %scan3A_47 : i32
      %scan3A_49 = arith.constant 1 : i32
      %scan3A_50 = scf.for %scan3A_59 = %scan3A_46 to %scan3A_48 step %scan3A_49 iter_args(%scan3A_60 = %scan3A_45) -> (i32)  : i32 {
        %mul3A_61 = arith.constant 2 : i32
        %mul3A_62 = arith.muli %scan3A_59, %mul3A_61 : i32
        %add3A_63 = arith.constant 0 : i32
        %add3A_64 = arith.addi %mul3A_62, %add3A_63 : i32
        %mul3A_65 = arith.constant 16 : i32
        %mul3A_66 = arith.muli %add3A_64, %mul3A_65 : i32
        %add3A_67 = arith.constant 6272 : i32
        %add3A_68 = arith.addi %add3A_67, %mul3A_66 : i32
        %get3A = arith.index_cast %add3A_68 : i32 to index
        %get3A_69 = tpu.vector_load %arg5[%get3A] {strides = array<i32>} : memref<12544xf32, #tpu.memory_space<vmem>>, vector<16xf32>,
        %exp3A = math.exp %get3A_69 : vector<16xf32>
        %broadcast_in_dim3A_70 = arith.constant true
        %broadcast_in_dim3A_71 = vector.broadcast %broadcast_in_dim3A_70 : i1 to vector<16xi1>
        %masked_cumsum3A = tpu.scan <sum>, %exp3A masked %broadcast_in_dim3A_71 : vector<16xf32>, vector<16xi1> -> vector<16xf32>
        %mul3A_72 = arith.constant 16 : i32
        %mul3A_73 = arith.muli %add3A_64, %mul3A_72 : i32
        %get3A_74 = arith.index_cast %mul3A_73 : i32 to index
        %get3A_75 = tpu.vector_load %arg6[%get3A_74] {strides = array<i32>} : memref<3152xi32, #tpu.memory_space<vmem>>, vector<16xi32>,
        %mul3A_76 = arith.constant 16 : i32
        %mul3A_77 = arith.muli %add3A_64, %mul3A_76 : i32
        %add3A_78 = arith.constant 1 : i32
        %add3A_79 = arith.addi %mul3A_77, %add3A_78 : i32
        %get3A_80 = arith.index_cast %add3A_79 : i32 to index
        %get3A_81 = tpu.vector_load %arg6[%get3A_80] {strides = array<i32>} : memref<3152xi32, #tpu.memory_space<vmem>>, vector<16xi32>,
        %ne3A = arith.cmpi ne, %get3A_75, %get3A_81 : vector<16xi32>
        %add3A_82 = arith.constant 1024 : i32
        %add3A_83 = vector.broadcast %add3A_82 : i32 to vector<16xi32>
        %add3A_84 = arith.addi %get3A_75, %add3A_83 : vector<16xi32>
        %or3A = arith.ori %ne3A, %eq3A_30 : vector<16xi1>
        tpu.vector_store_idx %arg7[%add3A_84], %masked_cumsum3A masked %or3A {add = true} : memref<2048xf32, #tpu.memory_space<vmem>>[vector<16xi32>], vector<16xf32>, vector<16xi1>
        %add3A_85 = arith.constant 1024 : i32
        %add3A_86 = vector.broadcast %add3A_85 : i32 to vector<16xi32>
        %add3A_87 = arith.addi %get3A_81, %add3A_86 : vector<16xi32>
        %neg3A = arith.constant 0.000000e+00 : f32
        %neg3A_88 = vector.broadcast %neg3A : f32 to vector<16xf32>
        %neg3A_89 = arith.subf %neg3A_88, %masked_cumsum3A : vector<16xf32>
        %not3A = arith.constant dense<true> : vector<16xi1>
        %not3A_90 = arith.xori %eq3A_30, %not3A : vector<16xi1>
        %and3A = arith.andi %ne3A, %not3A_90 : vector<16xi1>
        tpu.vector_store_idx %arg7[%add3A_87], %neg3A_89 masked %and3A {add = true} : memref<2048xf32, #tpu.memory_space<vmem>>[vector<16xi32>], vector<16xf32>, vector<16xi1>
        %mul3A_91 = arith.constant 2 : i32
        %mul3A_92 = arith.muli %scan3A_59, %mul3A_91 : i32
        %add3A_93 = arith.constant 1 : i32
        %add3A_94 = arith.addi %mul3A_92, %add3A_93 : i32
        %mul3A_95 = arith.constant 16 : i32
        %mul3A_96 = arith.muli %add3A_94, %mul3A_95 : i32
        %add3A_97 = arith.constant 6272 : i32
        %add3A_98 = arith.addi %add3A_97, %mul3A_96 : i32
        %get3A_99 = arith.index_cast %add3A_98 : i32 to index
        %get3A_100 = tpu.vector_load %arg5[%get3A_99] {strides = array<i32>} : memref<12544xf32, #tpu.memory_space<vmem>>, vector<16xf32>,
        %exp3A_101 = math.exp %get3A_100 : vector<16xf32>
        %broadcast_in_dim3A_102 = arith.constant true
        %broadcast_in_dim3A_103 = vector.broadcast %broadcast_in_dim3A_102 : i1 to vector<16xi1>
        %masked_cumsum3A_104 = tpu.scan <sum>, %exp3A_101 masked %broadcast_in_dim3A_103 : vector<16xf32>, vector<16xi1> -> vector<16xf32>
        %mul3A_105 = arith.constant 16 : i32
        %mul3A_106 = arith.muli %add3A_94, %mul3A_105 : i32
        %get3A_107 = arith.index_cast %mul3A_106 : i32 to index
        %get3A_108 = tpu.vector_load %arg6[%get3A_107] {strides = array<i32>} : memref<3152xi32, #tpu.memory_space<vmem>>, vector<16xi32>,
        %mul3A_109 = arith.constant 16 : i32
        %mul3A_110 = arith.muli %add3A_94, %mul3A_109 : i32
        %add3A_111 = arith.constant 1 : i32
        %add3A_112 = arith.addi %mul3A_110, %add3A_111 : i32
        %get3A_113 = arith.index_cast %add3A_112 : i32 to index
        %get3A_114 = tpu.vector_load %arg6[%get3A_113] {strides = array<i32>} : memref<3152xi32, #tpu.memory_space<vmem>>, vector<16xi32>,
        %ne3A_115 = arith.cmpi ne, %get3A_108, %get3A_114 : vector<16xi32>
        %add3A_116 = arith.constant 1024 : i32
        %add3A_117 = vector.broadcast %add3A_116 : i32 to vector<16xi32>
        %add3A_118 = arith.addi %get3A_108, %add3A_117 : vector<16xi32>
        %or3A_119 = arith.ori %ne3A_115, %eq3A_30 : vector<16xi1>
        tpu.vector_store_idx %arg7[%add3A_118], %masked_cumsum3A_104 masked %or3A_119 {add = true} : memref<2048xf32, #tpu.memory_space<vmem>>[vector<16xi32>], vector<16xf32>, vector<16xi1>
        %add3A_120 = arith.constant 1024 : i32
        %add3A_121 = vector.broadcast %add3A_120 : i32 to vector<16xi32>
        %add3A_122 = arith.addi %get3A_114, %add3A_121 : vector<16xi32>
        %neg3A_123 = arith.constant 0.000000e+00 : f32
        %neg3A_124 = vector.broadcast %neg3A_123 : f32 to vector<16xf32>
        %neg3A_125 = arith.subf %neg3A_124, %masked_cumsum3A_104 : vector<16xf32>
        %not3A_126 = arith.constant dense<true> : vector<16xi1>
        %not3A_127 = arith.xori %eq3A_30, %not3A_126 : vector<16xi1>
        %and3A_128 = arith.andi %ne3A_115, %not3A_127 : vector<16xi1>
        tpu.vector_store_idx %arg7[%add3A_122], %neg3A_125 masked %and3A_128 {add = true} : memref<2048xf32, #tpu.memory_space<vmem>>[vector<16xi32>], vector<16xf32>, vector<16xi1>
        %scan3A_129 = arith.constant 0 : i32
        scf.yield %scan3A_129 : i32
      }
      %scan3A_51 = arith.constant 98 : i32
      %scan3A_52 = arith.constant 0 : i32
      %scan3A_53 = arith.constant 0 : i32
      %scan3A_54 = arith.constant 98 : i32
      %scan3A_55 = arith.addi %scan3A_53, %scan3A_54 : i32
      %scan3A_56 = arith.constant 1 : i32
      %scan3A_57 = scf.for %scan3A_59 = %scan3A_53 to %scan3A_55 step %scan3A_56 iter_args(%scan3A_60 = %scan3A_52) -> (i32)  : i32 {
        %mul3A_61 = arith.constant 2 : i32
        %mul3A_62 = arith.muli %scan3A_59, %mul3A_61 : i32
        %add3A_63 = arith.constant 0 : i32
        %add3A_64 = arith.addi %mul3A_62, %add3A_63 : i32
        %mul3A_65 = arith.constant 16 : i32
        %mul3A_66 = arith.muli %add3A_64, %mul3A_65 : i32
        %add3A_67 = arith.constant 9408 : i32
        %add3A_68 = arith.addi %add3A_67, %mul3A_66 : i32
        %get3A = arith.index_cast %add3A_68 : i32 to index
        %get3A_69 = tpu.vector_load %arg5[%get3A] {strides = array<i32>} : memref<12544xf32, #tpu.memory_space<vmem>>, vector<16xf32>,
        %exp3A = math.exp %get3A_69 : vector<16xf32>
        %broadcast_in_dim3A_70 = arith.constant true
        %broadcast_in_dim3A_71 = vector.broadcast %broadcast_in_dim3A_70 : i1 to vector<16xi1>
        %masked_cumsum3A = tpu.scan <sum>, %exp3A masked %broadcast_in_dim3A_71 : vector<16xf32>, vector<16xi1> -> vector<16xf32>
        %mul3A_72 = arith.constant 16 : i32
        %mul3A_73 = arith.muli %add3A_64, %mul3A_72 : i32
        %get3A_74 = arith.index_cast %mul3A_73 : i32 to index
        %get3A_75 = tpu.vector_load %arg6[%get3A_74] {strides = array<i32>} : memref<3152xi32, #tpu.memory_space<vmem>>, vector<16xi32>,
        %mul3A_76 = arith.constant 16 : i32
        %mul3A_77 = arith.muli %add3A_64, %mul3A_76 : i32
        %add3A_78 = arith.constant 1 : i32
        %add3A_79 = arith.addi %mul3A_77, %add3A_78 : i32
        %get3A_80 = arith.index_cast %add3A_79 : i32 to index
        %get3A_81 = tpu.vector_load %arg6[%get3A_80] {strides = array<i32>} : memref<3152xi32, #tpu.memory_space<vmem>>, vector<16xi32>,
        %ne3A = arith.cmpi ne, %get3A_75, %get3A_81 : vector<16xi32>
        %add3A_82 = arith.constant 1536 : i32
        %add3A_83 = vector.broadcast %add3A_82 : i32 to vector<16xi32>
        %add3A_84 = arith.addi %get3A_75, %add3A_83 : vector<16xi32>
        %or3A = arith.ori %ne3A, %eq3A_30 : vector<16xi1>
        tpu.vector_store_idx %arg7[%add3A_84], %masked_cumsum3A masked %or3A {add = true} : memref<2048xf32, #tpu.memory_space<vmem>>[vector<16xi32>], vector<16xf32>, vector<16xi1>
        %add3A_85 = arith.constant 1536 : i32
        %add3A_86 = vector.broadcast %add3A_85 : i32 to vector<16xi32>
        %add3A_87 = arith.addi %get3A_81, %add3A_86 : vector<16xi32>
        %neg3A = arith.constant 0.000000e+00 : f32
        %neg3A_88 = vector.broadcast %neg3A : f32 to vector<16xf32>
        %neg3A_89 = arith.subf %neg3A_88, %masked_cumsum3A : vector<16xf32>
        %not3A = arith.constant dense<true> : vector<16xi1>
        %not3A_90 = arith.xori %eq3A_30, %not3A : vector<16xi1>
        %and3A = arith.andi %ne3A, %not3A_90 : vector<16xi1>
        tpu.vector_store_idx %arg7[%add3A_87], %neg3A_89 masked %and3A {add = true} : memref<2048xf32, #tpu.memory_space<vmem>>[vector<16xi32>], vector<16xf32>, vector<16xi1>
        %mul3A_91 = arith.constant 2 : i32
        %mul3A_92 = arith.muli %scan3A_59, %mul3A_91 : i32
        %add3A_93 = arith.constant 1 : i32
        %add3A_94 = arith.addi %mul3A_92, %add3A_93 : i32
        %mul3A_95 = arith.constant 16 : i32
        %mul3A_96 = arith.muli %add3A_94, %mul3A_95 : i32
        %add3A_97 = arith.constant 9408 : i32
        %add3A_98 = arith.addi %add3A_97, %mul3A_96 : i32
        %get3A_99 = arith.index_cast %add3A_98 : i32 to index
        %get3A_100 = tpu.vector_load %arg5[%get3A_99] {strides = array<i32>} : memref<12544xf32, #tpu.memory_space<vmem>>, vector<16xf32>,
        %exp3A_101 = math.exp %get3A_100 : vector<16xf32>
        %broadcast_in_dim3A_102 = arith.constant true
        %broadcast_in_dim3A_103 = vector.broadcast %broadcast_in_dim3A_102 : i1 to vector<16xi1>
        %masked_cumsum3A_104 = tpu.scan <sum>, %exp3A_101 masked %broadcast_in_dim3A_103 : vector<16xf32>, vector<16xi1> -> vector<16xf32>
        %mul3A_105 = arith.constant 16 : i32
        %mul3A_106 = arith.muli %add3A_94, %mul3A_105 : i32
        %get3A_107 = arith.index_cast %mul3A_106 : i32 to index
        %get3A_108 = tpu.vector_load %arg6[%get3A_107] {strides = array<i32>} : memref<3152xi32, #tpu.memory_space<vmem>>, vector<16xi32>,
        %mul3A_109 = arith.constant 16 : i32
        %mul3A_110 = arith.muli %add3A_94, %mul3A_109 : i32
        %add3A_111 = arith.constant 1 : i32
        %add3A_112 = arith.addi %mul3A_110, %add3A_111 : i32
        %get3A_113 = arith.index_cast %add3A_112 : i32 to index
        %get3A_114 = tpu.vector_load %arg6[%get3A_113] {strides = array<i32>} : memref<3152xi32, #tpu.memory_space<vmem>>, vector<16xi32>,
        %ne3A_115 = arith.cmpi ne, %get3A_108, %get3A_114 : vector<16xi32>
        %add3A_116 = arith.constant 1536 : i32
        %add3A_117 = vector.broadcast %add3A_116 : i32 to vector<16xi32>
        %add3A_118 = arith.addi %get3A_108, %add3A_117 : vector<16xi32>
        %or3A_119 = arith.ori %ne3A_115, %eq3A_30 : vector<16xi1>
        tpu.vector_store_idx %arg7[%add3A_118], %masked_cumsum3A_104 masked %or3A_119 {add = true} : memref<2048xf32, #tpu.memory_space<vmem>>[vector<16xi32>], vector<16xf32>, vector<16xi1>
        %add3A_120 = arith.constant 1536 : i32
        %add3A_121 = vector.broadcast %add3A_120 : i32 to vector<16xi32>
        %add3A_122 = arith.addi %get3A_114, %add3A_121 : vector<16xi32>
        %neg3A_123 = arith.constant 0.000000e+00 : f32
        %neg3A_124 = vector.broadcast %neg3A_123 : f32 to vector<16xf32>
        %neg3A_125 = arith.subf %neg3A_124, %masked_cumsum3A_104 : vector<16xf32>
        %not3A_126 = arith.constant dense<true> : vector<16xi1>
        %not3A_127 = arith.xori %eq3A_30, %not3A_126 : vector<16xi1>
        %and3A_128 = arith.andi %ne3A_115, %not3A_127 : vector<16xi1>
        tpu.vector_store_idx %arg7[%add3A_122], %neg3A_125 masked %and3A_128 {add = true} : memref<2048xf32, #tpu.memory_space<vmem>>[vector<16xi32>], vector<16xf32>, vector<16xi1>
        %scan3A_129 = arith.constant 0 : i32
        scf.yield %scan3A_129 : i32
      }
      %scan3A_58 = arith.constant 98 : i32
    } else {
    }
    %ge3A = arith.constant 21 : i32
    %ge3A_15 = arith.cmpi sge, %add3A, %ge3A : i32
    %convert_element_type3A_16 = arith.extui %ge3A_15 : i1 to i32
    %cond3A_17 = arith.constant 0 : i32
    %cond3A_18 = arith.cmpi ne, %convert_element_type3A_16, %cond3A_17 : i32
    scf.if %cond3A_18 {
      "tpu.region"() ({
        %run_scoped3A = tpu.sem_alloc : memref<!tpu.dma_semaphore, #tpu.memory_space<semaphore_mem>>
        %dma_start3A = arith.constant 0 : i32
        %dma_start3A_59 = tpu.memref_slice %arg6[%dma_start3A] : memref<3152xi32, #tpu.memory_space<vmem>> -> memref<3104xi32, #tpu.memory_space<vmem>>
        %dma_start3A_60 = tpu.memref_slice %arg3[%mul3A_6] : memref<100000xi32, #tpu.memory_space<hbm>> -> memref<3104xi32, #tpu.memory_space<hbm>>
        %dma_start3A_61 = arith.constant 0 : i32
        %dma_start3A_62 = tpu.memref_slice %arg6[%dma_start3A_61] : memref<3152xi32, #tpu.memory_space<vmem>> -> memref<3104xi32, #tpu.memory_space<vmem>>
        %dma_start3A_63 = tpu.memref_slice %arg3[%mul3A_6] : memref<100000xi32, #tpu.memory_space<hbm>> -> memref<3104xi32, #tpu.memory_space<hbm>>
        tpu.enqueue_dma source(%dma_start3A_63 : memref<3104xi32, #tpu.memory_space<hbm>>) target(%dma_start3A_62 : memref<3104xi32, #tpu.memory_space<vmem>>) target_semaphore(%run_scoped3A : memref<!tpu.dma_semaphore, #tpu.memory_space<semaphore_mem>>)
        %dma_wait3A = arith.constant 0 : i32
        %dma_wait3A_64 = tpu.memref_slice %arg6[%dma_wait3A] : memref<3152xi32, #tpu.memory_space<vmem>> -> memref<3104xi32, #tpu.memory_space<vmem>>
        %dma_wait3A_65 = tpu.memref_slice %arg3[%mul3A_6] : memref<100000xi32, #tpu.memory_space<hbm>> -> memref<3104xi32, #tpu.memory_space<hbm>>
        %dma_wait3A_66 = arith.constant 0 : i32
        %dma_wait3A_67 = tpu.memref_slice %arg6[%dma_wait3A_66] : memref<3152xi32, #tpu.memory_space<vmem>> -> memref<3104xi32, #tpu.memory_space<vmem>>
        %dma_wait3A_68 = tpu.memref_slice %arg3[%mul3A_6] : memref<100000xi32, #tpu.memory_space<hbm>> -> memref<3104xi32, #tpu.memory_space<hbm>>
        tpu.wait_dma2 semaphore(%run_scoped3A : memref<!tpu.dma_semaphore, #tpu.memory_space<semaphore_mem>>) src(%dma_wait3A_68 : memref<3104xi32, #tpu.memory_space<hbm>>) dst(%dma_wait3A_67 : memref<3104xi32, #tpu.memory_space<vmem>>)
        tpu.yield
      }) : () -> ()
      %broadcast_in_dim3A = arith.constant 0 : i32
      %broadcast_in_dim3A_19 = vector.broadcast %broadcast_in_dim3A : i32 to vector<16xi32>
      %swap3A = arith.constant 3104 : index
      %swap3A_20 = tpu.vector_load %arg6[%swap3A] {strides = array<i32>} : memref<3152xi32, #tpu.memory_space<vmem>>, vector<16xi32>,
      tpu.vector_store %arg6[%swap3A], %broadcast_in_dim3A_19 {strides = array<i32>} : memref<3152xi32, #tpu.memory_space<vmem>>, vector<16xi32>,
      %add3A_21 = arith.constant 0 : i32
      %add3A_22 = arith.addi %add3A_21, %mul3A_6 : i32
      "tpu.region"() ({
        %run_scoped3A = tpu.sem_alloc : memref<!tpu.dma_semaphore, #tpu.memory_space<semaphore_mem>>
        %dma_start3A = arith.constant 0 : i32
        %dma_start3A_59 = tpu.memref_slice %arg5[%dma_start3A] : memref<12544xf32, #tpu.memory_space<vmem>> -> memref<3104xf32, #tpu.memory_space<vmem>>
        %dma_start3A_60 = tpu.memref_slice %arg2[%add3A_22] : memref<409600xf32, #tpu.memory_space<hbm>> -> memref<3104xf32, #tpu.memory_space<hbm>>
        %dma_start3A_61 = arith.constant 0 : i32
        %dma_start3A_62 = tpu.memref_slice %arg5[%dma_start3A_61] : memref<12544xf32, #tpu.memory_space<vmem>> -> memref<3104xf32, #tpu.memory_space<vmem>>
        %dma_start3A_63 = tpu.memref_slice %arg2[%add3A_22] : memref<409600xf32, #tpu.memory_space<hbm>> -> memref<3104xf32, #tpu.memory_space<hbm>>
        tpu.enqueue_dma source(%dma_start3A_63 : memref<3104xf32, #tpu.memory_space<hbm>>) target(%dma_start3A_62 : memref<3104xf32, #tpu.memory_space<vmem>>) target_semaphore(%run_scoped3A : memref<!tpu.dma_semaphore, #tpu.memory_space<semaphore_mem>>)
        %dma_wait3A = arith.constant 0 : i32
        %dma_wait3A_64 = tpu.memref_slice %arg5[%dma_wait3A] : memref<12544xf32, #tpu.memory_space<vmem>> -> memref<3104xf32, #tpu.memory_space<vmem>>
        %dma_wait3A_65 = tpu.memref_slice %arg2[%add3A_22] : memref<409600xf32, #tpu.memory_space<hbm>> -> memref<3104xf32, #tpu.memory_space<hbm>>
        %dma_wait3A_66 = arith.constant 0 : i32
        %dma_wait3A_67 = tpu.memref_slice %arg5[%dma_wait3A_66] : memref<12544xf32, #tpu.memory_space<vmem>> -> memref<3104xf32, #tpu.memory_space<vmem>>
        %dma_wait3A_68 = tpu.memref_slice %arg2[%add3A_22] : memref<409600xf32, #tpu.memory_space<hbm>> -> memref<3104xf32, #tpu.memory_space<hbm>>
        tpu.wait_dma2 semaphore(%run_scoped3A : memref<!tpu.dma_semaphore, #tpu.memory_space<semaphore_mem>>) src(%dma_wait3A_68 : memref<3104xf32, #tpu.memory_space<hbm>>) dst(%dma_wait3A_67 : memref<3104xf32, #tpu.memory_space<vmem>>)
        tpu.yield
      }) : () -> ()
      %add3A_23 = arith.constant 102400 : i32
      %add3A_24 = arith.addi %add3A_23, %mul3A_6 : i32
      "tpu.region"() ({
        %run_scoped3A = tpu.sem_alloc : memref<!tpu.dma_semaphore, #tpu.memory_space<semaphore_mem>>
        %dma_start3A = arith.constant 3136 : i32
        %dma_start3A_59 = tpu.memref_slice %arg5[%dma_start3A] : memref<12544xf32, #tpu.memory_space<vmem>> -> memref<3104xf32, #tpu.memory_space<vmem>>
        %dma_start3A_60 = tpu.memref_slice %arg2[%add3A_24] : memref<409600xf32, #tpu.memory_space<hbm>> -> memref<3104xf32, #tpu.memory_space<hbm>>
        %dma_start3A_61 = arith.constant 3136 : i32
        %dma_start3A_62 = tpu.memref_slice %arg5[%dma_start3A_61] : memref<12544xf32, #tpu.memory_space<vmem>> -> memref<3104xf32, #tpu.memory_space<vmem>>
        %dma_start3A_63 = tpu.memref_slice %arg2[%add3A_24] : memref<409600xf32, #tpu.memory_space<hbm>> -> memref<3104xf32, #tpu.memory_space<hbm>>
        tpu.enqueue_dma source(%dma_start3A_63 : memref<3104xf32, #tpu.memory_space<hbm>>) target(%dma_start3A_62 : memref<3104xf32, #tpu.memory_space<vmem>>) target_semaphore(%run_scoped3A : memref<!tpu.dma_semaphore, #tpu.memory_space<semaphore_mem>>)
        %dma_wait3A = arith.constant 3136 : i32
        %dma_wait3A_64 = tpu.memref_slice %arg5[%dma_wait3A] : memref<12544xf32, #tpu.memory_space<vmem>> -> memref<3104xf32, #tpu.memory_space<vmem>>
        %dma_wait3A_65 = tpu.memref_slice %arg2[%add3A_24] : memref<409600xf32, #tpu.memory_space<hbm>> -> memref<3104xf32, #tpu.memory_space<hbm>>
        %dma_wait3A_66 = arith.constant 3136 : i32
        %dma_wait3A_67 = tpu.memref_slice %arg5[%dma_wait3A_66] : memref<12544xf32, #tpu.memory_space<vmem>> -> memref<3104xf32, #tpu.memory_space<vmem>>
        %dma_wait3A_68 = tpu.memref_slice %arg2[%add3A_24] : memref<409600xf32, #tpu.memory_space<hbm>> -> memref<3104xf32, #tpu.memory_space<hbm>>
        tpu.wait_dma2 semaphore(%run_scoped3A : memref<!tpu.dma_semaphore, #tpu.memory_space<semaphore_mem>>) src(%dma_wait3A_68 : memref<3104xf32, #tpu.memory_space<hbm>>) dst(%dma_wait3A_67 : memref<3104xf32, #tpu.memory_space<vmem>>)
        tpu.yield
      }) : () -> ()
      %add3A_25 = arith.constant 204800 : i32
      %add3A_26 = arith.addi %add3A_25, %mul3A_6 : i32
      "tpu.region"() ({
        %run_scoped3A = tpu.sem_alloc : memref<!tpu.dma_semaphore, #tpu.memory_space<semaphore_mem>>
        %dma_start3A = arith.constant 6272 : i32
        %dma_start3A_59 = tpu.memref_slice %arg5[%dma_start3A] : memref<12544xf32, #tpu.memory_space<vmem>> -> memref<3104xf32, #tpu.memory_space<vmem>>
        %dma_start3A_60 = tpu.memref_slice %arg2[%add3A_26] : memref<409600xf32, #tpu.memory_space<hbm>> -> memref<3104xf32, #tpu.memory_space<hbm>>
        %dma_start3A_61 = arith.constant 6272 : i32
        %dma_start3A_62 = tpu.memref_slice %arg5[%dma_start3A_61] : memref<12544xf32, #tpu.memory_space<vmem>> -> memref<3104xf32, #tpu.memory_space<vmem>>
        %dma_start3A_63 = tpu.memref_slice %arg2[%add3A_26] : memref<409600xf32, #tpu.memory_space<hbm>> -> memref<3104xf32, #tpu.memory_space<hbm>>
        tpu.enqueue_dma source(%dma_start3A_63 : memref<3104xf32, #tpu.memory_space<hbm>>) target(%dma_start3A_62 : memref<3104xf32, #tpu.memory_space<vmem>>) target_semaphore(%run_scoped3A : memref<!tpu.dma_semaphore, #tpu.memory_space<semaphore_mem>>)
        %dma_wait3A = arith.constant 6272 : i32
        %dma_wait3A_64 = tpu.memref_slice %arg5[%dma_wait3A] : memref<12544xf32, #tpu.memory_space<vmem>> -> memref<3104xf32, #tpu.memory_space<vmem>>
        %dma_wait3A_65 = tpu.memref_slice %arg2[%add3A_26] : memref<409600xf32, #tpu.memory_space<hbm>> -> memref<3104xf32, #tpu.memory_space<hbm>>
        %dma_wait3A_66 = arith.constant 6272 : i32
        %dma_wait3A_67 = tpu.memref_slice %arg5[%dma_wait3A_66] : memref<12544xf32, #tpu.memory_space<vmem>> -> memref<3104xf32, #tpu.memory_space<vmem>>
        %dma_wait3A_68 = tpu.memref_slice %arg2[%add3A_26] : memref<409600xf32, #tpu.memory_space<hbm>> -> memref<3104xf32, #tpu.memory_space<hbm>>
        tpu.wait_dma2 semaphore(%run_scoped3A : memref<!tpu.dma_semaphore, #tpu.memory_space<semaphore_mem>>) src(%dma_wait3A_68 : memref<3104xf32, #tpu.memory_space<hbm>>) dst(%dma_wait3A_67 : memref<3104xf32, #tpu.memory_space<vmem>>)
        tpu.yield
      }) : () -> ()
      %add3A_27 = arith.constant 307200 : i32
      %add3A_28 = arith.addi %add3A_27, %mul3A_6 : i32
      "tpu.region"() ({
        %run_scoped3A = tpu.sem_alloc : memref<!tpu.dma_semaphore, #tpu.memory_space<semaphore_mem>>
        %dma_start3A = arith.constant 9408 : i32
        %dma_start3A_59 = tpu.memref_slice %arg5[%dma_start3A] : memref<12544xf32, #tpu.memory_space<vmem>> -> memref<3104xf32, #tpu.memory_space<vmem>>
        %dma_start3A_60 = tpu.memref_slice %arg2[%add3A_28] : memref<409600xf32, #tpu.memory_space<hbm>> -> memref<3104xf32, #tpu.memory_space<hbm>>
        %dma_start3A_61 = arith.constant 9408 : i32
        %dma_start3A_62 = tpu.memref_slice %arg5[%dma_start3A_61] : memref<12544xf32, #tpu.memory_space<vmem>> -> memref<3104xf32, #tpu.memory_space<vmem>>
        %dma_start3A_63 = tpu.memref_slice %arg2[%add3A_28] : memref<409600xf32, #tpu.memory_space<hbm>> -> memref<3104xf32, #tpu.memory_space<hbm>>
        tpu.enqueue_dma source(%dma_start3A_63 : memref<3104xf32, #tpu.memory_space<hbm>>) target(%dma_start3A_62 : memref<3104xf32, #tpu.memory_space<vmem>>) target_semaphore(%run_scoped3A : memref<!tpu.dma_semaphore, #tpu.memory_space<semaphore_mem>>)
        %dma_wait3A = arith.constant 9408 : i32
        %dma_wait3A_64 = tpu.memref_slice %arg5[%dma_wait3A] : memref<12544xf32, #tpu.memory_space<vmem>> -> memref<3104xf32, #tpu.memory_space<vmem>>
        %dma_wait3A_65 = tpu.memref_slice %arg2[%add3A_28] : memref<409600xf32, #tpu.memory_space<hbm>> -> memref<3104xf32, #tpu.memory_space<hbm>>
        %dma_wait3A_66 = arith.constant 9408 : i32
        %dma_wait3A_67 = tpu.memref_slice %arg5[%dma_wait3A_66] : memref<12544xf32, #tpu.memory_space<vmem>> -> memref<3104xf32, #tpu.memory_space<vmem>>
        %dma_wait3A_68 = tpu.memref_slice %arg2[%add3A_28] : memref<409600xf32, #tpu.memory_space<hbm>> -> memref<3104xf32, #tpu.memory_space<hbm>>
        tpu.wait_dma2 semaphore(%run_scoped3A : memref<!tpu.dma_semaphore, #tpu.memory_space<semaphore_mem>>) src(%dma_wait3A_68 : memref<3104xf32, #tpu.memory_space<hbm>>) dst(%dma_wait3A_67 : memref<3104xf32, #tpu.memory_space<vmem>>)
        tpu.yield
      }) : () -> ()
      %iota3A = tpu.iota {dimensions = array<i32: 0>} : vector<16xi32>
      %eq3A = arith.constant 15 : i32
      %eq3A_29 = vector.broadcast %eq3A : i32 to vector<16xi32>
      %eq3A_30 = arith.cmpi eq, %iota3A, %eq3A_29 : vector<16xi32>
      %scan3A_31 = arith.constant 0 : i32
      %scan3A_32 = arith.constant 0 : i32
      %scan3A_33 = arith.constant 97 : i32
      %scan3A_34 = arith.addi %scan3A_32, %scan3A_33 : i32
      %scan3A_35 = arith.constant 1 : i32
      %scan3A_36 = scf.for %scan3A_59 = %scan3A_32 to %scan3A_34 step %scan3A_35 iter_args(%scan3A_60 = %scan3A_31) -> (i32)  : i32 {
        %mul3A_61 = arith.constant 2 : i32
        %mul3A_62 = arith.muli %scan3A_59, %mul3A_61 : i32
        %add3A_63 = arith.constant 0 : i32
        %add3A_64 = arith.addi %mul3A_62, %add3A_63 : i32
        %mul3A_65 = arith.constant 16 : i32
        %mul3A_66 = arith.muli %add3A_64, %mul3A_65 : i32
        %add3A_67 = arith.constant 0 : i32
        %add3A_68 = arith.addi %add3A_67, %mul3A_66 : i32
        %get3A = arith.index_cast %add3A_68 : i32 to index
        %get3A_69 = tpu.vector_load %arg5[%get3A] {strides = array<i32>} : memref<12544xf32, #tpu.memory_space<vmem>>, vector<16xf32>,
        %exp3A = math.exp %get3A_69 : vector<16xf32>
        %broadcast_in_dim3A_70 = arith.constant true
        %broadcast_in_dim3A_71 = vector.broadcast %broadcast_in_dim3A_70 : i1 to vector<16xi1>
        %masked_cumsum3A = tpu.scan <sum>, %exp3A masked %broadcast_in_dim3A_71 : vector<16xf32>, vector<16xi1> -> vector<16xf32>
        %mul3A_72 = arith.constant 16 : i32
        %mul3A_73 = arith.muli %add3A_64, %mul3A_72 : i32
        %get3A_74 = arith.index_cast %mul3A_73 : i32 to index
        %get3A_75 = tpu.vector_load %arg6[%get3A_74] {strides = array<i32>} : memref<3152xi32, #tpu.memory_space<vmem>>, vector<16xi32>,
        %mul3A_76 = arith.constant 16 : i32
        %mul3A_77 = arith.muli %add3A_64, %mul3A_76 : i32
        %add3A_78 = arith.constant 1 : i32
        %add3A_79 = arith.addi %mul3A_77, %add3A_78 : i32
        %get3A_80 = arith.index_cast %add3A_79 : i32 to index
        %get3A_81 = tpu.vector_load %arg6[%get3A_80] {strides = array<i32>} : memref<3152xi32, #tpu.memory_space<vmem>>, vector<16xi32>,
        %ne3A = arith.cmpi ne, %get3A_75, %get3A_81 : vector<16xi32>
        %add3A_82 = arith.constant 0 : i32
        %add3A_83 = vector.broadcast %add3A_82 : i32 to vector<16xi32>
        %add3A_84 = arith.addi %get3A_75, %add3A_83 : vector<16xi32>
        %or3A = arith.ori %ne3A, %eq3A_30 : vector<16xi1>
        tpu.vector_store_idx %arg7[%add3A_84], %masked_cumsum3A masked %or3A {add = true} : memref<2048xf32, #tpu.memory_space<vmem>>[vector<16xi32>], vector<16xf32>, vector<16xi1>
        %add3A_85 = arith.constant 0 : i32
        %add3A_86 = vector.broadcast %add3A_85 : i32 to vector<16xi32>
        %add3A_87 = arith.addi %get3A_81, %add3A_86 : vector<16xi32>
        %neg3A = arith.constant 0.000000e+00 : f32
        %neg3A_88 = vector.broadcast %neg3A : f32 to vector<16xf32>
        %neg3A_89 = arith.subf %neg3A_88, %masked_cumsum3A : vector<16xf32>
        %not3A = arith.constant dense<true> : vector<16xi1>
        %not3A_90 = arith.xori %eq3A_30, %not3A : vector<16xi1>
        %and3A = arith.andi %ne3A, %not3A_90 : vector<16xi1>
        tpu.vector_store_idx %arg7[%add3A_87], %neg3A_89 masked %and3A {add = true} : memref<2048xf32, #tpu.memory_space<vmem>>[vector<16xi32>], vector<16xf32>, vector<16xi1>
        %mul3A_91 = arith.constant 2 : i32
        %mul3A_92 = arith.muli %scan3A_59, %mul3A_91 : i32
        %add3A_93 = arith.constant 1 : i32
        %add3A_94 = arith.addi %mul3A_92, %add3A_93 : i32
        %mul3A_95 = arith.constant 16 : i32
        %mul3A_96 = arith.muli %add3A_94, %mul3A_95 : i32
        %add3A_97 = arith.constant 0 : i32
        %add3A_98 = arith.addi %add3A_97, %mul3A_96 : i32
        %get3A_99 = arith.index_cast %add3A_98 : i32 to index
        %get3A_100 = tpu.vector_load %arg5[%get3A_99] {strides = array<i32>} : memref<12544xf32, #tpu.memory_space<vmem>>, vector<16xf32>,
        %exp3A_101 = math.exp %get3A_100 : vector<16xf32>
        %broadcast_in_dim3A_102 = arith.constant true
        %broadcast_in_dim3A_103 = vector.broadcast %broadcast_in_dim3A_102 : i1 to vector<16xi1>
        %masked_cumsum3A_104 = tpu.scan <sum>, %exp3A_101 masked %broadcast_in_dim3A_103 : vector<16xf32>, vector<16xi1> -> vector<16xf32>
        %mul3A_105 = arith.constant 16 : i32
        %mul3A_106 = arith.muli %add3A_94, %mul3A_105 : i32
        %get3A_107 = arith.index_cast %mul3A_106 : i32 to index
        %get3A_108 = tpu.vector_load %arg6[%get3A_107] {strides = array<i32>} : memref<3152xi32, #tpu.memory_space<vmem>>, vector<16xi32>,
        %mul3A_109 = arith.constant 16 : i32
        %mul3A_110 = arith.muli %add3A_94, %mul3A_109 : i32
        %add3A_111 = arith.constant 1 : i32
        %add3A_112 = arith.addi %mul3A_110, %add3A_111 : i32
        %get3A_113 = arith.index_cast %add3A_112 : i32 to index
        %get3A_114 = tpu.vector_load %arg6[%get3A_113] {strides = array<i32>} : memref<3152xi32, #tpu.memory_space<vmem>>, vector<16xi32>,
        %ne3A_115 = arith.cmpi ne, %get3A_108, %get3A_114 : vector<16xi32>
        %add3A_116 = arith.constant 0 : i32
        %add3A_117 = vector.broadcast %add3A_116 : i32 to vector<16xi32>
        %add3A_118 = arith.addi %get3A_108, %add3A_117 : vector<16xi32>
        %or3A_119 = arith.ori %ne3A_115, %eq3A_30 : vector<16xi1>
        tpu.vector_store_idx %arg7[%add3A_118], %masked_cumsum3A_104 masked %or3A_119 {add = true} : memref<2048xf32, #tpu.memory_space<vmem>>[vector<16xi32>], vector<16xf32>, vector<16xi1>
        %add3A_120 = arith.constant 0 : i32
        %add3A_121 = vector.broadcast %add3A_120 : i32 to vector<16xi32>
        %add3A_122 = arith.addi %get3A_114, %add3A_121 : vector<16xi32>
        %neg3A_123 = arith.constant 0.000000e+00 : f32
        %neg3A_124 = vector.broadcast %neg3A_123 : f32 to vector<16xf32>
        %neg3A_125 = arith.subf %neg3A_124, %masked_cumsum3A_104 : vector<16xf32>
        %not3A_126 = arith.constant dense<true> : vector<16xi1>
        %not3A_127 = arith.xori %eq3A_30, %not3A_126 : vector<16xi1>
        %and3A_128 = arith.andi %ne3A_115, %not3A_127 : vector<16xi1>
        tpu.vector_store_idx %arg7[%add3A_122], %neg3A_125 masked %and3A_128 {add = true} : memref<2048xf32, #tpu.memory_space<vmem>>[vector<16xi32>], vector<16xf32>, vector<16xi1>
        %scan3A_129 = arith.constant 0 : i32
        scf.yield %scan3A_129 : i32
      }
      %scan3A_37 = arith.constant 97 : i32
      %scan3A_38 = arith.constant 0 : i32
      %scan3A_39 = arith.constant 0 : i32
      %scan3A_40 = arith.constant 97 : i32
      %scan3A_41 = arith.addi %scan3A_39, %scan3A_40 : i32
      %scan3A_42 = arith.constant 1 : i32
      %scan3A_43 = scf.for %scan3A_59 = %scan3A_39 to %scan3A_41 step %scan3A_42 iter_args(%scan3A_60 = %scan3A_38) -> (i32)  : i32 {
        %mul3A_61 = arith.constant 2 : i32
        %mul3A_62 = arith.muli %scan3A_59, %mul3A_61 : i32
        %add3A_63 = arith.constant 0 : i32
        %add3A_64 = arith.addi %mul3A_62, %add3A_63 : i32
        %mul3A_65 = arith.constant 16 : i32
        %mul3A_66 = arith.muli %add3A_64, %mul3A_65 : i32
        %add3A_67 = arith.constant 3136 : i32
        %add3A_68 = arith.addi %add3A_67, %mul3A_66 : i32
        %get3A = arith.index_cast %add3A_68 : i32 to index
        %get3A_69 = tpu.vector_load %arg5[%get3A] {strides = array<i32>} : memref<12544xf32, #tpu.memory_space<vmem>>, vector<16xf32>,
        %exp3A = math.exp %get3A_69 : vector<16xf32>
        %broadcast_in_dim3A_70 = arith.constant true
        %broadcast_in_dim3A_71 = vector.broadcast %broadcast_in_dim3A_70 : i1 to vector<16xi1>
        %masked_cumsum3A = tpu.scan <sum>, %exp3A masked %broadcast_in_dim3A_71 : vector<16xf32>, vector<16xi1> -> vector<16xf32>
        %mul3A_72 = arith.constant 16 : i32
        %mul3A_73 = arith.muli %add3A_64, %mul3A_72 : i32
        %get3A_74 = arith.index_cast %mul3A_73 : i32 to index
        %get3A_75 = tpu.vector_load %arg6[%get3A_74] {strides = array<i32>} : memref<3152xi32, #tpu.memory_space<vmem>>, vector<16xi32>,
        %mul3A_76 = arith.constant 16 : i32
        %mul3A_77 = arith.muli %add3A_64, %mul3A_76 : i32
        %add3A_78 = arith.constant 1 : i32
        %add3A_79 = arith.addi %mul3A_77, %add3A_78 : i32
        %get3A_80 = arith.index_cast %add3A_79 : i32 to index
        %get3A_81 = tpu.vector_load %arg6[%get3A_80] {strides = array<i32>} : memref<3152xi32, #tpu.memory_space<vmem>>, vector<16xi32>,
        %ne3A = arith.cmpi ne, %get3A_75, %get3A_81 : vector<16xi32>
        %add3A_82 = arith.constant 512 : i32
        %add3A_83 = vector.broadcast %add3A_82 : i32 to vector<16xi32>
        %add3A_84 = arith.addi %get3A_75, %add3A_83 : vector<16xi32>
        %or3A = arith.ori %ne3A, %eq3A_30 : vector<16xi1>
        tpu.vector_store_idx %arg7[%add3A_84], %masked_cumsum3A masked %or3A {add = true} : memref<2048xf32, #tpu.memory_space<vmem>>[vector<16xi32>], vector<16xf32>, vector<16xi1>
        %add3A_85 = arith.constant 512 : i32
        %add3A_86 = vector.broadcast %add3A_85 : i32 to vector<16xi32>
        %add3A_87 = arith.addi %get3A_81, %add3A_86 : vector<16xi32>
        %neg3A = arith.constant 0.000000e+00 : f32
        %neg3A_88 = vector.broadcast %neg3A : f32 to vector<16xf32>
        %neg3A_89 = arith.subf %neg3A_88, %masked_cumsum3A : vector<16xf32>
        %not3A = arith.constant dense<true> : vector<16xi1>
        %not3A_90 = arith.xori %eq3A_30, %not3A : vector<16xi1>
        %and3A = arith.andi %ne3A, %not3A_90 : vector<16xi1>
        tpu.vector_store_idx %arg7[%add3A_87], %neg3A_89 masked %and3A {add = true} : memref<2048xf32, #tpu.memory_space<vmem>>[vector<16xi32>], vector<16xf32>, vector<16xi1>
        %mul3A_91 = arith.constant 2 : i32
        %mul3A_92 = arith.muli %scan3A_59, %mul3A_91 : i32
        %add3A_93 = arith.constant 1 : i32
        %add3A_94 = arith.addi %mul3A_92, %add3A_93 : i32
        %mul3A_95 = arith.constant 16 : i32
        %mul3A_96 = arith.muli %add3A_94, %mul3A_95 : i32
        %add3A_97 = arith.constant 3136 : i32
        %add3A_98 = arith.addi %add3A_97, %mul3A_96 : i32
        %get3A_99 = arith.index_cast %add3A_98 : i32 to index
        %get3A_100 = tpu.vector_load %arg5[%get3A_99] {strides = array<i32>} : memref<12544xf32, #tpu.memory_space<vmem>>, vector<16xf32>,
        %exp3A_101 = math.exp %get3A_100 : vector<16xf32>
        %broadcast_in_dim3A_102 = arith.constant true
        %broadcast_in_dim3A_103 = vector.broadcast %broadcast_in_dim3A_102 : i1 to vector<16xi1>
        %masked_cumsum3A_104 = tpu.scan <sum>, %exp3A_101 masked %broadcast_in_dim3A_103 : vector<16xf32>, vector<16xi1> -> vector<16xf32>
        %mul3A_105 = arith.constant 16 : i32
        %mul3A_106 = arith.muli %add3A_94, %mul3A_105 : i32
        %get3A_107 = arith.index_cast %mul3A_106 : i32 to index
        %get3A_108 = tpu.vector_load %arg6[%get3A_107] {strides = array<i32>} : memref<3152xi32, #tpu.memory_space<vmem>>, vector<16xi32>,
        %mul3A_109 = arith.constant 16 : i32
        %mul3A_110 = arith.muli %add3A_94, %mul3A_109 : i32
        %add3A_111 = arith.constant 1 : i32
        %add3A_112 = arith.addi %mul3A_110, %add3A_111 : i32
        %get3A_113 = arith.index_cast %add3A_112 : i32 to index
        %get3A_114 = tpu.vector_load %arg6[%get3A_113] {strides = array<i32>} : memref<3152xi32, #tpu.memory_space<vmem>>, vector<16xi32>,
        %ne3A_115 = arith.cmpi ne, %get3A_108, %get3A_114 : vector<16xi32>
        %add3A_116 = arith.constant 512 : i32
        %add3A_117 = vector.broadcast %add3A_116 : i32 to vector<16xi32>
        %add3A_118 = arith.addi %get3A_108, %add3A_117 : vector<16xi32>
        %or3A_119 = arith.ori %ne3A_115, %eq3A_30 : vector<16xi1>
        tpu.vector_store_idx %arg7[%add3A_118], %masked_cumsum3A_104 masked %or3A_119 {add = true} : memref<2048xf32, #tpu.memory_space<vmem>>[vector<16xi32>], vector<16xf32>, vector<16xi1>
        %add3A_120 = arith.constant 512 : i32
        %add3A_121 = vector.broadcast %add3A_120 : i32 to vector<16xi32>
        %add3A_122 = arith.addi %get3A_114, %add3A_121 : vector<16xi32>
        %neg3A_123 = arith.constant 0.000000e+00 : f32
        %neg3A_124 = vector.broadcast %neg3A_123 : f32 to vector<16xf32>
        %neg3A_125 = arith.subf %neg3A_124, %masked_cumsum3A_104 : vector<16xf32>
        %not3A_126 = arith.constant dense<true> : vector<16xi1>
        %not3A_127 = arith.xori %eq3A_30, %not3A_126 : vector<16xi1>
        %and3A_128 = arith.andi %ne3A_115, %not3A_127 : vector<16xi1>
        tpu.vector_store_idx %arg7[%add3A_122], %neg3A_125 masked %and3A_128 {add = true} : memref<2048xf32, #tpu.memory_space<vmem>>[vector<16xi32>], vector<16xf32>, vector<16xi1>
        %scan3A_129 = arith.constant 0 : i32
        scf.yield %scan3A_129 : i32
      }
      %scan3A_44 = arith.constant 97 : i32
      %scan3A_45 = arith.constant 0 : i32
      %scan3A_46 = arith.constant 0 : i32
      %scan3A_47 = arith.constant 97 : i32
      %scan3A_48 = arith.addi %scan3A_46, %scan3A_47 : i32
      %scan3A_49 = arith.constant 1 : i32
      %scan3A_50 = scf.for %scan3A_59 = %scan3A_46 to %scan3A_48 step %scan3A_49 iter_args(%scan3A_60 = %scan3A_45) -> (i32)  : i32 {
        %mul3A_61 = arith.constant 2 : i32
        %mul3A_62 = arith.muli %scan3A_59, %mul3A_61 : i32
        %add3A_63 = arith.constant 0 : i32
        %add3A_64 = arith.addi %mul3A_62, %add3A_63 : i32
        %mul3A_65 = arith.constant 16 : i32
        %mul3A_66 = arith.muli %add3A_64, %mul3A_65 : i32
        %add3A_67 = arith.constant 6272 : i32
        %add3A_68 = arith.addi %add3A_67, %mul3A_66 : i32
        %get3A = arith.index_cast %add3A_68 : i32 to index
        %get3A_69 = tpu.vector_load %arg5[%get3A] {strides = array<i32>} : memref<12544xf32, #tpu.memory_space<vmem>>, vector<16xf32>,
        %exp3A = math.exp %get3A_69 : vector<16xf32>
        %broadcast_in_dim3A_70 = arith.constant true
        %broadcast_in_dim3A_71 = vector.broadcast %broadcast_in_dim3A_70 : i1 to vector<16xi1>
        %masked_cumsum3A = tpu.scan <sum>, %exp3A masked %broadcast_in_dim3A_71 : vector<16xf32>, vector<16xi1> -> vector<16xf32>
        %mul3A_72 = arith.constant 16 : i32
        %mul3A_73 = arith.muli %add3A_64, %mul3A_72 : i32
        %get3A_74 = arith.index_cast %mul3A_73 : i32 to index
        %get3A_75 = tpu.vector_load %arg6[%get3A_74] {strides = array<i32>} : memref<3152xi32, #tpu.memory_space<vmem>>, vector<16xi32>,
        %mul3A_76 = arith.constant 16 : i32
        %mul3A_77 = arith.muli %add3A_64, %mul3A_76 : i32
        %add3A_78 = arith.constant 1 : i32
        %add3A_79 = arith.addi %mul3A_77, %add3A_78 : i32
        %get3A_80 = arith.index_cast %add3A_79 : i32 to index
        %get3A_81 = tpu.vector_load %arg6[%get3A_80] {strides = array<i32>} : memref<3152xi32, #tpu.memory_space<vmem>>, vector<16xi32>,
        %ne3A = arith.cmpi ne, %get3A_75, %get3A_81 : vector<16xi32>
        %add3A_82 = arith.constant 1024 : i32
        %add3A_83 = vector.broadcast %add3A_82 : i32 to vector<16xi32>
        %add3A_84 = arith.addi %get3A_75, %add3A_83 : vector<16xi32>
        %or3A = arith.ori %ne3A, %eq3A_30 : vector<16xi1>
        tpu.vector_store_idx %arg7[%add3A_84], %masked_cumsum3A masked %or3A {add = true} : memref<2048xf32, #tpu.memory_space<vmem>>[vector<16xi32>], vector<16xf32>, vector<16xi1>
        %add3A_85 = arith.constant 1024 : i32
        %add3A_86 = vector.broadcast %add3A_85 : i32 to vector<16xi32>
        %add3A_87 = arith.addi %get3A_81, %add3A_86 : vector<16xi32>
        %neg3A = arith.constant 0.000000e+00 : f32
        %neg3A_88 = vector.broadcast %neg3A : f32 to vector<16xf32>
        %neg3A_89 = arith.subf %neg3A_88, %masked_cumsum3A : vector<16xf32>
        %not3A = arith.constant dense<true> : vector<16xi1>
        %not3A_90 = arith.xori %eq3A_30, %not3A : vector<16xi1>
        %and3A = arith.andi %ne3A, %not3A_90 : vector<16xi1>
        tpu.vector_store_idx %arg7[%add3A_87], %neg3A_89 masked %and3A {add = true} : memref<2048xf32, #tpu.memory_space<vmem>>[vector<16xi32>], vector<16xf32>, vector<16xi1>
        %mul3A_91 = arith.constant 2 : i32
        %mul3A_92 = arith.muli %scan3A_59, %mul3A_91 : i32
        %add3A_93 = arith.constant 1 : i32
        %add3A_94 = arith.addi %mul3A_92, %add3A_93 : i32
        %mul3A_95 = arith.constant 16 : i32
        %mul3A_96 = arith.muli %add3A_94, %mul3A_95 : i32
        %add3A_97 = arith.constant 6272 : i32
        %add3A_98 = arith.addi %add3A_97, %mul3A_96 : i32
        %get3A_99 = arith.index_cast %add3A_98 : i32 to index
        %get3A_100 = tpu.vector_load %arg5[%get3A_99] {strides = array<i32>} : memref<12544xf32, #tpu.memory_space<vmem>>, vector<16xf32>,
        %exp3A_101 = math.exp %get3A_100 : vector<16xf32>
        %broadcast_in_dim3A_102 = arith.constant true
        %broadcast_in_dim3A_103 = vector.broadcast %broadcast_in_dim3A_102 : i1 to vector<16xi1>
        %masked_cumsum3A_104 = tpu.scan <sum>, %exp3A_101 masked %broadcast_in_dim3A_103 : vector<16xf32>, vector<16xi1> -> vector<16xf32>
        %mul3A_105 = arith.constant 16 : i32
        %mul3A_106 = arith.muli %add3A_94, %mul3A_105 : i32
        %get3A_107 = arith.index_cast %mul3A_106 : i32 to index
        %get3A_108 = tpu.vector_load %arg6[%get3A_107] {strides = array<i32>} : memref<3152xi32, #tpu.memory_space<vmem>>, vector<16xi32>,
        %mul3A_109 = arith.constant 16 : i32
        %mul3A_110 = arith.muli %add3A_94, %mul3A_109 : i32
        %add3A_111 = arith.constant 1 : i32
        %add3A_112 = arith.addi %mul3A_110, %add3A_111 : i32
        %get3A_113 = arith.index_cast %add3A_112 : i32 to index
        %get3A_114 = tpu.vector_load %arg6[%get3A_113] {strides = array<i32>} : memref<3152xi32, #tpu.memory_space<vmem>>, vector<16xi32>,
        %ne3A_115 = arith.cmpi ne, %get3A_108, %get3A_114 : vector<16xi32>
        %add3A_116 = arith.constant 1024 : i32
        %add3A_117 = vector.broadcast %add3A_116 : i32 to vector<16xi32>
        %add3A_118 = arith.addi %get3A_108, %add3A_117 : vector<16xi32>
        %or3A_119 = arith.ori %ne3A_115, %eq3A_30 : vector<16xi1>
        tpu.vector_store_idx %arg7[%add3A_118], %masked_cumsum3A_104 masked %or3A_119 {add = true} : memref<2048xf32, #tpu.memory_space<vmem>>[vector<16xi32>], vector<16xf32>, vector<16xi1>
        %add3A_120 = arith.constant 1024 : i32
        %add3A_121 = vector.broadcast %add3A_120 : i32 to vector<16xi32>
        %add3A_122 = arith.addi %get3A_114, %add3A_121 : vector<16xi32>
        %neg3A_123 = arith.constant 0.000000e+00 : f32
        %neg3A_124 = vector.broadcast %neg3A_123 : f32 to vector<16xf32>
        %neg3A_125 = arith.subf %neg3A_124, %masked_cumsum3A_104 : vector<16xf32>
        %not3A_126 = arith.constant dense<true> : vector<16xi1>
        %not3A_127 = arith.xori %eq3A_30, %not3A_126 : vector<16xi1>
        %and3A_128 = arith.andi %ne3A_115, %not3A_127 : vector<16xi1>
        tpu.vector_store_idx %arg7[%add3A_122], %neg3A_125 masked %and3A_128 {add = true} : memref<2048xf32, #tpu.memory_space<vmem>>[vector<16xi32>], vector<16xf32>, vector<16xi1>
        %scan3A_129 = arith.constant 0 : i32
        scf.yield %scan3A_129 : i32
      }
      %scan3A_51 = arith.constant 97 : i32
      %scan3A_52 = arith.constant 0 : i32
      %scan3A_53 = arith.constant 0 : i32
      %scan3A_54 = arith.constant 97 : i32
      %scan3A_55 = arith.addi %scan3A_53, %scan3A_54 : i32
      %scan3A_56 = arith.constant 1 : i32
      %scan3A_57 = scf.for %scan3A_59 = %scan3A_53 to %scan3A_55 step %scan3A_56 iter_args(%scan3A_60 = %scan3A_52) -> (i32)  : i32 {
        %mul3A_61 = arith.constant 2 : i32
        %mul3A_62 = arith.muli %scan3A_59, %mul3A_61 : i32
        %add3A_63 = arith.constant 0 : i32
        %add3A_64 = arith.addi %mul3A_62, %add3A_63 : i32
        %mul3A_65 = arith.constant 16 : i32
        %mul3A_66 = arith.muli %add3A_64, %mul3A_65 : i32
        %add3A_67 = arith.constant 9408 : i32
        %add3A_68 = arith.addi %add3A_67, %mul3A_66 : i32
        %get3A = arith.index_cast %add3A_68 : i32 to index
        %get3A_69 = tpu.vector_load %arg5[%get3A] {strides = array<i32>} : memref<12544xf32, #tpu.memory_space<vmem>>, vector<16xf32>,
        %exp3A = math.exp %get3A_69 : vector<16xf32>
        %broadcast_in_dim3A_70 = arith.constant true
        %broadcast_in_dim3A_71 = vector.broadcast %broadcast_in_dim3A_70 : i1 to vector<16xi1>
        %masked_cumsum3A = tpu.scan <sum>, %exp3A masked %broadcast_in_dim3A_71 : vector<16xf32>, vector<16xi1> -> vector<16xf32>
        %mul3A_72 = arith.constant 16 : i32
        %mul3A_73 = arith.muli %add3A_64, %mul3A_72 : i32
        %get3A_74 = arith.index_cast %mul3A_73 : i32 to index
        %get3A_75 = tpu.vector_load %arg6[%get3A_74] {strides = array<i32>} : memref<3152xi32, #tpu.memory_space<vmem>>, vector<16xi32>,
        %mul3A_76 = arith.constant 16 : i32
        %mul3A_77 = arith.muli %add3A_64, %mul3A_76 : i32
        %add3A_78 = arith.constant 1 : i32
        %add3A_79 = arith.addi %mul3A_77, %add3A_78 : i32
        %get3A_80 = arith.index_cast %add3A_79 : i32 to index
        %get3A_81 = tpu.vector_load %arg6[%get3A_80] {strides = array<i32>} : memref<3152xi32, #tpu.memory_space<vmem>>, vector<16xi32>,
        %ne3A = arith.cmpi ne, %get3A_75, %get3A_81 : vector<16xi32>
        %add3A_82 = arith.constant 1536 : i32
        %add3A_83 = vector.broadcast %add3A_82 : i32 to vector<16xi32>
        %add3A_84 = arith.addi %get3A_75, %add3A_83 : vector<16xi32>
        %or3A = arith.ori %ne3A, %eq3A_30 : vector<16xi1>
        tpu.vector_store_idx %arg7[%add3A_84], %masked_cumsum3A masked %or3A {add = true} : memref<2048xf32, #tpu.memory_space<vmem>>[vector<16xi32>], vector<16xf32>, vector<16xi1>
        %add3A_85 = arith.constant 1536 : i32
        %add3A_86 = vector.broadcast %add3A_85 : i32 to vector<16xi32>
        %add3A_87 = arith.addi %get3A_81, %add3A_86 : vector<16xi32>
        %neg3A = arith.constant 0.000000e+00 : f32
        %neg3A_88 = vector.broadcast %neg3A : f32 to vector<16xf32>
        %neg3A_89 = arith.subf %neg3A_88, %masked_cumsum3A : vector<16xf32>
        %not3A = arith.constant dense<true> : vector<16xi1>
        %not3A_90 = arith.xori %eq3A_30, %not3A : vector<16xi1>
        %and3A = arith.andi %ne3A, %not3A_90 : vector<16xi1>
        tpu.vector_store_idx %arg7[%add3A_87], %neg3A_89 masked %and3A {add = true} : memref<2048xf32, #tpu.memory_space<vmem>>[vector<16xi32>], vector<16xf32>, vector<16xi1>
        %mul3A_91 = arith.constant 2 : i32
        %mul3A_92 = arith.muli %scan3A_59, %mul3A_91 : i32
        %add3A_93 = arith.constant 1 : i32
        %add3A_94 = arith.addi %mul3A_92, %add3A_93 : i32
        %mul3A_95 = arith.constant 16 : i32
        %mul3A_96 = arith.muli %add3A_94, %mul3A_95 : i32
        %add3A_97 = arith.constant 9408 : i32
        %add3A_98 = arith.addi %add3A_97, %mul3A_96 : i32
        %get3A_99 = arith.index_cast %add3A_98 : i32 to index
        %get3A_100 = tpu.vector_load %arg5[%get3A_99] {strides = array<i32>} : memref<12544xf32, #tpu.memory_space<vmem>>, vector<16xf32>,
        %exp3A_101 = math.exp %get3A_100 : vector<16xf32>
        %broadcast_in_dim3A_102 = arith.constant true
        %broadcast_in_dim3A_103 = vector.broadcast %broadcast_in_dim3A_102 : i1 to vector<16xi1>
        %masked_cumsum3A_104 = tpu.scan <sum>, %exp3A_101 masked %broadcast_in_dim3A_103 : vector<16xf32>, vector<16xi1> -> vector<16xf32>
        %mul3A_105 = arith.constant 16 : i32
        %mul3A_106 = arith.muli %add3A_94, %mul3A_105 : i32
        %get3A_107 = arith.index_cast %mul3A_106 : i32 to index
        %get3A_108 = tpu.vector_load %arg6[%get3A_107] {strides = array<i32>} : memref<3152xi32, #tpu.memory_space<vmem>>, vector<16xi32>,
        %mul3A_109 = arith.constant 16 : i32
        %mul3A_110 = arith.muli %add3A_94, %mul3A_109 : i32
        %add3A_111 = arith.constant 1 : i32
        %add3A_112 = arith.addi %mul3A_110, %add3A_111 : i32
        %get3A_113 = arith.index_cast %add3A_112 : i32 to index
        %get3A_114 = tpu.vector_load %arg6[%get3A_113] {strides = array<i32>} : memref<3152xi32, #tpu.memory_space<vmem>>, vector<16xi32>,
        %ne3A_115 = arith.cmpi ne, %get3A_108, %get3A_114 : vector<16xi32>
        %add3A_116 = arith.constant 1536 : i32
        %add3A_117 = vector.broadcast %add3A_116 : i32 to vector<16xi32>
        %add3A_118 = arith.addi %get3A_108, %add3A_117 : vector<16xi32>
        %or3A_119 = arith.ori %ne3A_115, %eq3A_30 : vector<16xi1>
        tpu.vector_store_idx %arg7[%add3A_118], %masked_cumsum3A_104 masked %or3A_119 {add = true} : memref<2048xf32, #tpu.memory_space<vmem>>[vector<16xi32>], vector<16xf32>, vector<16xi1>
        %add3A_120 = arith.constant 1536 : i32
        %add3A_121 = vector.broadcast %add3A_120 : i32 to vector<16xi32>
        %add3A_122 = arith.addi %get3A_114, %add3A_121 : vector<16xi32>
        %neg3A_123 = arith.constant 0.000000e+00 : f32
        %neg3A_124 = vector.broadcast %neg3A_123 : f32 to vector<16xf32>
        %neg3A_125 = arith.subf %neg3A_124, %masked_cumsum3A_104 : vector<16xf32>
        %not3A_126 = arith.constant dense<true> : vector<16xi1>
        %not3A_127 = arith.xori %eq3A_30, %not3A_126 : vector<16xi1>
        %and3A_128 = arith.andi %ne3A_115, %not3A_127 : vector<16xi1>
        tpu.vector_store_idx %arg7[%add3A_122], %neg3A_125 masked %and3A_128 {add = true} : memref<2048xf32, #tpu.memory_space<vmem>>[vector<16xi32>], vector<16xf32>, vector<16xi1>
        %scan3A_129 = arith.constant 0 : i32
        scf.yield %scan3A_129 : i32
      }
      %scan3A_58 = arith.constant 97 : i32
    } else {
    }
    "tpu.region"() ({
      %run_scoped3A = tpu.sem_alloc : memref<!tpu.dma_semaphore, #tpu.memory_space<semaphore_mem>>
      %dma_start3A = arith.constant 0 : i32
      %dma_start3A_19 = tpu.memref_slice %arg4[%add3A, %dma_start3A] : memref<32x2048xf32, #tpu.memory_space<hbm>> -> memref<1x2048xf32, #tpu.memory_space<hbm>>
      %dma_start3A_20 = tpu.memref_squeeze %dma_start3A_19 : memref<1x2048xf32, #tpu.memory_space<hbm>> -> memref<2048xf32, #tpu.memory_space<hbm>>
      %dma_start3A_21 = arith.constant 0 : i32
      %dma_start3A_22 = tpu.memref_slice %arg4[%add3A, %dma_start3A_21] : memref<32x2048xf32, #tpu.memory_space<hbm>> -> memref<1x2048xf32, #tpu.memory_space<hbm>>
      %dma_start3A_23 = tpu.memref_squeeze %dma_start3A_22 : memref<1x2048xf32, #tpu.memory_space<hbm>> -> memref<2048xf32, #tpu.memory_space<hbm>>
      tpu.enqueue_dma source(%arg7 : memref<2048xf32, #tpu.memory_space<vmem>>) target(%dma_start3A_23 : memref<2048xf32, #tpu.memory_space<hbm>>) target_semaphore(%run_scoped3A : memref<!tpu.dma_semaphore, #tpu.memory_space<semaphore_mem>>)
      %dma_wait3A = arith.constant 0 : i32
      %dma_wait3A_24 = tpu.memref_slice %arg4[%add3A, %dma_wait3A] : memref<32x2048xf32, #tpu.memory_space<hbm>> -> memref<1x2048xf32, #tpu.memory_space<hbm>>
      %dma_wait3A_25 = tpu.memref_squeeze %dma_wait3A_24 : memref<1x2048xf32, #tpu.memory_space<hbm>> -> memref<2048xf32, #tpu.memory_space<hbm>>
      %dma_wait3A_26 = arith.constant 0 : i32
      %dma_wait3A_27 = tpu.memref_slice %arg4[%add3A, %dma_wait3A_26] : memref<32x2048xf32, #tpu.memory_space<hbm>> -> memref<1x2048xf32, #tpu.memory_space<hbm>>
      %dma_wait3A_28 = tpu.memref_squeeze %dma_wait3A_27 : memref<1x2048xf32, #tpu.memory_space<hbm>> -> memref<2048xf32, #tpu.memory_space<hbm>>
      tpu.wait_dma2 semaphore(%run_scoped3A : memref<!tpu.dma_semaphore, #tpu.memory_space<semaphore_mem>>) src(%arg7 : memref<2048xf32, #tpu.memory_space<vmem>>) dst(%dma_wait3A_28 : memref<2048xf32, #tpu.memory_space<hbm>>)
      tpu.yield
    }) : () -> ()
    return
  }
}

module attributes {stable_mosaic.version = 14 : i64} {
  func.func @_logits_body(%arg0: i32, %arg1: memref<4096x128xf32, #tpu.memory_space<vmem>>, %arg2: memref<128x64xf32, #tpu.memory_space<vmem>>, %arg3: memref<1x64xf32, #tpu.memory_space<vmem>>, %arg4: memref<64x4xf32, #tpu.memory_space<vmem>>, %arg5: memref<1x4xf32, #tpu.memory_space<vmem>>, %arg6: memref<4x4096xf32, #tpu.memory_space<vmem>>) attributes {dimension_semantics = [#tpu.dimension_semantics<arbitrary>], iteration_bounds = array<i64: 25>, scalar_prefetch = 0 : i64, scratch_operands = 0 : i64, tpu.core_type = #tpu.core_type<tc>, window_params = [{transform_indices = @transform_0, window_bounds = array<i64: 4096, 128>}, {pipeline_mode = #tpu.pipeline_mode<synchronous>, transform_indices = @transform_1, window_bounds = array<i64: 128, 64>}, {pipeline_mode = #tpu.pipeline_mode<synchronous>, transform_indices = @transform_2, window_bounds = array<i64: 1, 64>}, {pipeline_mode = #tpu.pipeline_mode<synchronous>, transform_indices = @transform_3, window_bounds = array<i64: 64, 4>}, {pipeline_mode = #tpu.pipeline_mode<synchronous>, transform_indices = @transform_4, window_bounds = array<i64: 1, 4>}, {transform_indices = @transform_5, window_bounds = array<i64: 4, 4096>}]} {
    %get3A = arith.constant 0 : index
    %get3A_0 = arith.constant 0 : index
    %get3A_1 = vector.load %arg1[%get3A, %get3A_0] : memref<4096x128xf32, #tpu.memory_space<vmem>>, vector<4096x128xf32>
    %reduce_sum3A = arith.constant dense<0.000000e+00> : vector<4096xf32>
    %reduce_sum3A_2 = vector.multi_reduction <add>, %get3A_1, %reduce_sum3A [1] : vector<4096x128xf32> to vector<4096xf32>
    %broadcast_in_dim3A = vector.shape_cast %reduce_sum3A_2 : vector<4096xf32> to vector<4096x1xf32>
    %div3A = arith.constant 1.280000e+02 : f32
    %div3A_3 = vector.broadcast %div3A : f32 to vector<4096x1xf32>
    %div3A_4 = arith.divf %broadcast_in_dim3A, %div3A_3 : vector<4096x1xf32>
    %sub3A = vector.broadcast %div3A_4 : vector<4096x1xf32> to vector<4096x128xf32>
    %sub3A_5 = arith.subf %get3A_1, %sub3A : vector<4096x128xf32>
    %mul3A = arith.mulf %sub3A_5, %sub3A_5 : vector<4096x128xf32>
    %reduce_sum3A_6 = arith.constant dense<0.000000e+00> : vector<4096xf32>
    %reduce_sum3A_7 = vector.multi_reduction <add>, %mul3A, %reduce_sum3A_6 [1] : vector<4096x128xf32> to vector<4096xf32>
    %broadcast_in_dim3A_8 = vector.shape_cast %reduce_sum3A_7 : vector<4096xf32> to vector<4096x1xf32>
    %div3A_9 = arith.constant 1.280000e+02 : f32
    %div3A_10 = vector.broadcast %div3A_9 : f32 to vector<4096x1xf32>
    %div3A_11 = arith.divf %broadcast_in_dim3A_8, %div3A_10 : vector<4096x1xf32>
    %add3A = arith.constant 9.99999974E-6 : f32
    %add3A_12 = vector.broadcast %add3A : f32 to vector<4096x1xf32>
    %add3A_13 = arith.addf %div3A_11, %add3A_12 : vector<4096x1xf32>
    %rsqrt3A = math.rsqrt %add3A_13 : vector<4096x1xf32>
    %mul3A_14 = vector.broadcast %rsqrt3A : vector<4096x1xf32> to vector<4096x128xf32>
    %mul3A_15 = arith.mulf %sub3A_5, %mul3A_14 : vector<4096x128xf32>
    %get3A_16 = arith.constant 0 : index
    %get3A_17 = arith.constant 0 : index
    %get3A_18 = vector.load %arg2[%get3A_16, %get3A_17] : memref<128x64xf32, #tpu.memory_space<vmem>>, vector<128x64xf32>
    %dot_general3A = arith.constant dense<0.000000e+00> : vector<4096x64xf32>
    %dot_general3A_19 = tpu.matmul %mul3A_15, %get3A_18, %dot_general3A {dimension_numbers = #tpu.dot_dimension_numbers<[1], [0], [0], [1], [0, 0, 1, 1], [], []>, transpose_lhs_hint = false} : vector<4096x128xf32>, vector<128x64xf32>, vector<4096x64xf32> -> vector<4096x64xf32>
    %get3A_20 = arith.constant 0 : index
    %get3A_21 = arith.constant 0 : index
    %get3A_22 = vector.load %arg3[%get3A_20, %get3A_21] : memref<1x64xf32, #tpu.memory_space<vmem>>, vector<1x64xf32>
    %add3A_23 = vector.broadcast %get3A_22 : vector<1x64xf32> to vector<4096x64xf32>
    %add3A_24 = arith.addf %dot_general3A_19, %add3A_23 : vector<4096x64xf32>
    %logistic3A = arith.negf %add3A_24 : vector<4096x64xf32>
    %logistic3A_25 = math.exp %logistic3A : vector<4096x64xf32>
    %logistic3A_26 = arith.constant 1.000000e+00 : f32
    %logistic3A_27 = vector.broadcast %logistic3A_26 : f32 to vector<4096x64xf32>
    %logistic3A_28 = arith.addf %logistic3A_27, %logistic3A_25 : vector<4096x64xf32>
    %logistic3A_29 = arith.divf %logistic3A_27, %logistic3A_28 : vector<4096x64xf32>
    %mul3A_30 = arith.mulf %add3A_24, %logistic3A_29 : vector<4096x64xf32>
    %get3A_31 = arith.constant 0 : index
    %get3A_32 = arith.constant 0 : index
    %get3A_33 = vector.load %arg4[%get3A_31, %get3A_32] : memref<64x4xf32, #tpu.memory_space<vmem>>, vector<64x4xf32>
    %dot_general3A_34 = arith.constant dense<0.000000e+00> : vector<4096x4xf32>
    %dot_general3A_35 = tpu.matmul %mul3A_30, %get3A_33, %dot_general3A_34 {dimension_numbers = #tpu.dot_dimension_numbers<[1], [0], [0], [1], [0, 0, 1, 1], [], []>, transpose_lhs_hint = false} : vector<4096x64xf32>, vector<64x4xf32>, vector<4096x4xf32> -> vector<4096x4xf32>
    %get3A_36 = arith.constant 0 : index
    %get3A_37 = arith.constant 0 : index
    %get3A_38 = vector.load %arg5[%get3A_36, %get3A_37] : memref<1x4xf32, #tpu.memory_space<vmem>>, vector<1x4xf32>
    %add3A_39 = vector.broadcast %get3A_38 : vector<1x4xf32> to vector<4096x4xf32>
    %add3A_40 = arith.addf %dot_general3A_35, %add3A_39 : vector<4096x4xf32>
    %transpose3A = tpu.transpose %add3A_40, [1, 0] : vector<4096x4xf32> -> vector<4x4096xf32>
    %swap3A = arith.constant 0 : index
    %swap3A_41 = arith.constant 0 : index
    %swap3A_42 = vector.load %arg6[%swap3A, %swap3A_41] : memref<4x4096xf32, #tpu.memory_space<vmem>>, vector<4x4096xf32>
    tpu.vector_store %arg6[%swap3A, %swap3A_41], %transpose3A {strides = array<i32>} : memref<4x4096xf32, #tpu.memory_space<vmem>>, vector<4x4096xf32>,
    return
  }
  func.func @transform_0(%arg0: i32) -> (i32, i32) {
    %c0_i32 = arith.constant 0 : i32
    %c0_i32_0 = arith.constant 0 : i32
    return %arg0, %c0_i32 : i32, i32
  }
  func.func @transform_1(%arg0: i32) -> (i32, i32) {
    %c0_i32 = arith.constant 0 : i32
    %c0_i32_0 = arith.constant 0 : i32
    %c0_i32_1 = arith.constant 0 : i32
    return %c0_i32, %c0_i32_0 : i32, i32
  }
  func.func @transform_2(%arg0: i32) -> (i32, i32) {
    %c0_i32 = arith.constant 0 : i32
    %c0_i32_0 = arith.constant 0 : i32
    %c0_i32_1 = arith.constant 0 : i32
    return %c0_i32, %c0_i32_0 : i32, i32
  }
  func.func @transform_3(%arg0: i32) -> (i32, i32) {
    %c0_i32 = arith.constant 0 : i32
    %c0_i32_0 = arith.constant 0 : i32
    %c0_i32_1 = arith.constant 0 : i32
    return %c0_i32, %c0_i32_0 : i32, i32
  }
  func.func @transform_4(%arg0: i32) -> (i32, i32) {
    %c0_i32 = arith.constant 0 : i32
    %c0_i32_0 = arith.constant 0 : i32
    %c0_i32_1 = arith.constant 0 : i32
    return %c0_i32, %c0_i32_0 : i32, i32
  }
  func.func @transform_5(%arg0: i32) -> (i32, i32) {
    %c0_i32 = arith.constant 0 : i32
    %c0_i32_0 = arith.constant 0 : i32
    return %c0_i32, %arg0 : i32, i32
  }
}

module attributes {stable_mosaic.version = 14 : i64} {
  func.func @_pool_body(%arg0: i32, %arg1: memref<4096x128xf32, #tpu.memory_space<vmem>>, %arg2: memref<4x4096xf32, #tpu.memory_space<vmem>>, %arg3: memref<1x1x4096xi32, #tpu.memory_space<vmem>>, %arg4: memref<576x128xf32, #tpu.memory_space<vmem>>) attributes {dimension_semantics = [#tpu.dimension_semantics<arbitrary>], iteration_bounds = array<i64: 25>, scalar_prefetch = 0 : i64, scratch_operands = 0 : i64, tpu.core_type = #tpu.core_type<tc>, window_params = [{transform_indices = @transform_0, window_bounds = array<i64: 4096, 128>}, {transform_indices = @transform_1, window_bounds = array<i64: 4, 4096>}, {transform_indices = @transform_2, window_bounds = array<i64: 1, 1, 4096>}, {pipeline_mode = #tpu.pipeline_mode<synchronous>, transform_indices = @transform_3, window_bounds = array<i64: 576, 128>}]} {
    %add3A = arith.constant 0 : i32
    %add3A_0 = arith.addi %add3A, %arg0 : i32
    %get3A = arith.constant 0 : index
    %get3A_1 = arith.constant 0 : index
    %get3A_2 = arith.constant 0 : index
    %get3A_3 = vector.load %arg3[%get3A, %get3A_1, %get3A_2] : memref<1x1x4096xi32, #tpu.memory_space<vmem>>, vector<1x1x4096xi32>
    %get3A_4 = vector.shape_cast %get3A_3 : vector<1x1x4096xi32> to vector<1x4096xi32>
    %get3A_5 = arith.constant 0 : index
    %get3A_6 = arith.constant 0 : index
    %get3A_7 = vector.load %arg2[%get3A_5, %get3A_6] : memref<4x4096xf32, #tpu.memory_space<vmem>>, vector<4x4096xf32>
    %exp3A = math.exp %get3A_7 : vector<4x4096xf32>
    %transpose3A = tpu.transpose %exp3A, [1, 0] : vector<4x4096xf32> -> vector<4096x4xf32>
    %lt3A = arith.constant 24 : i32
    %lt3A_8 = arith.cmpi slt, %add3A_0, %lt3A : i32
    %convert_element_type3A = arith.extui %lt3A_8 : i1 to i32
    %cond3A = arith.constant 0 : i32
    %cond3A_9 = arith.cmpi ne, %convert_element_type3A, %cond3A : i32
    scf.if %cond3A_9 {
      %get3A_14 = arith.constant 0 : index
      %get3A_15 = arith.constant 0 : index
      %get3A_16 = vector.load %arg1[%get3A_14, %get3A_15] : memref<4096x128xf32, #tpu.memory_space<vmem>>, vector<4096x128xf32>
      %iota3A = tpu.iota {dimensions = array<i32: 0>} : vector<4x128xi32>
      %iota3A_17 = tpu.iota {dimensions = array<i32: 1>} : vector<4x128xi32>
      %jit3A = arith.constant 32 : i32
      %div3A = vector.broadcast %jit3A : i32 to vector<4x128xi32>
      %div3A_18 = arith.divsi %iota3A_17, %div3A : vector<4x128xi32>
      %sign3A = arith.constant 0 : i32
      %sign3A_19 = vector.broadcast %sign3A : i32 to vector<4x128xi32>
      %sign3A_20 = arith.cmpi sgt, %iota3A_17, %sign3A_19 : vector<4x128xi32>
      %sign3A_21 = arith.extui %sign3A_20 : vector<4x128xi1> to vector<4x128xi32>
      %sign3A_22 = arith.constant 0 : i32
      %sign3A_23 = vector.broadcast %sign3A_22 : i32 to vector<4x128xi32>
      %sign3A_24 = arith.cmpi slt, %iota3A_17, %sign3A_23 : vector<4x128xi32>
      %sign3A_25 = arith.extui %sign3A_24 : vector<4x128xi1> to vector<4x128xi32>
      %sign3A_26 = arith.subi %sign3A_21, %sign3A_25 : vector<4x128xi32>
      %sign3A_27 = arith.constant 0 : i32
      %sign3A_28 = arith.cmpi sgt, %jit3A, %sign3A_27 : i32
      %sign3A_29 = arith.extui %sign3A_28 : i1 to i32
      %sign3A_30 = arith.constant 0 : i32
      %sign3A_31 = arith.cmpi slt, %jit3A, %sign3A_30 : i32
      %sign3A_32 = arith.extui %sign3A_31 : i1 to i32
      %sign3A_33 = arith.subi %sign3A_29, %sign3A_32 : i32
      %ne3A = vector.broadcast %sign3A_33 : i32 to vector<4x128xi32>
      %ne3A_34 = arith.cmpi ne, %sign3A_26, %ne3A : vector<4x128xi32>
      %rem3A = vector.broadcast %jit3A : i32 to vector<4x128xi32>
      %rem3A_35 = arith.remsi %iota3A_17, %rem3A : vector<4x128xi32>
      %ne3A_36 = arith.constant 0 : i32
      %ne3A_37 = vector.broadcast %ne3A_36 : i32 to vector<4x128xi32>
      %ne3A_38 = arith.cmpi ne, %rem3A_35, %ne3A_37 : vector<4x128xi32>
      %and3A = arith.andi %ne3A_34, %ne3A_38 : vector<4x128xi1>
      %sub3A = arith.constant 1 : i32
      %sub3A_39 = vector.broadcast %sub3A : i32 to vector<4x128xi32>
      %sub3A_40 = arith.subi %div3A_18, %sub3A_39 : vector<4x128xi32>
      %select_n3A = arith.select %and3A, %sub3A_40, %div3A_18 : vector<4x128xi1>, vector<4x128xi32>
      %eq3A_41 = arith.cmpi eq, %iota3A, %select_n3A : vector<4x128xi32>
      %convert_element_type3A_42 = arith.extui %eq3A_41 : vector<4x128xi1> to vector<4x128xi32>
      %convert_element_type3A_43 = arith.sitofp %convert_element_type3A_42 : vector<4x128xi32> to vector<4x128xf32>
      %dot_general3A = arith.constant dense<0.000000e+00> : vector<4096x128xf32>
      %dot_general3A_44 = tpu.matmul %transpose3A, %convert_element_type3A_43, %dot_general3A {dimension_numbers = #tpu.dot_dimension_numbers<[1], [0], [0], [1], [0, 0, 1, 1], [], []>, transpose_lhs_hint = false} : vector<4096x4xf32>, vector<4x128xf32>, vector<4096x128xf32> -> vector<4096x128xf32>
      %mul3A = arith.mulf %get3A_16, %dot_general3A_44 : vector<4096x128xf32>
      %eq3A_45 = arith.constant 0 : i32
      %eq3A_46 = arith.cmpi eq, %arg0, %eq3A_45 : i32
      %convert_element_type3A_47 = arith.extui %eq3A_46 : i1 to i32
      %cond3A_48 = arith.constant 0 : i32
      %cond3A_49 = arith.cmpi ne, %convert_element_type3A_47, %cond3A_48 : i32
      scf.if %cond3A_49 {
        %broadcast_in_dim3A = arith.constant 0.000000e+00 : f32
        %broadcast_in_dim3A_63 = vector.broadcast %broadcast_in_dim3A : f32 to vector<576x128xf32>
        %swap3A = arith.constant 0 : index
        %swap3A_64 = arith.constant 0 : index
        %swap3A_65 = vector.load %arg4[%swap3A, %swap3A_64] : memref<576x128xf32, #tpu.memory_space<vmem>>, vector<576x128xf32>
        tpu.vector_store %arg4[%swap3A, %swap3A_64], %broadcast_in_dim3A_63 {strides = array<i32>} : memref<576x128xf32, #tpu.memory_space<vmem>>, vector<576x128xf32>,
      } else {
      }
      %slice3A = vector.extract_strided_slice %get3A_4 {offsets = [0, 0], sizes = [1, 1], strides = [1, 1]} : vector<1x4096xi32> to vector<1x1xi32>
      %squeeze3A = vector.extract %slice3A[0, 0] : i32 from vector<1x1xi32>
      %slice3A_50 = vector.extract_strided_slice %get3A_4 {offsets = [0, 4095], sizes = [1, 1], strides = [1, 1]} : vector<1x4096xi32> to vector<1x1xi32>
      %squeeze3A_51 = vector.extract %slice3A_50[0, 0] : i32 from vector<1x1xi32>
      %sub3A_52 = arith.subi %squeeze3A_51, %squeeze3A : i32
      %add3A_53 = arith.constant 1 : i32
      %add3A_54 = arith.addi %sub3A_52, %add3A_53 : i32
      %le3A = arith.constant 64 : i32
      %le3A_55 = arith.cmpi sle, %add3A_54, %le3A : i32
      %convert_element_type3A_56 = arith.extui %le3A_55 : i1 to i32
      %cond3A_57 = arith.constant 0 : i32
      %cond3A_58 = arith.cmpi ne, %convert_element_type3A_56, %cond3A_57 : i32
      scf.if %cond3A_58 {
        %sub3A_63 = vector.broadcast %squeeze3A : i32 to vector<1x4096xi32>
        %sub3A_64 = arith.subi %get3A_4, %sub3A_63 : vector<1x4096xi32>
        %iota3A_65 = tpu.iota {dimensions = array<i32: 0>} : vector<64x4096xi32>
        %eq3A_66 = vector.broadcast %sub3A_64 : vector<1x4096xi32> to vector<64x4096xi32>
        %eq3A_67 = arith.cmpi eq, %iota3A_65, %eq3A_66 : vector<64x4096xi32>
        %convert_element_type3A_68 = arith.extui %eq3A_67 : vector<64x4096xi1> to vector<64x4096xi32>
        %convert_element_type3A_69 = arith.sitofp %convert_element_type3A_68 : vector<64x4096xi32> to vector<64x4096xf32>
        %dot_general3A_70 = arith.constant dense<0.000000e+00> : vector<64x128xf32>
        %dot_general3A_71 = tpu.matmul %convert_element_type3A_69, %mul3A, %dot_general3A_70 {dimension_numbers = #tpu.dot_dimension_numbers<[1], [0], [0], [1], [0, 0, 1, 1], [], []>, transpose_lhs_hint = false} : vector<64x4096xf32>, vector<4096x128xf32>, vector<64x128xf32> -> vector<64x128xf32>
        %get3A_72 = arith.index_cast %squeeze3A : i32 to index
        %get3A_73 = arith.constant 0 : index
        %get3A_74 = vector.load %arg4[%get3A_72, %get3A_73] : memref<576x128xf32, #tpu.memory_space<vmem>>, vector<64x128xf32>
        %add3A_75 = arith.addf %get3A_74, %dot_general3A_71 : vector<64x128xf32>
        %swap3A = arith.index_cast %squeeze3A : i32 to index
        %swap3A_76 = arith.constant 0 : index
        %swap3A_77 = vector.load %arg4[%swap3A, %swap3A_76] : memref<576x128xf32, #tpu.memory_space<vmem>>, vector<64x128xf32>
        tpu.vector_store %arg4[%swap3A, %swap3A_76], %add3A_75 {strides = array<i32>} : memref<576x128xf32, #tpu.memory_space<vmem>>, vector<64x128xf32>,
      } else {
      }
      %gt3A = arith.constant 64 : i32
      %gt3A_59 = arith.cmpi sgt, %add3A_54, %gt3A : i32
      %convert_element_type3A_60 = arith.extui %gt3A_59 : i1 to i32
      %cond3A_61 = arith.constant 0 : i32
      %cond3A_62 = arith.cmpi ne, %convert_element_type3A_60, %cond3A_61 : i32
      scf.if %cond3A_62 {
        %iota3A_63 = tpu.iota {dimensions = array<i32: 0>} : vector<512x4096xi32>
        %eq3A_64 = vector.broadcast %get3A_4 : vector<1x4096xi32> to vector<512x4096xi32>
        %eq3A_65 = arith.cmpi eq, %iota3A_63, %eq3A_64 : vector<512x4096xi32>
        %convert_element_type3A_66 = arith.extui %eq3A_65 : vector<512x4096xi1> to vector<512x4096xi32>
        %convert_element_type3A_67 = arith.sitofp %convert_element_type3A_66 : vector<512x4096xi32> to vector<512x4096xf32>
        %dot_general3A_68 = arith.constant dense<0.000000e+00> : vector<512x128xf32>
        %dot_general3A_69 = tpu.matmul %convert_element_type3A_67, %mul3A, %dot_general3A_68 {dimension_numbers = #tpu.dot_dimension_numbers<[1], [0], [0], [1], [0, 0, 1, 1], [], []>, transpose_lhs_hint = false} : vector<512x4096xf32>, vector<4096x128xf32>, vector<512x128xf32> -> vector<512x128xf32>
        %get3A_70 = arith.constant 0 : index
        %get3A_71 = arith.constant 0 : index
        %get3A_72 = vector.load %arg4[%get3A_70, %get3A_71] : memref<576x128xf32, #tpu.memory_space<vmem>>, vector<512x128xf32>
        %add3A_73 = arith.addf %get3A_72, %dot_general3A_69 : vector<512x128xf32>
        %swap3A = arith.constant 0 : index
        %swap3A_74 = arith.constant 0 : index
        %swap3A_75 = vector.load %arg4[%swap3A, %swap3A_74] : memref<576x128xf32, #tpu.memory_space<vmem>>, vector<512x128xf32>
        tpu.vector_store %arg4[%swap3A, %swap3A_74], %add3A_73 {strides = array<i32>} : memref<576x128xf32, #tpu.memory_space<vmem>>, vector<512x128xf32>,
      } else {
      }
    } else {
    }
    %eq3A = arith.constant 24 : i32
    %eq3A_10 = arith.cmpi eq, %add3A_0, %eq3A : i32
    %convert_element_type3A_11 = arith.extui %eq3A_10 : i1 to i32
    %cond3A_12 = arith.constant 0 : i32
    %cond3A_13 = arith.cmpi ne, %convert_element_type3A_11, %cond3A_12 : i32
    scf.if %cond3A_13 {
      %iota3A = tpu.iota {dimensions = array<i32: 0>} : vector<4096x1xi32>
      %mul3A = arith.constant 4096 : i32
      %mul3A_14 = arith.muli %add3A_0, %mul3A : i32
      %add3A_15 = vector.broadcast %mul3A_14 : i32 to vector<4096x1xi32>
      %add3A_16 = arith.addi %iota3A, %add3A_15 : vector<4096x1xi32>
      %lt3A_17 = arith.constant 100000 : i32
      %lt3A_18 = vector.broadcast %lt3A_17 : i32 to vector<4096x1xi32>
      %lt3A_19 = arith.cmpi slt, %add3A_16, %lt3A_18 : vector<4096x1xi32>
      %get3A_20 = arith.constant 0 : index
      %get3A_21 = arith.constant 0 : index
      %get3A_22 = vector.load %arg1[%get3A_20, %get3A_21] : memref<4096x128xf32, #tpu.memory_space<vmem>>, vector<4096x128xf32>
      %jit3A = arith.constant 0.000000e+00 : f32
      %broadcast_in_dim3A = vector.shape_cast %lt3A_19 : vector<4096x1xi1> to vector<4096x1xi1>
      %broadcast_in_dim3A_23 = vector.broadcast %broadcast_in_dim3A : vector<4096x1xi1> to vector<4096x128xi1>
      %broadcast_in_dim3A_24 = vector.broadcast %jit3A : f32 to vector<4096x128xf32>
      %select_n3A = arith.select %broadcast_in_dim3A_23, %get3A_22, %broadcast_in_dim3A_24 : vector<4096x128xi1>, vector<4096x128xf32>
      %jit3A_25 = arith.constant 0.000000e+00 : f32
      %broadcast_in_dim3A_26 = vector.shape_cast %lt3A_19 : vector<4096x1xi1> to vector<4096x1xi1>
      %broadcast_in_dim3A_27 = vector.broadcast %broadcast_in_dim3A_26 : vector<4096x1xi1> to vector<4096x4xi1>
      %broadcast_in_dim3A_28 = vector.broadcast %jit3A_25 : f32 to vector<4096x4xf32>
      %select_n3A_29 = arith.select %broadcast_in_dim3A_27, %transpose3A, %broadcast_in_dim3A_28 : vector<4096x4xi1>, vector<4096x4xf32>
      %iota3A_30 = tpu.iota {dimensions = array<i32: 0>} : vector<4x128xi32>
      %iota3A_31 = tpu.iota {dimensions = array<i32: 1>} : vector<4x128xi32>
      %jit3A_32 = arith.constant 32 : i32
      %div3A = vector.broadcast %jit3A_32 : i32 to vector<4x128xi32>
      %div3A_33 = arith.divsi %iota3A_31, %div3A : vector<4x128xi32>
      %sign3A = arith.constant 0 : i32
      %sign3A_34 = vector.broadcast %sign3A : i32 to vector<4x128xi32>
      %sign3A_35 = arith.cmpi sgt, %iota3A_31, %sign3A_34 : vector<4x128xi32>
      %sign3A_36 = arith.extui %sign3A_35 : vector<4x128xi1> to vector<4x128xi32>
      %sign3A_37 = arith.constant 0 : i32
      %sign3A_38 = vector.broadcast %sign3A_37 : i32 to vector<4x128xi32>
      %sign3A_39 = arith.cmpi slt, %iota3A_31, %sign3A_38 : vector<4x128xi32>
      %sign3A_40 = arith.extui %sign3A_39 : vector<4x128xi1> to vector<4x128xi32>
      %sign3A_41 = arith.subi %sign3A_36, %sign3A_40 : vector<4x128xi32>
      %sign3A_42 = arith.constant 0 : i32
      %sign3A_43 = arith.cmpi sgt, %jit3A_32, %sign3A_42 : i32
      %sign3A_44 = arith.extui %sign3A_43 : i1 to i32
      %sign3A_45 = arith.constant 0 : i32
      %sign3A_46 = arith.cmpi slt, %jit3A_32, %sign3A_45 : i32
      %sign3A_47 = arith.extui %sign3A_46 : i1 to i32
      %sign3A_48 = arith.subi %sign3A_44, %sign3A_47 : i32
      %ne3A = vector.broadcast %sign3A_48 : i32 to vector<4x128xi32>
      %ne3A_49 = arith.cmpi ne, %sign3A_41, %ne3A : vector<4x128xi32>
      %rem3A = vector.broadcast %jit3A_32 : i32 to vector<4x128xi32>
      %rem3A_50 = arith.remsi %iota3A_31, %rem3A : vector<4x128xi32>
      %ne3A_51 = arith.constant 0 : i32
      %ne3A_52 = vector.broadcast %ne3A_51 : i32 to vector<4x128xi32>
      %ne3A_53 = arith.cmpi ne, %rem3A_50, %ne3A_52 : vector<4x128xi32>
      %and3A = arith.andi %ne3A_49, %ne3A_53 : vector<4x128xi1>
      %sub3A = arith.constant 1 : i32
      %sub3A_54 = vector.broadcast %sub3A : i32 to vector<4x128xi32>
      %sub3A_55 = arith.subi %div3A_33, %sub3A_54 : vector<4x128xi32>
      %select_n3A_56 = arith.select %and3A, %sub3A_55, %div3A_33 : vector<4x128xi1>, vector<4x128xi32>
      %eq3A_57 = arith.cmpi eq, %iota3A_30, %select_n3A_56 : vector<4x128xi32>
      %convert_element_type3A_58 = arith.extui %eq3A_57 : vector<4x128xi1> to vector<4x128xi32>
      %convert_element_type3A_59 = arith.sitofp %convert_element_type3A_58 : vector<4x128xi32> to vector<4x128xf32>
      %dot_general3A = arith.constant dense<0.000000e+00> : vector<4096x128xf32>
      %dot_general3A_60 = tpu.matmul %select_n3A_29, %convert_element_type3A_59, %dot_general3A {dimension_numbers = #tpu.dot_dimension_numbers<[1], [0], [0], [1], [0, 0, 1, 1], [], []>, transpose_lhs_hint = false} : vector<4096x4xf32>, vector<4x128xf32>, vector<4096x128xf32> -> vector<4096x128xf32>
      %mul3A_61 = arith.mulf %select_n3A, %dot_general3A_60 : vector<4096x128xf32>
      %eq3A_62 = arith.constant 0 : i32
      %eq3A_63 = arith.cmpi eq, %arg0, %eq3A_62 : i32
      %convert_element_type3A_64 = arith.extui %eq3A_63 : i1 to i32
      %cond3A_65 = arith.constant 0 : i32
      %cond3A_66 = arith.cmpi ne, %convert_element_type3A_64, %cond3A_65 : i32
      scf.if %cond3A_66 {
        %broadcast_in_dim3A_80 = arith.constant 0.000000e+00 : f32
        %broadcast_in_dim3A_81 = vector.broadcast %broadcast_in_dim3A_80 : f32 to vector<576x128xf32>
        %swap3A = arith.constant 0 : index
        %swap3A_82 = arith.constant 0 : index
        %swap3A_83 = vector.load %arg4[%swap3A, %swap3A_82] : memref<576x128xf32, #tpu.memory_space<vmem>>, vector<576x128xf32>
        tpu.vector_store %arg4[%swap3A, %swap3A_82], %broadcast_in_dim3A_81 {strides = array<i32>} : memref<576x128xf32, #tpu.memory_space<vmem>>, vector<576x128xf32>,
      } else {
      }
      %slice3A = vector.extract_strided_slice %get3A_4 {offsets = [0, 0], sizes = [1, 1], strides = [1, 1]} : vector<1x4096xi32> to vector<1x1xi32>
      %squeeze3A = vector.extract %slice3A[0, 0] : i32 from vector<1x1xi32>
      %slice3A_67 = vector.extract_strided_slice %get3A_4 {offsets = [0, 4095], sizes = [1, 1], strides = [1, 1]} : vector<1x4096xi32> to vector<1x1xi32>
      %squeeze3A_68 = vector.extract %slice3A_67[0, 0] : i32 from vector<1x1xi32>
      %sub3A_69 = arith.subi %squeeze3A_68, %squeeze3A : i32
      %add3A_70 = arith.constant 1 : i32
      %add3A_71 = arith.addi %sub3A_69, %add3A_70 : i32
      %le3A = arith.constant 64 : i32
      %le3A_72 = arith.cmpi sle, %add3A_71, %le3A : i32
      %convert_element_type3A_73 = arith.extui %le3A_72 : i1 to i32
      %cond3A_74 = arith.constant 0 : i32
      %cond3A_75 = arith.cmpi ne, %convert_element_type3A_73, %cond3A_74 : i32
      scf.if %cond3A_75 {
        %sub3A_80 = vector.broadcast %squeeze3A : i32 to vector<1x4096xi32>
        %sub3A_81 = arith.subi %get3A_4, %sub3A_80 : vector<1x4096xi32>
        %iota3A_82 = tpu.iota {dimensions = array<i32: 0>} : vector<64x4096xi32>
        %eq3A_83 = vector.broadcast %sub3A_81 : vector<1x4096xi32> to vector<64x4096xi32>
        %eq3A_84 = arith.cmpi eq, %iota3A_82, %eq3A_83 : vector<64x4096xi32>
        %convert_element_type3A_85 = arith.extui %eq3A_84 : vector<64x4096xi1> to vector<64x4096xi32>
        %convert_element_type3A_86 = arith.sitofp %convert_element_type3A_85 : vector<64x4096xi32> to vector<64x4096xf32>
        %dot_general3A_87 = arith.constant dense<0.000000e+00> : vector<64x128xf32>
        %dot_general3A_88 = tpu.matmul %convert_element_type3A_86, %mul3A_61, %dot_general3A_87 {dimension_numbers = #tpu.dot_dimension_numbers<[1], [0], [0], [1], [0, 0, 1, 1], [], []>, transpose_lhs_hint = false} : vector<64x4096xf32>, vector<4096x128xf32>, vector<64x128xf32> -> vector<64x128xf32>
        %get3A_89 = arith.index_cast %squeeze3A : i32 to index
        %get3A_90 = arith.constant 0 : index
        %get3A_91 = vector.load %arg4[%get3A_89, %get3A_90] : memref<576x128xf32, #tpu.memory_space<vmem>>, vector<64x128xf32>
        %add3A_92 = arith.addf %get3A_91, %dot_general3A_88 : vector<64x128xf32>
        %swap3A = arith.index_cast %squeeze3A : i32 to index
        %swap3A_93 = arith.constant 0 : index
        %swap3A_94 = vector.load %arg4[%swap3A, %swap3A_93] : memref<576x128xf32, #tpu.memory_space<vmem>>, vector<64x128xf32>
        tpu.vector_store %arg4[%swap3A, %swap3A_93], %add3A_92 {strides = array<i32>} : memref<576x128xf32, #tpu.memory_space<vmem>>, vector<64x128xf32>,
      } else {
      }
      %gt3A = arith.constant 64 : i32
      %gt3A_76 = arith.cmpi sgt, %add3A_71, %gt3A : i32
      %convert_element_type3A_77 = arith.extui %gt3A_76 : i1 to i32
      %cond3A_78 = arith.constant 0 : i32
      %cond3A_79 = arith.cmpi ne, %convert_element_type3A_77, %cond3A_78 : i32
      scf.if %cond3A_79 {
        %iota3A_80 = tpu.iota {dimensions = array<i32: 0>} : vector<512x4096xi32>
        %eq3A_81 = vector.broadcast %get3A_4 : vector<1x4096xi32> to vector<512x4096xi32>
        %eq3A_82 = arith.cmpi eq, %iota3A_80, %eq3A_81 : vector<512x4096xi32>
        %convert_element_type3A_83 = arith.extui %eq3A_82 : vector<512x4096xi1> to vector<512x4096xi32>
        %convert_element_type3A_84 = arith.sitofp %convert_element_type3A_83 : vector<512x4096xi32> to vector<512x4096xf32>
        %dot_general3A_85 = arith.constant dense<0.000000e+00> : vector<512x128xf32>
        %dot_general3A_86 = tpu.matmul %convert_element_type3A_84, %mul3A_61, %dot_general3A_85 {dimension_numbers = #tpu.dot_dimension_numbers<[1], [0], [0], [1], [0, 0, 1, 1], [], []>, transpose_lhs_hint = false} : vector<512x4096xf32>, vector<4096x128xf32>, vector<512x128xf32> -> vector<512x128xf32>
        %get3A_87 = arith.constant 0 : index
        %get3A_88 = arith.constant 0 : index
        %get3A_89 = vector.load %arg4[%get3A_87, %get3A_88] : memref<576x128xf32, #tpu.memory_space<vmem>>, vector<512x128xf32>
        %add3A_90 = arith.addf %get3A_89, %dot_general3A_86 : vector<512x128xf32>
        %swap3A = arith.constant 0 : index
        %swap3A_91 = arith.constant 0 : index
        %swap3A_92 = vector.load %arg4[%swap3A, %swap3A_91] : memref<576x128xf32, #tpu.memory_space<vmem>>, vector<512x128xf32>
        tpu.vector_store %arg4[%swap3A, %swap3A_91], %add3A_90 {strides = array<i32>} : memref<576x128xf32, #tpu.memory_space<vmem>>, vector<512x128xf32>,
      } else {
      }
    } else {
    }
    return
  }
  func.func @transform_0(%arg0: i32) -> (i32, i32) {
    %add3A = arith.constant 0 : i32
    %add3A_0 = arith.addi %add3A, %arg0 : i32
    %c0_i32 = arith.constant 0 : i32
    %c0_i32_1 = arith.constant 0 : i32
    return %add3A_0, %c0_i32 : i32, i32
  }
  func.func @transform_1(%arg0: i32) -> (i32, i32) {
    %add3A = arith.constant 0 : i32
    %add3A_0 = arith.addi %add3A, %arg0 : i32
    %c0_i32 = arith.constant 0 : i32
    %c0_i32_1 = arith.constant 0 : i32
    return %c0_i32, %add3A_0 : i32, i32
  }
  func.func @transform_2(%arg0: i32) -> (i32, i32, i32) {
    %add3A = arith.constant 0 : i32
    %add3A_0 = arith.addi %add3A, %arg0 : i32
    %c0_i32 = arith.constant 0 : i32
    %c0_i32_1 = arith.constant 0 : i32
    %c0_i32_2 = arith.constant 0 : i32
    return %add3A_0, %c0_i32, %c0_i32_1 : i32, i32, i32
  }
  func.func @transform_3(%arg0: i32) -> (i32, i32) {
    %c0_i32 = arith.constant 0 : i32
    %c0_i32_0 = arith.constant 0 : i32
    %c0_i32_1 = arith.constant 0 : i32
    return %c0_i32, %c0_i32_0 : i32, i32
  }
}

module attributes {stable_mosaic.version = 14 : i64} {
  func.func @_final_body(%arg0: memref<3200x128xf32, #tpu.memory_space<vmem>>, %arg1: memref<576x128xf32, #tpu.memory_space<vmem>>, %arg2: memref<32x4x512xf32, #tpu.memory_space<vmem>>, %arg3: memref<512x128xf32, #tpu.memory_space<vmem>>, %arg4: memref<1x1xf32, #tpu.memory_space<vmem>>) attributes {dimension_semantics = [], scalar_prefetch = 0 : i64, scratch_operands = 0 : i64, tpu.core_type = #tpu.core_type<tc>} {
    %get3A = arith.constant 0 : index
    %get3A_0 = arith.constant 0 : index
    %get3A_1 = arith.constant 0 : index
    %get3A_2 = vector.load %arg2[%get3A, %get3A_0, %get3A_1] : memref<32x4x512xf32, #tpu.memory_space<vmem>>, vector<32x4x512xf32>
    %reduce_sum3A = arith.constant dense<0.000000e+00> : vector<4x512xf32>
    %reduce_sum3A_3 = vector.multi_reduction <add>, %get3A_2, %reduce_sum3A [0] : vector<32x4x512xf32> to vector<4x512xf32>
    %transpose3A = tpu.transpose %reduce_sum3A_3, [1, 0] : vector<4x512xf32> -> vector<512x4xf32>
    %iota3A = tpu.iota {dimensions = array<i32: 0>} : vector<4x128xi32>
    %iota3A_4 = tpu.iota {dimensions = array<i32: 1>} : vector<4x128xi32>
    %jit3A = arith.constant 32 : i32
    %div3A = vector.broadcast %jit3A : i32 to vector<4x128xi32>
    %div3A_5 = arith.divsi %iota3A_4, %div3A : vector<4x128xi32>
    %sign3A = arith.constant 0 : i32
    %sign3A_6 = vector.broadcast %sign3A : i32 to vector<4x128xi32>
    %sign3A_7 = arith.cmpi sgt, %iota3A_4, %sign3A_6 : vector<4x128xi32>
    %sign3A_8 = arith.extui %sign3A_7 : vector<4x128xi1> to vector<4x128xi32>
    %sign3A_9 = arith.constant 0 : i32
    %sign3A_10 = vector.broadcast %sign3A_9 : i32 to vector<4x128xi32>
    %sign3A_11 = arith.cmpi slt, %iota3A_4, %sign3A_10 : vector<4x128xi32>
    %sign3A_12 = arith.extui %sign3A_11 : vector<4x128xi1> to vector<4x128xi32>
    %sign3A_13 = arith.subi %sign3A_8, %sign3A_12 : vector<4x128xi32>
    %sign3A_14 = arith.constant 0 : i32
    %sign3A_15 = arith.cmpi sgt, %jit3A, %sign3A_14 : i32
    %sign3A_16 = arith.extui %sign3A_15 : i1 to i32
    %sign3A_17 = arith.constant 0 : i32
    %sign3A_18 = arith.cmpi slt, %jit3A, %sign3A_17 : i32
    %sign3A_19 = arith.extui %sign3A_18 : i1 to i32
    %sign3A_20 = arith.subi %sign3A_16, %sign3A_19 : i32
    %ne3A = vector.broadcast %sign3A_20 : i32 to vector<4x128xi32>
    %ne3A_21 = arith.cmpi ne, %sign3A_13, %ne3A : vector<4x128xi32>
    %rem3A = vector.broadcast %jit3A : i32 to vector<4x128xi32>
    %rem3A_22 = arith.remsi %iota3A_4, %rem3A : vector<4x128xi32>
    %ne3A_23 = arith.constant 0 : i32
    %ne3A_24 = vector.broadcast %ne3A_23 : i32 to vector<4x128xi32>
    %ne3A_25 = arith.cmpi ne, %rem3A_22, %ne3A_24 : vector<4x128xi32>
    %and3A = arith.andi %ne3A_21, %ne3A_25 : vector<4x128xi1>
    %sub3A = arith.constant 1 : i32
    %sub3A_26 = vector.broadcast %sub3A : i32 to vector<4x128xi32>
    %sub3A_27 = arith.subi %div3A_5, %sub3A_26 : vector<4x128xi32>
    %select_n3A = arith.select %and3A, %sub3A_27, %div3A_5 : vector<4x128xi1>, vector<4x128xi32>
    %eq3A = arith.cmpi eq, %iota3A, %select_n3A : vector<4x128xi32>
    %convert_element_type3A = arith.extui %eq3A : vector<4x128xi1> to vector<4x128xi32>
    %convert_element_type3A_28 = arith.sitofp %convert_element_type3A : vector<4x128xi32> to vector<4x128xf32>
    %dot_general3A = arith.constant dense<0.000000e+00> : vector<512x128xf32>
    %dot_general3A_29 = tpu.matmul %transpose3A, %convert_element_type3A_28, %dot_general3A {dimension_numbers = #tpu.dot_dimension_numbers<[1], [0], [0], [1], [0, 0, 1, 1], [], []>, transpose_lhs_hint = false} : vector<512x4xf32>, vector<4x128xf32>, vector<512x128xf32> -> vector<512x128xf32>
    %get3A_30 = arith.constant 0 : index
    %get3A_31 = arith.constant 0 : index
    %get3A_32 = vector.load %arg1[%get3A_30, %get3A_31] : memref<576x128xf32, #tpu.memory_space<vmem>>, vector<512x128xf32>
    %add3A = arith.constant 1.000000e-30 : f32
    %add3A_33 = vector.broadcast %add3A : f32 to vector<512x128xf32>
    %add3A_34 = arith.addf %dot_general3A_29, %add3A_33 : vector<512x128xf32>
    %div3A_35 = arith.divf %get3A_32, %add3A_34 : vector<512x128xf32>
    %swap3A = arith.constant 0 : index
    %swap3A_36 = arith.constant 0 : index
    %swap3A_37 = vector.load %arg3[%swap3A, %swap3A_36] : memref<512x128xf32, #tpu.memory_space<vmem>>, vector<512x128xf32>
    tpu.vector_store %arg3[%swap3A, %swap3A_36], %div3A_35 {strides = array<i32>} : memref<512x128xf32, #tpu.memory_space<vmem>>, vector<512x128xf32>,
    %get3A_38 = arith.constant 0 : index
    %get3A_39 = arith.constant 0 : index
    %get3A_40 = vector.load %arg0[%get3A_38, %get3A_39] : memref<3200x128xf32, #tpu.memory_space<vmem>>, vector<3200x128xf32>
    %iota3A_41 = tpu.iota {dimensions = array<i32: 0>} : vector<3200x128xi32>
    %mul3A = arith.constant 128 : i32
    %mul3A_42 = vector.broadcast %mul3A : i32 to vector<3200x128xi32>
    %mul3A_43 = arith.muli %iota3A_41, %mul3A_42 : vector<3200x128xi32>
    %iota3A_44 = tpu.iota {dimensions = array<i32: 1>} : vector<3200x128xi32>
    %add3A_45 = arith.addi %mul3A_43, %iota3A_44 : vector<3200x128xi32>
    %jit3A_46 = arith.constant 102400 : i32
    %div3A_47 = vector.broadcast %jit3A_46 : i32 to vector<3200x128xi32>
    %div3A_48 = arith.divsi %add3A_45, %div3A_47 : vector<3200x128xi32>
    %sign3A_49 = arith.constant 0 : i32
    %sign3A_50 = vector.broadcast %sign3A_49 : i32 to vector<3200x128xi32>
    %sign3A_51 = arith.cmpi sgt, %add3A_45, %sign3A_50 : vector<3200x128xi32>
    %sign3A_52 = arith.extui %sign3A_51 : vector<3200x128xi1> to vector<3200x128xi32>
    %sign3A_53 = arith.constant 0 : i32
    %sign3A_54 = vector.broadcast %sign3A_53 : i32 to vector<3200x128xi32>
    %sign3A_55 = arith.cmpi slt, %add3A_45, %sign3A_54 : vector<3200x128xi32>
    %sign3A_56 = arith.extui %sign3A_55 : vector<3200x128xi1> to vector<3200x128xi32>
    %sign3A_57 = arith.subi %sign3A_52, %sign3A_56 : vector<3200x128xi32>
    %sign3A_58 = arith.constant 0 : i32
    %sign3A_59 = arith.cmpi sgt, %jit3A_46, %sign3A_58 : i32
    %sign3A_60 = arith.extui %sign3A_59 : i1 to i32
    %sign3A_61 = arith.constant 0 : i32
    %sign3A_62 = arith.cmpi slt, %jit3A_46, %sign3A_61 : i32
    %sign3A_63 = arith.extui %sign3A_62 : i1 to i32
    %sign3A_64 = arith.subi %sign3A_60, %sign3A_63 : i32
    %ne3A_65 = vector.broadcast %sign3A_64 : i32 to vector<3200x128xi32>
    %ne3A_66 = arith.cmpi ne, %sign3A_57, %ne3A_65 : vector<3200x128xi32>
    %rem3A_67 = vector.broadcast %jit3A_46 : i32 to vector<3200x128xi32>
    %rem3A_68 = arith.remsi %add3A_45, %rem3A_67 : vector<3200x128xi32>
    %ne3A_69 = arith.constant 0 : i32
    %ne3A_70 = vector.broadcast %ne3A_69 : i32 to vector<3200x128xi32>
    %ne3A_71 = arith.cmpi ne, %rem3A_68, %ne3A_70 : vector<3200x128xi32>
    %and3A_72 = arith.andi %ne3A_66, %ne3A_71 : vector<3200x128xi1>
    %sub3A_73 = arith.constant 1 : i32
    %sub3A_74 = vector.broadcast %sub3A_73 : i32 to vector<3200x128xi32>
    %sub3A_75 = arith.subi %div3A_48, %sub3A_74 : vector<3200x128xi32>
    %select_n3A_76 = arith.select %and3A_72, %sub3A_75, %div3A_48 : vector<3200x128xi1>, vector<3200x128xi32>
    %mul3A_77 = arith.constant 102400 : i32
    %mul3A_78 = vector.broadcast %mul3A_77 : i32 to vector<3200x128xi32>
    %mul3A_79 = arith.muli %select_n3A_76, %mul3A_78 : vector<3200x128xi32>
    %sub3A_80 = arith.subi %add3A_45, %mul3A_79 : vector<3200x128xi32>
    %lt3A = arith.constant 100000 : i32
    %lt3A_81 = vector.broadcast %lt3A : i32 to vector<3200x128xi32>
    %lt3A_82 = arith.cmpi slt, %sub3A_80, %lt3A_81 : vector<3200x128xi32>
    %jit3A_83 = arith.constant 0.000000e+00 : f32
    %broadcast_in_dim3A = vector.broadcast %jit3A_83 : f32 to vector<3200x128xf32>
    %select_n3A_84 = arith.select %lt3A_82, %get3A_40, %broadcast_in_dim3A : vector<3200x128xi1>, vector<3200x128xf32>
    %add3A_85 = arith.constant 9.99999993E-9 : f32
    %add3A_86 = vector.broadcast %add3A_85 : f32 to vector<3200x128xf32>
    %add3A_87 = arith.addf %select_n3A_84, %add3A_86 : vector<3200x128xf32>
    %log3A = math.log %add3A_87 : vector<3200x128xf32>
    %mul3A_88 = arith.mulf %select_n3A_84, %log3A : vector<3200x128xf32>
    %reduce_sum3A_89 = arith.constant dense<0.000000e+00> : vector<128xf32>
    %reduce_sum3A_90 = vector.multi_reduction <add>, %mul3A_88, %reduce_sum3A_89 [0] : vector<3200x128xf32> to vector<128xf32>
    %broadcast_in_dim3A_91 = vector.shape_cast %reduce_sum3A_90 : vector<128xf32> to vector<1x128xf32>
    %reduce_sum3A_92 = arith.constant dense<0.000000e+00> : vector<1xf32>
    %reduce_sum3A_93 = vector.multi_reduction <add>, %broadcast_in_dim3A_91, %reduce_sum3A_92 [1] : vector<1x128xf32> to vector<1xf32>
    %broadcast_in_dim3A_94 = vector.shape_cast %reduce_sum3A_93 : vector<1xf32> to vector<1x1xf32>
    %neg3A = arith.constant 0.000000e+00 : f32
    %neg3A_95 = vector.broadcast %neg3A : f32 to vector<1x1xf32>
    %neg3A_96 = arith.subf %neg3A_95, %broadcast_in_dim3A_94 : vector<1x1xf32>
    %div3A_97 = arith.constant 2.048000e+03 : f32
    %div3A_98 = vector.broadcast %div3A_97 : f32 to vector<1x1xf32>
    %div3A_99 = arith.divf %neg3A_96, %div3A_98 : vector<1x1xf32>
    %swap3A_100 = arith.constant 0 : index
    %swap3A_101 = arith.constant 0 : index
    %swap3A_102 = vector.load %arg4[%swap3A_100, %swap3A_101] : memref<1x1xf32, #tpu.memory_space<vmem>>, vector<1x1xf32>
    tpu.vector_store %arg4[%swap3A_100, %swap3A_101], %div3A_99 {strides = array<i32>} : memref<1x1xf32, #tpu.memory_space<vmem>>, vector<1x1xf32>,
    return
  }
}

</mosaic_0001>

<sc_bundles>
// kernel: kernel.10.cloned.1.call-start
scs
__scs_entry_jumppad:
0x0: {  	(pc) =	sbr.rel $0x88, $3  }
0x1: {  	(tag) =	ssettag $0x0;
	lr =	simm.s32 $0x1  }
0x2: {  	[smem:$0x3F99] =	sst lr;
	_ =	strace $0xD0000000  }
0x3: {  	_ = 	snop  }
0x4: {  	_ = 	snop  }
0x5: {  	_ = 	snop  }
0x6: {  	_ = 	snop  }
0x7: {  	_ = 	snop  }
__scs_overlays_trampoline_lowered:
0x8: {  	[smem:$0x3FA8] =	sst s0  }
0x9: {  	[smem:$0x3FA9] =	sst s1  }
0xa: {  	[smem:$0x3FAA] =	sst s2  }
0xb: {  	[smem:$0x3FAB] =	sst s3  }
0xc: {  	[smem:$0x3FAC] =	sst s4  }
0xd: {  	[smem:$0x3FAD] =	sst s5  }
0xe: {  	[smem:$0x3FAE] =	sst s6  }
0xf: {  	[smem:$0x3FAF] =	sst s7  }
0x10: {  	[smem:$0x3FB0] =	sst s8  }
0x11: {  	[smem:$0x3FB1] =	sst s9;
	s0 =	simm.s32 @!p0 $0x0  }
0x12: {  	s1 =	sld [smem:$0x3F97];
	s0 =	simm.s32 @p0 $0x1  }
0x13: {  	[smem:$0x3FB2] =	sst s0;
	s0 =	simm.s32 @!p1 $0x0  }
0x14: {  	s2 =	sld [smem:$0x3F96];
	s0 =	simm.s32 @p1 $0x1  }
0x15: {  	[smem:$0x3FB3] =	sst s0;
	s0 =	simm.s32 @!p2 $0x0  }
0x16: {  	s3 =	sld [smem:$0x3FDB];
	s0 =	simm.s32 @p2 $0x1  }
0x17: {  	s4 =	simm.s32 $0x1BF5;
	[smem:$0x3FB5] =	sst s0  }
0x18: {  	s0 =	sld [smem:$0x3F98];
	_ =	swait.ge [sflag:s4], $0x0  }
0x19: {  	s7 =	sld [smem:$0x3F99]  }
0x1a: {  	s8 =	sadd.s32 $0xFFFFE003, lr  }
0x1b: {  	s9 =	sadd.s32 $0xFFFFFEF7, lr;
	s5 =	simm.s32 $0xFFFFFFFF;
	p2 =	slt.u32 s8, $0xFFFFF086  }
0x1c: {  	p1 =	slt.u32 s9, $0xF7A;
	s5 =	simm.s32 @!p2 $0x0  }
0x1d: {  	s5 =	simm.s32 @p1 $0x1;
	p0 =	seq.s32 s7, s2  }
0x1e: {  	s7 =	smul.u32 @!p0 $0xF7A, s2;
	p2 =	seq.s32 @!p0 s5, $0x0  }
0x1f: {  	s9 =	smul.u32 $0xF7A, s1;
	s8 =	simm.s32 @!p0 $0x1BF5;
	p2 =	por !p2, p0  }
0x20: {  	[sflag:s8] =	ssyncset.s32 @!p0 $0xFFFFF086;
	s6 =	sadd.s32 @!p0 s3, s7;
	s7 =	simm.s32 @!p0 $0x108  }
0x21: {  	s3 =	sadd.s32 s3, s9;
	s6 =	sadd.s32 @!p0 $0x88, s6;
	s7 =	simm.s32 @p2 $0x1082  }
0x22: {  	[simem:s7], [sflag:s8] =	dma.local @!p0 [hbm:s6], $0xF7A  }
0x23: {  	s9 =	sor.u32 $0xD0000000, s2;
	s6 =	simm.s32 $0x108;
	_ =	swait.ge @!p0 [sflag:s8], $0x0  }
0x24: {  	s3 =	sadd.s32 $0x88, s3;
	s6 =	simm.s32 @!p1 $0x1082;
	[sflag:s4] =	ssyncset.s32 $0xFFFFF086  }
0x25: {  	[simem:s6], [sflag:s4] =	dma.local [hbm:s3], $0xF7A  }
0x26: {  	[smem:$0x3F99] =	sst s1;
	(tag) =	ssettag s2;
	_ =	strace s9  }
0x27: {  	s1 =	sld [smem:$0x3FA9]  }
0x28: {  	s2 =	sld [smem:$0x3FAA]  }
0x29: {  	s4 =	sld [smem:$0x3FAC]  }
0x2a: {  	p0 =	seq.s32 s5, $0x0;
	s5 =	sld [smem:$0x3FAD]  }
0x2b: {  	s6 =	sld [smem:$0x3FAE]  }
0x2c: {  	s7 =	sld [smem:$0x3FAF]  }
0x2d: {  	s3 =	simm.s32 $0x108;
	s8 =	sld [smem:$0x3FB0]  }
0x2e: {  	s3 =	simm.s32 @!p0 $0x1082;
	s9 =	sld [smem:$0x3FB1]  }
0x2f: {  	lr =	sadd.s32 s0, s3;
	s0 =	sld [smem:$0x3FA8]  }
0x30: {  	s3 =	sld [smem:$0x3FAB]  }
0x31: {  	[smem:$0x3FB4] =	sst s10  }
0x32: {  	s10 =	sld [smem:$0x3FB2];
	_ =	sdelay $0x3  }
0x33: {  	p0 =	seq.s32 s10, $0x1;
	s10 =	sld [smem:$0x3FB4];
	_ =	sdelay $0x3  }
0x34: {  	[smem:$0x3FB4] =	sst s10  }
0x35: {  	s10 =	sld [smem:$0x3FB3];
	_ =	sdelay $0x3  }
0x36: {  	p1 =	seq.s32 s10, $0x1;
	s10 =	sld [smem:$0x3FB4];
	_ =	sdelay $0x3  }
0x37: {  	[smem:$0x3FB4] =	sst s10  }
0x38: {  	s10 =	sld [smem:$0x3FB5]  }
0x39: {  	_ = 	snop;
	(pc) =	sbr.ind lr, $3  }
0x3a: {  	_ = 	snop  }
0x3b: {  	_ = 	snop  }
0x3c: {  	p2 =	seq.s32 s10, $0x1;
	s10 =	sld [smem:$0x3FB4]  }
0x3d: {  	_ =	shalt  }
0x3e: {  	_ =	shalt  }
0x3f: {  	_ =	shalt  }
0x40: {  	_ =	shalt  }
0x41: {  	_ =	shalt  }
0x42: {  	_ =	shalt  }
0x43: {  	_ =	shalt  }
0x44: {  	_ =	shalt  }
0x45: {  	_ =	shalt  }
0x46: {  	_ =	shalt  }
0x47: {  	_ =	shalt  }
0x48: {  	_ =	shalt  }
0x49: {  	_ =	shalt  }
0x4a: {  	_ =	shalt  }
0x4b: {  	_ =	shalt  }
0x4c: {  	_ =	shalt  }
0x4d: {  	_ =	shalt  }
0x4e: {  	_ =	shalt  }
0x4f: {  	_ =	shalt  }
0x50: {  	_ =	shalt  }
0x51: {  	_ =	shalt  }
0x52: {  	_ =	shalt  }
0x53: {  	_ =	shalt  }
0x54: {  	_ =	shalt  }
0x55: {  	_ =	shalt  }
0x56: {  	_ =	shalt  }
0x57: {  	_ =	shalt  }
0x58: {  	_ =	shalt  }
0x59: {  	_ =	shalt  }
0x5a: {  	_ =	shalt  }
0x5b: {  	_ =	shalt  }
0x5c: {  	_ =	shalt  }
0x5d: {  	_ =	shalt  }
0x5e: {  	_ =	shalt  }
0x5f: {  	_ =	shalt  }
0x60: {  	_ =	shalt  }
0x61: {  	_ =	shalt  }
0x62: {  	_ =	shalt  }
0x63: {  	_ =	shalt  }
0x64: {  	_ =	shalt  }
0x65: {  	_ =	shalt  }
0x66: {  	_ =	shalt  }
0x67: {  	_ =	shalt  }
0x68: {  	_ =	shalt  }
0x69: {  	_ =	shalt  }
0x6a: {  	_ =	shalt  }
0x6b: {  	_ =	shalt  }
0x6c: {  	_ =	shalt  }
0x6d: {  	_ =	shalt  }
0x6e: {  	_ =	shalt  }
0x6f: {  	_ =	shalt  }
0x70: {  	_ =	shalt  }
0x71: {  	_ =	shalt  }
0x72: {  	_ =	shalt  }
0x73: {  	_ =	shalt  }
0x74: {  	_ =	shalt  }
0x75: {  	_ =	shalt  }
0x76: {  	_ =	shalt  }
0x77: {  	_ =	shalt  }
0x78: {  	_ =	shalt  }
0x79: {  	_ =	shalt  }
0x7a: {  	_ =	shalt  }
0x7b: {  	_ =	shalt  }
0x7c: {  	_ =	shalt  }
0x7d: {  	_ =	shalt  }
0x7e: {  	_ =	shalt  }
0x7f: {  	_ =	shalt  }
0x80: {  	_ =	shalt  }
0x81: {  	_ =	shalt  }
0x82: {  	_ =	shalt  }
0x83: {  	_ =	shalt  }
0x84: {  	_ =	shalt  }
0x85: {  	_ =	shalt  }
0x86: {  	_ =	shalt  }
0x87: {  	_ =	shalt  }
.Lfunc_end0:
.L_simem_size_0:
called_computation.1_lowered:
.L_overlay_start_0:
0x88: {  	s2 =	sld [smem:$0x3FD9]  }
0x89: {  	s3 =	sld [smem:$0x3FFE];
	_ =	sdelay $0x1  }
0x8a: {  	s1 =	srdreg.scid  }
0x8b: {  	s0 =	sand.u32 $0x1, s1  }
0x8c: {  	s14 =	sshll.u32 s0, $0xA;
	s2 =	sadd.s32 s3, s2  }
0x8d: {  	s2 =	sadd.s32 s2, s14  }
0x8e: {  	[smem:$0x3FC0] =	sst s2  }
0x8f: {  	_ = 	snop  }
0x90: {  	s2 =	sld [smem:$0x3FD0];
	_ =	sdelay $0x2  }
0x91: {  	s4 =	simm.s32 $0xA;
	s5 =	simm.s32 $0x10;
	s15 =	sld [smem:$0x3FC8]  }
0x92: {  	[smem:s5], [sflag:s4] =	dma.local [hbm:s2], $0x1  }
0x93: {  	_ =	swait.eq [sflag:s4], $0x1  }
0x94: {  	[sflag:s4] =	ssyncset.done $0x0  }
0x95: {  	[sflag:s4] =	ssyncadd.s32 $0xFFFFFFFF  }
0x96: {  	s16 =	sld [smem:$0x10];
	(tm) =	ssettm $0x1  }
0x97: {  	s17 =	sld [smem:$0x3FFB];
	_ =	sdelay $0x3  }
0x98: {  	_ =	strace s17  }
0x99: {  	s4 =	sld [smem:$0x3FFC];
	_ =	sdelay $0x3  }
0x9a: {  	_ =	strace s4  }
0x9b: {  	s4 =	sld [smem:$0x3FFD];
	_ =	sdelay $0x3  }
0x9c: {  	_ =	strace s4  }
0x9d: {  	_ =	strace $0x8FFFFFFF  }
0x9e: {  	s18 =	sld [smem:$0x3FDB];
	_ =	sdelay $0x1  }
0x9f: {  	s19 =	simm.s32 $_scs_section_size  }
0xa0: {  	s6 =	simm.s32 $_size__tile_overlayer_lowered;
	s7 =	simm.s32 $_tile_overlayer_lowered  }
0xa1: {  	s22 =	simm.s32 $0x1BFF;
	s21 =	sshll.u32 s7, $0x1;
	s4 =	sadd.s32 s19, s18  }
0xa2: {  	s8 =	simm.s32 $0x0;
	s20 =	sshll.u32 s6, $0x1;
	s6 =	sadd.s32 s21, s4  }
0xa3: {  	[timem:s8], [sflag:s22] =	dma.local [hbm:s6], s20  }
0xa4: {  	_ =	swait.ge [sflag:s22], s20  }
0xa5: {  	s5 =	ssub.s32 $0x0, s20;
	[sflag:s22] =	ssyncset.done $0x0  }
0xa6: {  	[sflag:s22] =	ssyncadd.s32 s5;
	_ =	sdelay $0x1  }
0xa7: {  	s23 =	simm.s32 $0x1B8B  }
0xa8: {  	_ =	swait.ge [sflag:s23], $0x1  }
0xa9: {  	[sflag:s23] =	ssyncset.done $0x0  }
0xaa: {  	s25 =	simm.s32 $0x1B8E;
	s24 =	sld [smem:$0x3FFE];
	[sflag:s23] =	ssyncadd.s32 $0xFFFFFFFF  }
0xab: {  	s26 =	simm.s32 $execute0_lowered;
	[smem:$0x3FD2] =	sst s25  }
0xac: {  	s6 =	sshll.u32 s26, $0x1;
	_ =	strace $0x80000049;
	[dreg:$0x1] =	wrdreg $0xFFFFFFFF  }
0xad: {  	s28 =	simm.s32 $_size_execute0_lowered;
	s4 =	sadd.s32 s4, s6;
	[dreg:$0x0] =	wrdreg $0x0  }
0xae: {  	s6 =	sshll.u32 s28, $0x1;
	[dreg:$0x2] =	wrdreg s4  }
0xaf: {  	[dreg:$0x3] =	wrdreg s6  }
0xb0: {  	[dreg:$0x4] =	wrdreg $0xC0  }
0xb1: {  	_ =	task [dreg:s8], $0x5FFFF  }
0xb2: {  	[dreg:$0x1] =	wrdreg $0xFFFFFFFF  }
0xb3: {  	[dreg:$0x0] =	wrdreg $0x60  }
0xb4: {  	[dreg:$0x2] =	wrdreg s24  }
0xb5: {  	[dreg:$0x3] =	wrdreg s15  }
0xb6: {  	[dreg:$0x4] =	wrdreg s16  }
0xb7: {  	[dreg:$0x5] =	wrdreg $0x9  }
0xb8: {  	_ =	task.clear_ibuf [dreg:s8], $0x6FFFF;
	_ =	strace $0x90000049  }
0xb9: {  	s29 =	simm.s32 $0x9;
	_ =	strace $0x8000004B  }
0xba: {  	_ =	swait.ge [sflag:s29], $0x1  }
0xbb: {  	[sflag:s29] =	ssyncadd.s32 $0xFFFFFFFF  }
0xbc: {  	_ =	strace $0x9000004B  }
0xbd: {  	_ =	sfence  }
0xbe: {  	s30 =	sld [smem:$0x0];
	_ =	sdelay $0x2  }
0xbf: {  	s31 =	sshll.u32 s1, $0xD;
	s1 =	sshrl.u32 s1, $0x2  }
0xc0: {  	s3 =	sand.u32 $0x4000, s31;
	s1 =	sadd.s32 s1, s30  }
0xc1: {  	s0 =	sor.u32 s3, s0;
	s1 =	sshll.u32 s1, $0x11  }
0xc2: {  	s0 =	sor.u32 s1, s0  }
0xc3: {  	s0 =	sadd.s32 $0x8F2B, s0  }
0xc4: {  	[sflag:s0] =	ssyncadd.remote.s32 $0x1  }
0xc5: {  	_ =	sfence.sel $0xFFFF  }
0xc6: {  	[dreg:$0x0] =	wrdreg $0xFFFFFFFF;
	(pc) =	sbr.abs _section_cstart, $3  }
0xc7: {  	[dreg:$0x1] =	wrdreg $0xFFFFFFFF  }
0xc8: {  	_ =	task.clear_ibuf [dreg:s8], $0x2FFFF;
	_ =	strace $0x9FFFFFFF  }
0xc9: {  	(tm) =	ssettm $0x7FFFFFFF  }
tec
execute0_lowered:
.L_overlay_start_1:
0x0: {  	(tag) =	ssettag $0x1  }
0x1: {  	s4 =	rddreg [dreg:$0x0]  }
0x2: {  	s5 =	rddreg [dreg:$0x1];
	s1 =	srdreg.scid  }
0x3: {  	s0 =	stileid.u32;
	s2 =	rddreg [dreg:$0x2];
	s3 =	simm.s32 $0x0  }
0x4: {  	s17 =	simm.s32 $0xC40;
	s18 =	simm.s32 $0x1880;
	s19 =	simm.s32 $0x24C0  }
0x5: {  	s20 =	simm.s32 $0x6E80;
	s21 =	simm.s32 $0x3D80;
	s22 =	simm.s32 $0x49C0  }
0x6: {  	s23 =	simm.s32 $0x5600;
	s24 =	simm.s32 $0x6240;
	s25 =	simm.s32 $0x0  }
0x7: {  	s6 =	sand.u32 $0x1, s1;
	s7 =	sshll.u32 s0, $0x1;
	s1 =	rddreg [dreg:$0x3]  }
0x8: {  	[smem:$0x7FF] =	sst s3;
	s9 =	sadd.s32 $0x1400, s4;
	s16 =	sor.u32 s6, s7  }
0x9: {  	s12 =	sadd.s32 $0xDC00, s4;
	s6 =	ssub.s32 $0x2, s6;
	s7 =	smul.u32 $0x61, s16  }
0xa: {  	_ =	strace $0x8000004A;
	s8 =	smin.u32 s16, $0x15;
	s31 =	sshrl.u32 s6, $0x1  }
0xb: {  	p0 =	sgt.u32 s16, $0x14;
	s13 =	ssub.s32 s6, s31;
	s7 =	sadd.s32 s8, s7  }
0xc: {  	s16 =	simm.s32 $0x3100;
	s13 =	smax.u32 s13, $0x1;
	s10 =	sshll.u32 s7, $0x2  }
.Ltmp0:
0xd: {  	s4 =	sadd.s32 s5, s10;
	s5 =	sadd.s32 s9, s10;
	(pc) =	sbr.rel .LBB2_1-.Ltmp0, $4  }
0xe: {  	s11 =	sadd.s32 $0x3200, s10;
	s14 =	sadd.s32 $0x6400, s10;
	s15 =	sadd.s32 $0x9600, s10  }
0xf: {  	s6 =	sadd.s32 s9, s11;
	s7 =	sadd.s32 s9, s14;
	s8 =	sadd.s32 s9, s15  }
0x10: {  	s9 =	sadd.s32 s12, s10;
	s10 =	sadd.s32 s12, s11;
	s11 =	sadd.s32 s12, s14  }
0x11: {  	s12 =	sadd.s32 s12, s15;
	s14 =	simm.s32 $0x7680;
	s15 =	simm.s32 $0x1  }
.LBB2_21:
0x12: {  	v0 =	vld [tilespmem:s28+$0x3100];
	_ =	sdelay $0x4  }
0x13: {  	v1 =	vpop (erf);
	v0 =	vadd.s32 $0x600, v0  }
0x14: {  	v2 =	vpop (erf)  }
0x15: {  	v1 =	vmul.f32 v2, v1;
	_ =	sdelay $0x1  }
0x16: {  	v60 =	vld [tilespmem:s28+$0x24C0];
	[tilespmem:s26+$0x6240] =	vst v1  }
0x17: {  	v0 =	vld.idx.msk [tilespmem:v0+s20+$0x0], $0xffff;
	_ =	sdelay $0x3  }
0x18: {  	v61 =	vmul.f32 $1.442695020e+00, v60  }
0x19: {  	v0 =	vadd.f32 $1.000000020e-16, v0  }
0x1a: {  	(erf) = vpow2.f32 v61  }
0x1b: {  	(erf) = vrcp.f32 v0;
	_ =	sdelay $0x7  }
0x1c: {  	v62 =	vpop (erf)  }
0x1d: {  	v63 =	vpop (erf)  }
0x1e: {  	v0 =	vmul.f32 v63, v62;
	_ =	sdelay $0x1  }
0x1f: {  	[tilespmem:s28+$0x6240] =	vst v0  }
0x20: {  	[hbm4b:s9+s3] =	stream.linear.scatter [tilespmem:s21], [sflag:$0x1], $0xC20, $0x38;
	[tilespmem:$0x17680] =	vst v63  }
0x21: {  	_ =	swait.ge [sflag:s15], $0xC20  }
0x22: {  	[sflag:s15] =	ssyncset.done $0x0  }
0x23: {  	[sflag:s15] =	ssyncadd.s32 $0xFFFFF3E0  }
0x24: {  	[hbm4b:s10+s3] =	stream.linear.scatter [tilespmem:s22], [sflag:$0x1], $0xC20, $0x38;
	[tilespmem:$0x17680] =	vst v63  }
0x25: {  	_ =	swait.ge [sflag:s15], $0xC20  }
0x26: {  	[sflag:s15] =	ssyncset.done $0x0  }
0x27: {  	[sflag:s15] =	ssyncadd.s32 $0xFFFFF3E0  }
0x28: {  	[hbm4b:s11+s3] =	stream.linear.scatter [tilespmem:s23], [sflag:$0x1], $0xC20, $0x38;
	[tilespmem:$0x17680] =	vst v63  }
0x29: {  	_ =	swait.ge [sflag:s15], $0xC20  }
0x2a: {  	[sflag:s15] =	ssyncset.done $0x0  }
0x2b: {  	[sflag:s15] =	ssyncadd.s32 $0xFFFFF3E0  }
0x2c: {  	[hbm4b:s12+s3] =	stream.linear.scatter [tilespmem:s24], [sflag:$0x1], $0xC20, $0x38;
	[tilespmem:$0x17680] =	vst v63  }
0x2d: {  	_ =	swait.ge [sflag:s15], $0xC20  }
0x2e: {  	[sflag:s15] =	ssyncset.done $0x0  }
0x2f: {  	[sflag:s15] =	ssyncadd.s32 $0xFFFFF3E0  }
.LBB2_22:
0x30: {  	s25 =	sadd.s32 $0x1, s25  }
0x31: {  	p1 =	sne.s32 s25, s13  }
.Ltmp1:
0x32: {  	_ = 	snop;
	(pc) =	sbr.rel @!p1 .LBB2_23-.Ltmp1, $1  }
0x33: {  	_ =	sdelay $0x3  }
.LBB2_1:
0x34: {  	[tilespmem:s14], [sflag:$0x1] =	stream.linear.gather [hbm4b:s2+s3], $0x10000, $0x38;
	[tilespmem:$0x17680] =	vst v63  }
0x35: {  	_ =	swait.ge [sflag:s15], $0x10000  }
0x36: {  	s26 =	sand.u32 $0x70, s3;
	s28 =	sand.u32 $0x3C00, s3;
	[sflag:s15] =	ssyncset.done $0x0  }
0x37: {  	s26 =	sor.u32 s26, s28;
	[sflag:s15] =	ssyncadd.s32 $0xFFFF0000  }
0x38: {  	v0 =	vld [tilespmem:s26+$0x7680];
	_ =	sdelay $0x1  }
0x39: {  	v1 =	vld [tilespmem:s26+$0x7700];
	_ =	sdelay $0x1  }
0x3a: {  	v2 =	vld [tilespmem:s26+$0x7780]  }
0x3b: {  	v0 =	vadd.f32 $0.0e+00, v0  }
0x3c: {  	v3 =	vld [tilespmem:s26+$0x7800]  }
0x3d: {  	v0 =	vadd.f32 v1, v0  }
0x3e: {  	v1 =	vld [tilespmem:s26+$0x7880]  }
0x3f: {  	v0 =	vadd.f32 v2, v0  }
0x40: {  	v2 =	vld [tilespmem:s26+$0x7900]  }
0x41: {  	v0 =	vadd.f32 v3, v0  }
0x42: {  	v3 =	vld [tilespmem:s26+$0x7980]  }
0x43: {  	v0 =	vadd.f32 v1, v0  }
0x44: {  	v1 =	vld [tilespmem:s26+$0x7A00]  }
0x45: {  	v0 =	vadd.f32 v2, v0  }
0x46: {  	v2 =	vld [tilespmem:s26+$0xB680]  }
0x47: {  	v0 =	vadd.f32 v3, v0  }
0x48: {  	v3 =	vld [tilespmem:s26+$0xB700]  }
0x49: {  	v0 =	vadd.f32 v1, v0  }
0x4a: {  	v1 =	vld [tilespmem:s26+$0xB780]  }
0x4b: {  	v0 =	vadd.f32 v2, v0  }
0x4c: {  	v2 =	vld [tilespmem:s26+$0xB800]  }
0x4d: {  	v0 =	vadd.f32 v3, v0  }
0x4e: {  	v3 =	vld [tilespmem:s26+$0xB880]  }
0x4f: {  	v0 =	vadd.f32 v1, v0  }
0x50: {  	v1 =	vld [tilespmem:s26+$0xB900]  }
0x51: {  	v0 =	vadd.f32 v2, v0  }
0x52: {  	v2 =	vld [tilespmem:s26+$0xB980]  }
0x53: {  	v0 =	vadd.f32 v3, v0  }
0x54: {  	v3 =	vld [tilespmem:s26+$0xBA00]  }
0x55: {  	v0 =	vadd.f32 v1, v0  }
0x56: {  	v1 =	vld [tilespmem:s26+$0xF680]  }
0x57: {  	v0 =	vadd.f32 v2, v0  }
0x58: {  	v2 =	vld [tilespmem:s26+$0xF700]  }
0x59: {  	v0 =	vadd.f32 v3, v0  }
0x5a: {  	v3 =	vld [tilespmem:s26+$0xF780]  }
0x5b: {  	v0 =	vadd.f32 v1, v0  }
0x5c: {  	v1 =	vld [tilespmem:s26+$0xF800]  }
0x5d: {  	v0 =	vadd.f32 v2, v0  }
0x5e: {  	v2 =	vld [tilespmem:s26+$0xF880]  }
0x5f: {  	v0 =	vadd.f32 v3, v0  }
0x60: {  	v3 =	vld [tilespmem:s26+$0xF900]  }
0x61: {  	v0 =	vadd.f32 v1, v0  }
0x62: {  	v1 =	vld [tilespmem:s26+$0xF980]  }
0x63: {  	v0 =	vadd.f32 v2, v0  }
0x64: {  	v2 =	vld [tilespmem:s26+$0xFA00]  }
0x65: {  	v0 =	vadd.f32 v3, v0  }
0x66: {  	v3 =	vld [tilespmem:s26+$0x13680]  }
0x67: {  	v0 =	vadd.f32 v1, v0  }
0x68: {  	v1 =	vld [tilespmem:s26+$0x13700]  }
0x69: {  	v0 =	vadd.f32 v2, v0  }
0x6a: {  	v2 =	vld [tilespmem:s26+$0x13780]  }
0x6b: {  	v0 =	vadd.f32 v3, v0  }
0x6c: {  	v3 =	vld [tilespmem:s26+$0x13800]  }
0x6d: {  	v0 =	vadd.f32 v1, v0  }
0x6e: {  	v1 =	vld [tilespmem:s26+$0x13880]  }
0x6f: {  	v0 =	vadd.f32 v2, v0  }
0x70: {  	v2 =	vld [tilespmem:s26+$0x13900]  }
0x71: {  	v0 =	vadd.f32 v3, v0  }
0x72: {  	v3 =	vld [tilespmem:s26+$0x13980]  }
0x73: {  	v0 =	vadd.f32 v1, v0  }
0x74: {  	v1 =	vld [tilespmem:s26+$0x13A00]  }
0x75: {  	v0 =	vadd.f32 v2, v0;
	_ =	sdelay $0x1  }
0x76: {  	v0 =	vadd.f32 v3, v0;
	_ =	sdelay $0x1  }
0x77: {  	s29 =	simm.s32 $0x20;
	s28 =	simm.s32 $0x80;
	s26 =	simm.s32 $0x10;
	v0 =	vadd.f32 v1, v0  }
0x78: {  	s31 =	sand.u32 $0x3C00, s28;
	s30 =	sand.u32 $0x70, s26;
	s26 =	simm.s32 $0x6E80  }
.LBB2_2:
0x79: {  	p1 =	sne.s32 s29, $0x7F0;
	s30 =	sor.u32 s30, s31;
	[tilespmem:s26+$0x0] =	vst v0  }
0x7a: {  	v0 =	vld [tilespmem:s30+$0x7680];
	_ =	sdelay $0x1  }
0x7b: {  	v1 =	vld [tilespmem:s30+$0x7700];
	_ =	sdelay $0x1  }
0x7c: {  	v2 =	vld [tilespmem:s30+$0x7780]  }
0x7d: {  	v0 =	vadd.f32 $0.0e+00, v0  }
0x7e: {  	v3 =	vld [tilespmem:s30+$0x7800]  }
0x7f: {  	v0 =	vadd.f32 v1, v0  }
0x80: {  	v1 =	vld [tilespmem:s30+$0x7880]  }
0x81: {  	v0 =	vadd.f32 v2, v0  }
0x82: {  	v2 =	vld [tilespmem:s30+$0x7900]  }
0x83: {  	v0 =	vadd.f32 v3, v0  }
0x84: {  	v3 =	vld [tilespmem:s30+$0x7980]  }
0x85: {  	v0 =	vadd.f32 v1, v0  }
0x86: {  	v1 =	vld [tilespmem:s30+$0x7A00]  }
0x87: {  	v0 =	vadd.f32 v2, v0  }
0x88: {  	v2 =	vld [tilespmem:s30+$0xB680]  }
0x89: {  	v0 =	vadd.f32 v3, v0  }
0x8a: {  	v3 =	vld [tilespmem:s30+$0xB700]  }
0x8b: {  	v0 =	vadd.f32 v1, v0  }
0x8c: {  	v1 =	vld [tilespmem:s30+$0xB780]  }
0x8d: {  	v0 =	vadd.f32 v2, v0  }
0x8e: {  	v2 =	vld [tilespmem:s30+$0xB800]  }
0x8f: {  	v0 =	vadd.f32 v3, v0  }
0x90: {  	v3 =	vld [tilespmem:s30+$0xB880]  }
0x91: {  	v0 =	vadd.f32 v1, v0  }
0x92: {  	v1 =	vld [tilespmem:s30+$0xB900]  }
0x93: {  	v0 =	vadd.f32 v2, v0  }
0x94: {  	v2 =	vld [tilespmem:s30+$0xB980]  }
0x95: {  	v0 =	vadd.f32 v3, v0  }
0x96: {  	v3 =	vld [tilespmem:s30+$0xBA00]  }
0x97: {  	v0 =	vadd.f32 v1, v0  }
0x98: {  	v1 =	vld [tilespmem:s30+$0xF680]  }
0x99: {  	v0 =	vadd.f32 v2, v0  }
0x9a: {  	v2 =	vld [tilespmem:s30+$0xF700]  }
0x9b: {  	v0 =	vadd.f32 v3, v0  }
0x9c: {  	v3 =	vld [tilespmem:s30+$0xF780]  }
0x9d: {  	v0 =	vadd.f32 v1, v0  }
0x9e: {  	v1 =	vld [tilespmem:s30+$0xF800]  }
0x9f: {  	v0 =	vadd.f32 v2, v0  }
0xa0: {  	v2 =	vld [tilespmem:s30+$0xF880]  }
0xa1: {  	v0 =	vadd.f32 v3, v0  }
0xa2: {  	v3 =	vld [tilespmem:s30+$0xF900]  }
0xa3: {  	v0 =	vadd.f32 v1, v0  }
0xa4: {  	v1 =	vld [tilespmem:s30+$0xF980]  }
0xa5: {  	v0 =	vadd.f32 v2, v0  }
0xa6: {  	v2 =	vld [tilespmem:s30+$0xFA00]  }
0xa7: {  	v0 =	vadd.f32 v3, v0  }
0xa8: {  	v3 =	vld [tilespmem:s30+$0x13680]  }
0xa9: {  	v0 =	vadd.f32 v1, v0  }
0xaa: {  	v1 =	vld [tilespmem:s30+$0x13700]  }
0xab: {  	v0 =	vadd.f32 v2, v0  }
0xac: {  	v2 =	vld [tilespmem:s30+$0x13780]  }
0xad: {  	v0 =	vadd.f32 v3, v0  }
0xae: {  	v3 =	vld [tilespmem:s30+$0x13800]  }
0xaf: {  	v0 =	vadd.f32 v1, v0  }
0xb0: {  	v1 =	vld [tilespmem:s30+$0x13880]  }
0xb1: {  	v0 =	vadd.f32 v2, v0  }
0xb2: {  	v2 =	vld [tilespmem:s30+$0x13900]  }
0xb3: {  	v0 =	vadd.f32 v3, v0  }
0xb4: {  	v3 =	vld [tilespmem:s30+$0x13980]  }
0xb5: {  	v0 =	vadd.f32 v1, v0  }
0xb6: {  	v1 =	vld [tilespmem:s30+$0x13A00]  }
0xb7: {  	v0 =	vadd.f32 v2, v0  }
.Ltmp2:
0xb8: {  	(pc) =	sbr.rel @p1 .LBB2_2-.Ltmp2, $3  }
0xb9: {  	v0 =	vadd.f32 v3, v0;
	_ =	sdelay $0x1  }
0xba: {  	s28 =	sadd.s32 $0x80, s28;
	s26 =	sadd.s32 $0x10, s26;
	v0 =	vadd.f32 v1, v0  }
0xbb: {  	s31 =	sand.u32 $0x3C00, s28;
	s30 =	sand.u32 $0x70, s29;
	s29 =	sadd.s32 $0x10, s29  }
0xbc: {  	s28 =	sor.u32 s30, s31;
	[tilespmem:s26+$0x0] =	vst v0  }
0xbd: {  	v0 =	vld [tilespmem:s28+$0x7680];
	_ =	sdelay $0x1  }
0xbe: {  	v1 =	vld [tilespmem:s28+$0x7700];
	_ =	sdelay $0x1  }
0xbf: {  	v2 =	vld [tilespmem:s28+$0x7780]  }
0xc0: {  	v0 =	vadd.f32 $0.0e+00, v0  }
0xc1: {  	v3 =	vld [tilespmem:s28+$0x7800]  }
0xc2: {  	v0 =	vadd.f32 v1, v0  }
0xc3: {  	v36 =	vld [tilespmem:s28+$0x7880]  }
0xc4: {  	v0 =	vadd.f32 v2, v0  }
0xc5: {  	v37 =	vld [tilespmem:s28+$0x7900]  }
0xc6: {  	v0 =	vadd.f32 v3, v0  }
0xc7: {  	v38 =	vld [tilespmem:s28+$0x7980]  }
0xc8: {  	v0 =	vadd.f32 v36, v0  }
0xc9: {  	v39 =	vld [tilespmem:s28+$0x7A00]  }
0xca: {  	v0 =	vadd.f32 v37, v0  }
0xcb: {  	v40 =	vld [tilespmem:s28+$0xB680]  }
0xcc: {  	v0 =	vadd.f32 v38, v0  }
0xcd: {  	v41 =	vld [tilespmem:s28+$0xB700]  }
0xce: {  	v0 =	vadd.f32 v39, v0  }
0xcf: {  	v42 =	vld [tilespmem:s28+$0xB780]  }
0xd0: {  	v0 =	vadd.f32 v40, v0  }
0xd1: {  	v43 =	vld [tilespmem:s28+$0xB800]  }
0xd2: {  	v0 =	vadd.f32 v41, v0  }
0xd3: {  	v44 =	vld [tilespmem:s28+$0xB880]  }
0xd4: {  	v0 =	vadd.f32 v42, v0  }
0xd5: {  	v45 =	vld [tilespmem:s28+$0xB900]  }
0xd6: {  	v0 =	vadd.f32 v43, v0  }
0xd7: {  	v46 =	vld [tilespmem:s28+$0xB980]  }
0xd8: {  	v0 =	vadd.f32 v44, v0  }
0xd9: {  	v47 =	vld [tilespmem:s28+$0xBA00]  }
0xda: {  	v0 =	vadd.f32 v45, v0  }
0xdb: {  	v48 =	vld [tilespmem:s28+$0xF680]  }
0xdc: {  	v0 =	vadd.f32 v46, v0  }
0xdd: {  	v49 =	vld [tilespmem:s28+$0xF700]  }
0xde: {  	v0 =	vadd.f32 v47, v0  }
0xdf: {  	v50 =	vld [tilespmem:s28+$0xF780]  }
0xe0: {  	v0 =	vadd.f32 v48, v0  }
0xe1: {  	v51 =	vld [tilespmem:s28+$0xF800]  }
0xe2: {  	v0 =	vadd.f32 v49, v0  }
0xe3: {  	v52 =	vld [tilespmem:s28+$0xF880]  }
0xe4: {  	v0 =	vadd.f32 v50, v0  }
0xe5: {  	v53 =	vld [tilespmem:s28+$0xF900]  }
0xe6: {  	v0 =	vadd.f32 v51, v0  }
0xe7: {  	v54 =	vld [tilespmem:s28+$0xF980]  }
0xe8: {  	v0 =	vadd.f32 v52, v0  }
0xe9: {  	v55 =	vld [tilespmem:s28+$0xFA00]  }
0xea: {  	v0 =	vadd.f32 v53, v0  }
0xeb: {  	v56 =	vld [tilespmem:s28+$0x13680]  }
0xec: {  	v0 =	vadd.f32 v54, v0  }
0xed: {  	v57 =	vld [tilespmem:s28+$0x13700]  }
0xee: {  	v0 =	vadd.f32 v55, v0  }
0xef: {  	v58 =	vld [tilespmem:s28+$0x13780]  }
0xf0: {  	v0 =	vadd.f32 v56, v0  }
0xf1: {  	v59 =	vld [tilespmem:s28+$0x13800]  }
0xf2: {  	v0 =	vadd.f32 v57, v0  }
0xf3: {  	v60 =	vld [tilespmem:s28+$0x13880]  }
0xf4: {  	v0 =	vadd.f32 v58, v0  }
0xf5: {  	v61 =	vld [tilespmem:s28+$0x13900]  }
0xf6: {  	v0 =	vadd.f32 v59, v0  }
0xf7: {  	v62 =	vld [tilespmem:s28+$0x13980]  }
0xf8: {  	v0 =	vadd.f32 v60, v0  }
0xf9: {  	v63 =	vld [tilespmem:s28+$0x13A00]  }
0xfa: {  	v0 =	vadd.f32 v61, v0;
	_ =	sdelay $0x1  }
.Ltmp3:
0xfb: {  	v0 =	vadd.f32 v62, v0;
	(pc) =	sbr.rel @p0 .LBB2_13-.Ltmp3, $4  }
0xfc: {  	_ = 	snop  }
0xfd: {  	v0 =	vadd.f32 v63, v0  }
0xfe: {  	s31 =	sadd.s32 $0x10, s26  }
0xff: {  	s26 =	simm.s32 $0x0;
	[tilespmem:s31+$0x0] =	vst v0  }
0x100: {  	[tilespmem:s16], [sflag:$0x1] =	stream.linear.gather [hbm4b:s4+s26], $0xC40, $0x38;
	[tilespmem:$0x17680] =	vst v63  }
0x101: {  	_ =	swait.ge [sflag:s15], $0xC40  }
0x102: {  	[sflag:s15] =	ssyncset.done $0x0  }
0x103: {  	[sflag:s15] =	ssyncadd.s32 $0xFFFFF3C0  }
0x104: {  	[tilespmem:s26], [sflag:$0x1] =	stream.linear.gather [hbm4b:s5+s26], $0xC40, $0x38;
	[tilespmem:$0x17680] =	vst v63  }
0x105: {  	_ =	swait.ge [sflag:s15], $0xC40  }
0x106: {  	[sflag:s15] =	ssyncset.done $0x0  }
0x107: {  	[sflag:s15] =	ssyncadd.s32 $0xFFFFF3C0  }
0x108: {  	[tilespmem:s17], [sflag:$0x1] =	stream.linear.gather [hbm4b:s6+s26], $0xC40, $0x38;
	[tilespmem:$0x17680] =	vst v63  }
0x109: {  	_ =	swait.ge [sflag:s15], $0xC40  }
0x10a: {  	[sflag:s15] =	ssyncset.done $0x0  }
0x10b: {  	[sflag:s15] =	ssyncadd.s32 $0xFFFFF3C0  }
0x10c: {  	[tilespmem:s18], [sflag:$0x1] =	stream.linear.gather [hbm4b:s7+s26], $0xC40, $0x38;
	[tilespmem:$0x17680] =	vst v63  }
0x10d: {  	_ =	swait.ge [sflag:s15], $0xC40  }
0x10e: {  	[sflag:s15] =	ssyncset.done $0x0  }
0x10f: {  	[sflag:s15] =	ssyncadd.s32 $0xFFFFF3C0  }
0x110: {  	[tilespmem:s19], [sflag:$0x1] =	stream.linear.gather [hbm4b:s8+s26], $0xC40, $0x38;
	[tilespmem:$0x17680] =	vst v63  }
0x111: {  	_ =	swait.ge [sflag:s15], $0xC40  }
0x112: {  	[sflag:s15] =	ssyncset.done $0x0  }
0x113: {  	s26 =	simm.s32 $0x0;
	[sflag:s15] =	ssyncadd.s32 $0xFFFFF3C0  }
0x114: {  	v0 =	vld [tilespmem:s26+$0x3100];
	_ =	sdelay $0x6  }
0x115: {  	v1 =	vld [tilespmem:s26+$0x0]  }
0x116: {  	v0 =	vld.idx.msk [tilespmem:v0+s20+$0x0], $0xffff;
	_ =	sdelay $0x3  }
0x117: {  	v1 =	vmul.f32 $1.442695020e+00, v1  }
0x118: {  	v0 =	vadd.f32 $1.000000020e-16, v0  }
0x119: {  	(erf) = vpow2.f32 v1  }
0x11a: {  	(erf) = vrcp.f32 v0;
	_ =	sdelay $0x3  }
0x11b: {  	s30 =	simm.s32 $0x10;
	s29 =	simm.s32 $0x80;
	s28 =	simm.s32 $0x0  }
.LBB2_5:
0x11c: {  	p1 =	sne.s32 s29, $0x30C0;
	v0 =	vld [tilespmem:s30+$0x3100];
	_ =	sdelay $0x2  }
0x11d: {  	v1 =	vpop (erf)  }
0x11e: {  	v2 =	vpop (erf)  }
0x11f: {  	v1 =	vmul.f32 v2, v1;
	_ =	sdelay $0x1  }
0x120: {  	v2 =	vld [tilespmem:s30+$0x0];
	[tilespmem:s28+$0x3D80] =	vst v1;
	s28 =	smov.u32 s30  }
0x121: {  	v0 =	vld.idx.msk [tilespmem:v0+s20+$0x0], $0xffff;
	_ =	sdelay $0x4  }
0x122: {  	v1 =	vmul.f32 $1.442695020e+00, v2  }
0x123: {  	v0 =	vadd.f32 $1.000000020e-16, v0  }
0x124: {  	(erf) = vpow2.f32 v1  }
.Ltmp4:
0x125: {  	(erf) = vrcp.f32 v0;
	(pc) =	sbr.rel @p1 .LBB2_5-.Ltmp4, $2  }
0x126: {  	_ =	sdelay $0x2  }
0x127: {  	s30 =	sshra.s32 s29, $0x2;
	s29 =	sadd.s32 $0x40, s29  }
0x128: {  	v0 =	vld [tilespmem:s30+$0x3100];
	_ =	sdelay $0x2  }
0x129: {  	v1 =	vpop (erf)  }
0x12a: {  	v2 =	vpop (erf)  }
0x12b: {  	v1 =	vmul.f32 v2, v1;
	_ =	sdelay $0x1  }
0x12c: {  	v59 =	vld [tilespmem:s30+$0x0];
	[tilespmem:s28+$0x3D80] =	vst v1  }
0x12d: {  	v0 =	vld.idx.msk [tilespmem:v0+s20+$0x0], $0xffff;
	_ =	sdelay $0x3  }
0x12e: {  	v60 =	vmul.f32 $1.442695020e+00, v59  }
0x12f: {  	v0 =	vadd.f32 $1.000000020e-16, v0  }
0x130: {  	(erf) = vpow2.f32 v60  }
0x131: {  	(erf) = vrcp.f32 v0;
	_ =	sdelay $0x7  }
0x132: {  	v61 =	vpop (erf)  }
0x133: {  	v62 =	vpop (erf)  }
0x134: {  	v0 =	vmul.f32 v62, v61;
	_ =	sdelay $0x1  }
0x135: {  	[tilespmem:s30+$0x3D80] =	vst v0  }
0x136: {  	v0 =	vld [tilespmem:s26+$0x3100];
	_ =	sdelay $0x4  }
0x137: {  	v0 =	vadd.s32 $0x200, v0;
	_ =	sdelay $0x3  }
0x138: {  	v63 =	vld [tilespmem:s26+$0xC40]  }
0x139: {  	v0 =	vld.idx.msk [tilespmem:v0+s20+$0x0], $0xffff;
	_ =	sdelay $0x3  }
0x13a: {  	v1 =	vmul.f32 $1.442695020e+00, v63  }
0x13b: {  	v0 =	vadd.f32 $1.000000020e-16, v0  }
0x13c: {  	(erf) = vpow2.f32 v1  }
0x13d: {  	(erf) = vrcp.f32 v0;
	_ =	sdelay $0x1  }
0x13e: {  	s29 =	simm.s32 $0x80;
	s28 =	simm.s32 $0x10  }
.LBB2_7:
0x13f: {  	p1 =	sne.s32 s29, $0x30C0;
	v0 =	vld [tilespmem:s28+$0x3100];
	_ =	sdelay $0x4  }
0x140: {  	v0 =	vadd.s32 $0x200, v0;
	v1 =	vpop (erf)  }
0x141: {  	v2 =	vpop (erf)  }
0x142: {  	v1 =	vmul.f32 v2, v1;
	_ =	sdelay $0x1  }
0x143: {  	v2 =	vld [tilespmem:s28+$0xC40];
	[tilespmem:s26+$0x49C0] =	vst v1;
	s26 =	smov.u32 s28  }
0x144: {  	v0 =	vld.idx.msk [tilespmem:v0+s20+$0x0], $0xffff;
	_ =	sdelay $0x4  }
0x145: {  	v1 =	vmul.f32 $1.442695020e+00, v2  }
.Ltmp5:
0x146: {  	v0 =	vadd.f32 $1.000000020e-16, v0;
	(pc) =	sbr.rel @p1 .LBB2_7-.Ltmp5, $3  }
0x147: {  	(erf) = vpow2.f32 v1  }
0x148: {  	(erf) = vrcp.f32 v0;
	_ =	sdelay $0x1  }
0x149: {  	s28 =	sshra.s32 s29, $0x2;
	s29 =	sadd.s32 $0x40, s29  }
0x14a: {  	v0 =	vld [tilespmem:s28+$0x3100];
	_ =	sdelay $0x4  }
0x14b: {  	v0 =	vadd.s32 $0x200, v0;
	v1 =	vpop (erf)  }
0x14c: {  	v2 =	vpop (erf)  }
0x14d: {  	v1 =	vmul.f32 v2, v1;
	_ =	sdelay $0x1  }
0x14e: {  	v2 =	vld [tilespmem:s28+$0xC40];
	[tilespmem:s26+$0x49C0] =	vst v1  }
0x14f: {  	v0 =	vld.idx.msk [tilespmem:v0+s20+$0x0], $0xffff;
	_ =	sdelay $0x3  }
0x150: {  	v1 =	vmul.f32 $1.442695020e+00, v2  }
0x151: {  	v0 =	vadd.f32 $1.000000020e-16, v0  }
0x152: {  	(erf) = vpow2.f32 v1  }
0x153: {  	(erf) = vrcp.f32 v0;
	_ =	sdelay $0x7  }
0x154: {  	v0 =	vpop (erf)  }
0x155: {  	v1 =	vpop (erf)  }
0x156: {  	v0 =	vmul.f32 v1, v0;
	_ =	sdelay $0x1  }
0x157: {  	[tilespmem:s28+$0x49C0] =	vst v0;
	s28 =	simm.s32 $0x3100  }
0x158: {  	s29 =	simm.s32 $0x10;
	s26 =	simm.s32 $0x0;
	v0 =	vld [tilespmem:s28+$0x0]  }
.LBB2_9:
0x159: {  	p1 =	sne.s32 s29, $0xC30;
	_ =	sdelay $0x3  }
0x15a: {  	v0 =	vadd.s32 $0x400, v0;
	_ =	sdelay $0x2  }
0x15b: {  	s30 =	sand.u32 $0xFF0, s26;
	s26 =	smov.u32 s29  }
0x15c: {  	v1 =	vld [tilespmem:s30+$0x1880]  }
0x15d: {  	v0 =	vld.idx.msk [tilespmem:v0+s20+$0x0], $0xffff;
	_ =	sdelay $0x4  }
0x15e: {  	v1 =	vmul.f32 $1.442695020e+00, v1  }
0x15f: {  	v0 =	vadd.f32 $1.000000020e-16, v0  }
0x160: {  	(erf) = vpow2.f32 v1  }
0x161: {  	(erf) = vrcp.f32 v0;
	_ =	sdelay $0x7  }
0x162: {  	v0 =	vpop (erf)  }
.Ltmp6:
0x163: {  	v1 =	vpop (erf);
	(pc) =	sbr.rel @p1 .LBB2_9-.Ltmp6, $3  }
0x164: {  	v0 =	vmul.f32 v1, v0;
	_ =	sdelay $0x1  }
0x165: {  	s28 =	sadd.s32 $0x10, s28;
	[tilespmem:s30+$0x5600] =	vst v0  }
0x166: {  	s29 =	sadd.s32 $0x10, s29;
	v0 =	vld [tilespmem:s28+$0x0]  }
0x167: {  	_ =	sdelay $0x3  }
0x168: {  	v0 =	vadd.s32 $0x400, v0;
	_ =	sdelay $0x2  }
0x169: {  	s26 =	sand.u32 $0xFF0, s26  }
0x16a: {  	v1 =	vld [tilespmem:s26+$0x1880]  }
0x16b: {  	v0 =	vld.idx.msk [tilespmem:v0+s20+$0x0], $0xffff;
	_ =	sdelay $0x3  }
0x16c: {  	v1 =	vmul.f32 $1.442695020e+00, v1  }
0x16d: {  	v0 =	vadd.f32 $1.000000020e-16, v0  }
0x16e: {  	(erf) = vpow2.f32 v1  }
0x16f: {  	(erf) = vrcp.f32 v0;
	_ =	sdelay $0x7  }
0x170: {  	v61 =	vpop (erf)  }
0x171: {  	v62 =	vpop (erf)  }
0x172: {  	v0 =	vmul.f32 v62, v61;
	_ =	sdelay $0x1  }
0x173: {  	[tilespmem:s26+$0x5600] =	vst v0;
	s26 =	simm.s32 $0x0  }
0x174: {  	v0 =	vld [tilespmem:s26+$0x3100];
	_ =	sdelay $0x4  }
0x175: {  	v0 =	vadd.s32 $0x600, v0;
	_ =	sdelay $0x3  }
0x176: {  	v63 =	vld [tilespmem:s26+$0x24C0]  }
0x177: {  	v0 =	vld.idx.msk [tilespmem:v0+s20+$0x0], $0xffff;
	_ =	sdelay $0x3  }
0x178: {  	v1 =	vmul.f32 $1.442695020e+00, v63  }
0x179: {  	v0 =	vadd.f32 $1.000000020e-16, v0  }
0x17a: {  	(erf) = vpow2.f32 v1  }
0x17b: {  	(erf) = vrcp.f32 v0;
	_ =	sdelay $0x1  }
0x17c: {  	s28 =	simm.s32 $0x10;
	s29 =	simm.s32 $0x80  }
.LBB2_11:
0x17d: {  	p1 =	sne.s32 s29, $0x30C0;
	v0 =	vld [tilespmem:s28+$0x3100];
	_ =	sdelay $0x4  }
0x17e: {  	v0 =	vadd.s32 $0x600, v0;
	v1 =	vpop (erf)  }
0x17f: {  	v2 =	vpop (erf)  }
0x180: {  	v1 =	vmul.f32 v2, v1;
	_ =	sdelay $0x1  }
0x181: {  	v2 =	vld [tilespmem:s28+$0x24C0];
	[tilespmem:s26+$0x6240] =	vst v1;
	s26 =	smov.u32 s28  }
0x182: {  	v0 =	vld.idx.msk [tilespmem:v0+s20+$0x0], $0xffff;
	_ =	sdelay $0x4  }
0x183: {  	v1 =	vmul.f32 $1.442695020e+00, v2  }
.Ltmp7:
0x184: {  	v0 =	vadd.f32 $1.000000020e-16, v0;
	(pc) =	sbr.rel @p1 .LBB2_11-.Ltmp7, $3  }
0x185: {  	(erf) = vpow2.f32 v1  }
0x186: {  	(erf) = vrcp.f32 v0;
	_ =	sdelay $0x1  }
0x187: {  	s28 =	sshra.s32 s29, $0x2;
	s29 =	sadd.s32 $0x40, s29  }
0x188: {  	v0 =	vld [tilespmem:s28+$0x3100];
	_ =	sdelay $0x4  }
0x189: {  	v0 =	vadd.s32 $0x600, v0;
	v1 =	vpop (erf)  }
0x18a: {  	v2 =	vpop (erf)  }
0x18b: {  	v1 =	vmul.f32 v2, v1;
	_ =	sdelay $0x1  }
0x18c: {  	v60 =	vld [tilespmem:s28+$0x24C0];
	[tilespmem:s26+$0x6240] =	vst v1  }
0x18d: {  	v0 =	vld.idx.msk [tilespmem:v0+s20+$0x0], $0xffff;
	_ =	sdelay $0x3  }
0x18e: {  	v61 =	vmul.f32 $1.442695020e+00, v60  }
0x18f: {  	v0 =	vadd.f32 $1.000000020e-16, v0  }
0x190: {  	(erf) = vpow2.f32 v61  }
0x191: {  	(erf) = vrcp.f32 v0;
	_ =	sdelay $0x7  }
0x192: {  	v62 =	vpop (erf)  }
0x193: {  	v63 =	vpop (erf)  }
0x194: {  	v0 =	vmul.f32 v63, v62;
	_ =	sdelay $0x1  }
0x195: {  	[tilespmem:s28+$0x6240] =	vst v0  }
0x196: {  	[hbm4b:s9+s3] =	stream.linear.scatter [tilespmem:s21], [sflag:$0x1], $0xC40, $0x38;
	[tilespmem:$0x17680] =	vst v63  }
0x197: {  	_ =	swait.ge [sflag:s15], $0xC40  }
0x198: {  	[sflag:s15] =	ssyncset.done $0x0  }
0x199: {  	[sflag:s15] =	ssyncadd.s32 $0xFFFFF3C0  }
0x19a: {  	[hbm4b:s10+s3] =	stream.linear.scatter [tilespmem:s22], [sflag:$0x1], $0xC40, $0x38;
	[tilespmem:$0x17680] =	vst v63  }
0x19b: {  	_ =	swait.ge [sflag:s15], $0xC40  }
0x19c: {  	[sflag:s15] =	ssyncset.done $0x0  }
0x19d: {  	[sflag:s15] =	ssyncadd.s32 $0xFFFFF3C0  }
0x19e: {  	[hbm4b:s11+s3] =	stream.linear.scatter [tilespmem:s23], [sflag:$0x1], $0xC40, $0x38;
	[tilespmem:$0x17680] =	vst v63  }
0x19f: {  	_ =	swait.ge [sflag:s15], $0xC40  }
0x1a0: {  	[sflag:s15] =	ssyncset.done $0x0  }
.Ltmp8:
0x1a1: {  	[sflag:s15] =	ssyncadd.s32 $0xFFFFF3C0;
	(pc) =	sbr.rel .LBB2_22-.Ltmp8, $4  }
0x1a2: {  	[hbm4b:s12+s3] =	stream.linear.scatter [tilespmem:s24], [sflag:$0x1], $0xC40, $0x38;
	[tilespmem:$0x17680] =	vst v63  }
0x1a3: {  	_ =	swait.ge [sflag:s15], $0xC40  }
0x1a4: {  	[sflag:s15] =	ssyncset.done $0x0  }
0x1a5: {  	[sflag:s15] =	ssyncadd.s32 $0xFFFFF3C0  }
.LBB2_13:
0x1a6: {  	[tilespmem:s16], [sflag:$0x1] =	stream.linear.gather [hbm4b:s4+s26], $0xC20, $0x38;
	[tilespmem:$0x17680] =	vst v63  }
0x1a7: {  	_ =	swait.ge [sflag:s15], $0xC20  }
0x1a8: {  	[sflag:s15] =	ssyncset.done $0x0  }
0x1a9: {  	[sflag:s15] =	ssyncadd.s32 $0xFFFFF3E0  }
0x1aa: {  	[tilespmem:s26], [sflag:$0x1] =	stream.linear.gather [hbm4b:s5+s26], $0xC20, $0x38;
	[tilespmem:$0x17680] =	vst v63  }
0x1ab: {  	_ =	swait.ge [sflag:s15], $0xC20  }
0x1ac: {  	[sflag:s15] =	ssyncset.done $0x0  }
0x1ad: {  	[sflag:s15] =	ssyncadd.s32 $0xFFFFF3E0  }
0x1ae: {  	[tilespmem:s17], [sflag:$0x1] =	stream.linear.gather [hbm4b:s6+s26], $0xC20, $0x38;
	[tilespmem:$0x17680] =	vst v63  }
0x1af: {  	_ =	swait.ge [sflag:s15], $0xC20  }
0x1b0: {  	[sflag:s15] =	ssyncset.done $0x0  }
0x1b1: {  	[sflag:s15] =	ssyncadd.s32 $0xFFFFF3E0  }
0x1b2: {  	[tilespmem:s18], [sflag:$0x1] =	stream.linear.gather [hbm4b:s7+s26], $0xC20, $0x38;
	[tilespmem:$0x17680] =	vst v63  }
0x1b3: {  	_ =	swait.ge [sflag:s15], $0xC20  }
0x1b4: {  	[sflag:s15] =	ssyncset.done $0x0  }
0x1b5: {  	[sflag:s15] =	ssyncadd.s32 $0xFFFFF3E0  }
0x1b6: {  	[tilespmem:s19], [sflag:$0x1] =	stream.linear.gather [hbm4b:s8+s26], $0xC20, $0x38;
	[tilespmem:$0x17680] =	vst v63  }
0x1b7: {  	_ =	swait.ge [sflag:s15], $0xC20  }
0x1b8: {  	[sflag:s15] =	ssyncset.done $0x0  }
0x1b9: {  	s26 =	simm.s32 $0x0;
	[sflag:s15] =	ssyncadd.s32 $0xFFFFF3E0  }
0x1ba: {  	v0 =	vld [tilespmem:s26+$0x3100];
	_ =	sdelay $0x6  }
0x1bb: {  	v1 =	vld [tilespmem:s26+$0x0]  }
0x1bc: {  	v0 =	vld.idx.msk [tilespmem:v0+s20+$0x0], $0xffff;
	_ =	sdelay $0x3  }
0x1bd: {  	v1 =	vmul.f32 $1.442695020e+00, v1  }
0x1be: {  	v0 =	vadd.f32 $1.000000020e-16, v0  }
0x1bf: {  	(erf) = vpow2.f32 v1  }
0x1c0: {  	(erf) = vrcp.f32 v0;
	_ =	sdelay $0x3  }
0x1c1: {  	s30 =	simm.s32 $0x10;
	s29 =	simm.s32 $0x80;
	s28 =	simm.s32 $0x0  }
.LBB2_14:
0x1c2: {  	p1 =	sne.s32 s29, $0x3040;
	v0 =	vld [tilespmem:s30+$0x3100];
	_ =	sdelay $0x2  }
0x1c3: {  	v1 =	vpop (erf)  }
0x1c4: {  	v2 =	vpop (erf)  }
0x1c5: {  	v1 =	vmul.f32 v2, v1;
	_ =	sdelay $0x1  }
0x1c6: {  	v2 =	vld [tilespmem:s30+$0x0];
	[tilespmem:s28+$0x3D80] =	vst v1;
	s28 =	smov.u32 s30  }
0x1c7: {  	v0 =	vld.idx.msk [tilespmem:v0+s20+$0x0], $0xffff;
	_ =	sdelay $0x4  }
0x1c8: {  	v1 =	vmul.f32 $1.442695020e+00, v2  }
0x1c9: {  	v0 =	vadd.f32 $1.000000020e-16, v0  }
0x1ca: {  	(erf) = vpow2.f32 v1  }
.Ltmp9:
0x1cb: {  	(erf) = vrcp.f32 v0;
	(pc) =	sbr.rel @p1 .LBB2_14-.Ltmp9, $2  }
0x1cc: {  	_ =	sdelay $0x2  }
0x1cd: {  	s30 =	sshra.s32 s29, $0x2;
	s29 =	sadd.s32 $0x40, s29  }
0x1ce: {  	v0 =	vld [tilespmem:s30+$0x3100];
	_ =	sdelay $0x2  }
0x1cf: {  	v1 =	vpop (erf)  }
0x1d0: {  	v2 =	vpop (erf)  }
0x1d1: {  	v1 =	vmul.f32 v2, v1;
	_ =	sdelay $0x1  }
0x1d2: {  	v59 =	vld [tilespmem:s30+$0x0];
	[tilespmem:s28+$0x3D80] =	vst v1  }
0x1d3: {  	v0 =	vld.idx.msk [tilespmem:v0+s20+$0x0], $0xffff;
	_ =	sdelay $0x3  }
0x1d4: {  	v60 =	vmul.f32 $1.442695020e+00, v59  }
0x1d5: {  	v0 =	vadd.f32 $1.000000020e-16, v0  }
0x1d6: {  	(erf) = vpow2.f32 v60  }
0x1d7: {  	(erf) = vrcp.f32 v0;
	_ =	sdelay $0x7  }
0x1d8: {  	v61 =	vpop (erf)  }
0x1d9: {  	v62 =	vpop (erf)  }
0x1da: {  	v0 =	vmul.f32 v62, v61;
	_ =	sdelay $0x1  }
0x1db: {  	[tilespmem:s30+$0x3D80] =	vst v0  }
0x1dc: {  	v0 =	vld [tilespmem:s26+$0x3100];
	_ =	sdelay $0x4  }
0x1dd: {  	v0 =	vadd.s32 $0x200, v0;
	_ =	sdelay $0x3  }
0x1de: {  	v63 =	vld [tilespmem:s26+$0xC40]  }
0x1df: {  	v0 =	vld.idx.msk [tilespmem:v0+s20+$0x0], $0xffff;
	_ =	sdelay $0x3  }
0x1e0: {  	v1 =	vmul.f32 $1.442695020e+00, v63  }
0x1e1: {  	v0 =	vadd.f32 $1.000000020e-16, v0  }
0x1e2: {  	(erf) = vpow2.f32 v1  }
0x1e3: {  	(erf) = vrcp.f32 v0;
	_ =	sdelay $0x1  }
0x1e4: {  	s29 =	simm.s32 $0x80;
	s28 =	simm.s32 $0x10  }
.LBB2_16:
0x1e5: {  	p1 =	sne.s32 s29, $0x3040;
	v0 =	vld [tilespmem:s28+$0x3100];
	_ =	sdelay $0x4  }
0x1e6: {  	v0 =	vadd.s32 $0x200, v0;
	v1 =	vpop (erf)  }
0x1e7: {  	v2 =	vpop (erf)  }
0x1e8: {  	v1 =	vmul.f32 v2, v1;
	_ =	sdelay $0x1  }
0x1e9: {  	v2 =	vld [tilespmem:s28+$0xC40];
	[tilespmem:s26+$0x49C0] =	vst v1;
	s26 =	smov.u32 s28  }
0x1ea: {  	v0 =	vld.idx.msk [tilespmem:v0+s20+$0x0], $0xffff;
	_ =	sdelay $0x4  }
0x1eb: {  	v1 =	vmul.f32 $1.442695020e+00, v2  }
.Ltmp10:
0x1ec: {  	v0 =	vadd.f32 $1.000000020e-16, v0;
	(pc) =	sbr.rel @p1 .LBB2_16-.Ltmp10, $3  }
0x1ed: {  	(erf) = vpow2.f32 v1  }
0x1ee: {  	(erf) = vrcp.f32 v0;
	_ =	sdelay $0x1  }
0x1ef: {  	s28 =	sshra.s32 s29, $0x2;
	s29 =	sadd.s32 $0x40, s29  }
0x1f0: {  	v0 =	vld [tilespmem:s28+$0x3100];
	_ =	sdelay $0x4  }
0x1f1: {  	v0 =	vadd.s32 $0x200, v0;
	v1 =	vpop (erf)  }
0x1f2: {  	v2 =	vpop (erf)  }
0x1f3: {  	v1 =	vmul.f32 v2, v1;
	_ =	sdelay $0x1  }
0x1f4: {  	v2 =	vld [tilespmem:s28+$0xC40];
	[tilespmem:s26+$0x49C0] =	vst v1  }
0x1f5: {  	v0 =	vld.idx.msk [tilespmem:v0+s20+$0x0], $0xffff;
	_ =	sdelay $0x3  }
0x1f6: {  	v1 =	vmul.f32 $1.442695020e+00, v2  }
0x1f7: {  	v0 =	vadd.f32 $1.000000020e-16, v0  }
0x1f8: {  	(erf) = vpow2.f32 v1  }
0x1f9: {  	(erf) = vrcp.f32 v0;
	_ =	sdelay $0x7  }
0x1fa: {  	v0 =	vpop (erf)  }
0x1fb: {  	v1 =	vpop (erf)  }
0x1fc: {  	v0 =	vmul.f32 v1, v0;
	_ =	sdelay $0x1  }
0x1fd: {  	[tilespmem:s28+$0x49C0] =	vst v0;
	s28 =	simm.s32 $0x3100  }
0x1fe: {  	s29 =	simm.s32 $0x10;
	s26 =	simm.s32 $0x0;
	v0 =	vld [tilespmem:s28+$0x0]  }
.LBB2_18:
0x1ff: {  	p1 =	sne.s32 s29, $0xC10;
	_ =	sdelay $0x3  }
0x200: {  	v0 =	vadd.s32 $0x400, v0;
	_ =	sdelay $0x2  }
0x201: {  	s30 =	sand.u32 $0xFF0, s26;
	s26 =	smov.u32 s29  }
0x202: {  	v1 =	vld [tilespmem:s30+$0x1880]  }
0x203: {  	v0 =	vld.idx.msk [tilespmem:v0+s20+$0x0], $0xffff;
	_ =	sdelay $0x4  }
0x204: {  	v1 =	vmul.f32 $1.442695020e+00, v1  }
0x205: {  	v0 =	vadd.f32 $1.000000020e-16, v0  }
0x206: {  	(erf) = vpow2.f32 v1  }
0x207: {  	(erf) = vrcp.f32 v0;
	_ =	sdelay $0x7  }
0x208: {  	v0 =	vpop (erf)  }
.Ltmp11:
0x209: {  	v1 =	vpop (erf);
	(pc) =	sbr.rel @p1 .LBB2_18-.Ltmp11, $3  }
0x20a: {  	v0 =	vmul.f32 v1, v0;
	_ =	sdelay $0x1  }
0x20b: {  	s28 =	sadd.s32 $0x10, s28;
	[tilespmem:s30+$0x5600] =	vst v0  }
0x20c: {  	s29 =	sadd.s32 $0x10, s29;
	v0 =	vld [tilespmem:s28+$0x0]  }
0x20d: {  	_ =	sdelay $0x3  }
0x20e: {  	v0 =	vadd.s32 $0x400, v0;
	_ =	sdelay $0x2  }
0x20f: {  	s26 =	sand.u32 $0xFF0, s26  }
0x210: {  	v1 =	vld [tilespmem:s26+$0x1880]  }
0x211: {  	v0 =	vld.idx.msk [tilespmem:v0+s20+$0x0], $0xffff;
	_ =	sdelay $0x3  }
0x212: {  	v1 =	vmul.f32 $1.442695020e+00, v1  }
0x213: {  	v0 =	vadd.f32 $1.000000020e-16, v0  }
0x214: {  	(erf) = vpow2.f32 v1  }
0x215: {  	(erf) = vrcp.f32 v0;
	_ =	sdelay $0x7  }
0x216: {  	v61 =	vpop (erf)  }
0x217: {  	v62 =	vpop (erf)  }
0x218: {  	v0 =	vmul.f32 v62, v61;
	_ =	sdelay $0x1  }
0x219: {  	[tilespmem:s26+$0x5600] =	vst v0;
	s26 =	simm.s32 $0x0  }
0x21a: {  	v0 =	vld [tilespmem:s26+$0x3100];
	_ =	sdelay $0x4  }
0x21b: {  	v0 =	vadd.s32 $0x600, v0;
	_ =	sdelay $0x3  }
0x21c: {  	v63 =	vld [tilespmem:s26+$0x24C0]  }
0x21d: {  	v0 =	vld.idx.msk [tilespmem:v0+s20+$0x0], $0xffff;
	_ =	sdelay $0x3  }
0x21e: {  	v1 =	vmul.f32 $1.442695020e+00, v63  }
0x21f: {  	v0 =	vadd.f32 $1.000000020e-16, v0  }
0x220: {  	(erf) = vpow2.f32 v1  }
0x221: {  	(erf) = vrcp.f32 v0;
	_ =	sdelay $0x1  }
0x222: {  	s28 =	simm.s32 $0x10;
	s29 =	simm.s32 $0x80  }
.LBB2_20:
0x223: {  	p1 =	sne.s32 s29, $0x3040;
	v0 =	vld [tilespmem:s28+$0x3100];
	_ =	sdelay $0x4  }
0x224: {  	v0 =	vadd.s32 $0x600, v0;
	v1 =	vpop (erf)  }
0x225: {  	v2 =	vpop (erf)  }
0x226: {  	v1 =	vmul.f32 v2, v1;
	_ =	sdelay $0x1  }
0x227: {  	v2 =	vld [tilespmem:s28+$0x24C0];
	[tilespmem:s26+$0x6240] =	vst v1;
	s26 =	smov.u32 s28  }
0x228: {  	v0 =	vld.idx.msk [tilespmem:v0+s20+$0x0], $0xffff;
	_ =	sdelay $0x4  }
0x229: {  	v1 =	vmul.f32 $1.442695020e+00, v2  }
.Ltmp12:
0x22a: {  	v0 =	vadd.f32 $1.000000020e-16, v0;
	(pc) =	sbr.rel @p1 .LBB2_20-.Ltmp12, $3  }
0x22b: {  	(erf) = vpow2.f32 v1  }
0x22c: {  	(erf) = vrcp.f32 v0;
	_ =	sdelay $0x1  }
0x22d: {  	s28 =	sshra.s32 s29, $0x2;
	s29 =	sadd.s32 $0x40, s29  }
.Ltmp13:
0x22e: {  	_ = 	snop;
	(pc) =	sbr.rel .LBB2_21-.Ltmp13, $1  }
0x22f: {  	_ =	sdelay $0x3  }
.LBB2_23:
0x230: {  	_ =	sfence.sel $0x180000  }
0x231: {  	[bflag:$0x0] =	sbarrier.arrive $0xFFFF  }
0x232: {  	p0 =	sne.s32 s0, $0x0;
	_ =	strace $0x9000004A  }
0x233: {  	s0 =	sadd.s32 @!p0 $0x100000, s1;
	[bflag:$0x2] =	sbarrier.arrive $0xFFFF  }
0x234: {  	[sflag:s0] =	ssyncadd.tile.s32 @!p0 $0x1;
	_ =	shalt  }
.Lfunc_end2:
_tile_overlayer_lowered:
.L_overlay_start_2:
0x235: {  	(tag) =	ssettag $0x2  }
0x236: {  	s0 =	rddreg [dreg:$0x0];
	s2 =	stileid.u32  }
0x237: {  	s1 =	rddreg [dreg:$0x1];
	p0 =	sne.s32 s2, $0x0  }
0x238: {  	s3 =	rddreg [dreg:$0x2];
	[bflag:$0x3] =	sbarrier.arrive $0xFFFF;
	s2 =	simm.s32 @!p0 $0x1C01  }
0x239: {  	[timem:s3], [sflag:s2] =	dma.local @!p0 [hbm:s0], s1  }
0x23a: {  	s0 =	simm.s32 @!p0 $0x1  }
0x23b: {  	_ =	swait.ge @!p0 [sflag:s0], s1  }
0x23c: {  	s1 =	ssub.s32 @!p0 $0x0, s1;
	[sflag:s0] =	ssyncset.done @!p0 $0x0  }
0x23d: {  	[sflag:s0] =	ssyncadd.s32 @!p0 s1  }
0x23e: {  	[bflag:$0x3] =	sbarrier.arrive $0xFFFF  }
0x23f: {  	_ =	shalt  }

// kernel: kernel.7.cloned.1.call-start
scs
__scs_entry_jumppad:
0x0: {  	(pc) =	sbr.rel $0x88, $3  }
0x1: {  	(tag) =	ssettag $0x0;
	lr =	simm.s32 $0x1  }
0x2: {  	[smem:$0x3F99] =	sst lr;
	_ =	strace $0xD0000000  }
0x3: {  	_ = 	snop  }
0x4: {  	_ = 	snop  }
0x5: {  	_ = 	snop  }
0x6: {  	_ = 	snop  }
0x7: {  	_ = 	snop  }
__scs_overlays_trampoline_lowered:
0x8: {  	[smem:$0x3FA8] =	sst s0  }
0x9: {  	[smem:$0x3FA9] =	sst s1  }
0xa: {  	[smem:$0x3FAA] =	sst s2  }
0xb: {  	[smem:$0x3FAB] =	sst s3  }
0xc: {  	[smem:$0x3FAC] =	sst s4  }
0xd: {  	[smem:$0x3FAD] =	sst s5  }
0xe: {  	[smem:$0x3FAE] =	sst s6  }
0xf: {  	[smem:$0x3FAF] =	sst s7  }
0x10: {  	[smem:$0x3FB0] =	sst s8  }
0x11: {  	[smem:$0x3FB1] =	sst s9;
	s0 =	simm.s32 @!p0 $0x0  }
0x12: {  	s1 =	sld [smem:$0x3F97];
	s0 =	simm.s32 @p0 $0x1  }
0x13: {  	[smem:$0x3FB2] =	sst s0;
	s0 =	simm.s32 @!p1 $0x0  }
0x14: {  	s2 =	sld [smem:$0x3F96];
	s0 =	simm.s32 @p1 $0x1  }
0x15: {  	[smem:$0x3FB3] =	sst s0;
	s0 =	simm.s32 @!p2 $0x0  }
0x16: {  	s3 =	sld [smem:$0x3FDB];
	s0 =	simm.s32 @p2 $0x1  }
0x17: {  	s4 =	simm.s32 $0x1BF5;
	[smem:$0x3FB5] =	sst s0  }
0x18: {  	s0 =	sld [smem:$0x3F98];
	_ =	swait.ge [sflag:s4], $0x0  }
0x19: {  	s7 =	sld [smem:$0x3F99]  }
0x1a: {  	s8 =	sadd.s32 $0xFFFFE003, lr  }
0x1b: {  	s9 =	sadd.s32 $0xFFFFFEF7, lr;
	s5 =	simm.s32 $0xFFFFFFFF;
	p2 =	slt.u32 s8, $0xFFFFF086  }
0x1c: {  	p1 =	slt.u32 s9, $0xF7A;
	s5 =	simm.s32 @!p2 $0x0  }
0x1d: {  	s5 =	simm.s32 @p1 $0x1;
	p0 =	seq.s32 s7, s2  }
0x1e: {  	s7 =	smul.u32 @!p0 $0xF7A, s2;
	p2 =	seq.s32 @!p0 s5, $0x0  }
0x1f: {  	s9 =	smul.u32 $0xF7A, s1;
	s8 =	simm.s32 @!p0 $0x1BF5;
	p2 =	por !p2, p0  }
0x20: {  	[sflag:s8] =	ssyncset.s32 @!p0 $0xFFFFF086;
	s6 =	sadd.s32 @!p0 s3, s7;
	s7 =	simm.s32 @!p0 $0x108  }
0x21: {  	s3 =	sadd.s32 s3, s9;
	s6 =	sadd.s32 @!p0 $0x88, s6;
	s7 =	simm.s32 @p2 $0x1082  }
0x22: {  	[simem:s7], [sflag:s8] =	dma.local @!p0 [hbm:s6], $0xF7A  }
0x23: {  	s9 =	sor.u32 $0xD0000000, s2;
	s6 =	simm.s32 $0x108;
	_ =	swait.ge @!p0 [sflag:s8], $0x0  }
0x24: {  	s3 =	sadd.s32 $0x88, s3;
	s6 =	simm.s32 @!p1 $0x1082;
	[sflag:s4] =	ssyncset.s32 $0xFFFFF086  }
0x25: {  	[simem:s6], [sflag:s4] =	dma.local [hbm:s3], $0xF7A  }
0x26: {  	[smem:$0x3F99] =	sst s1;
	(tag) =	ssettag s2;
	_ =	strace s9  }
0x27: {  	s1 =	sld [smem:$0x3FA9]  }
0x28: {  	s2 =	sld [smem:$0x3FAA]  }
0x29: {  	s4 =	sld [smem:$0x3FAC]  }
0x2a: {  	p0 =	seq.s32 s5, $0x0;
	s5 =	sld [smem:$0x3FAD]  }
0x2b: {  	s6 =	sld [smem:$0x3FAE]  }
0x2c: {  	s7 =	sld [smem:$0x3FAF]  }
0x2d: {  	s3 =	simm.s32 $0x108;
	s8 =	sld [smem:$0x3FB0]  }
0x2e: {  	s3 =	simm.s32 @!p0 $0x1082;
	s9 =	sld [smem:$0x3FB1]  }
0x2f: {  	lr =	sadd.s32 s0, s3;
	s0 =	sld [smem:$0x3FA8]  }
0x30: {  	s3 =	sld [smem:$0x3FAB]  }
0x31: {  	[smem:$0x3FB4] =	sst s10  }
0x32: {  	s10 =	sld [smem:$0x3FB2];
	_ =	sdelay $0x3  }
0x33: {  	p0 =	seq.s32 s10, $0x1;
	s10 =	sld [smem:$0x3FB4];
	_ =	sdelay $0x3  }
0x34: {  	[smem:$0x3FB4] =	sst s10  }
0x35: {  	s10 =	sld [smem:$0x3FB3];
	_ =	sdelay $0x3  }
0x36: {  	p1 =	seq.s32 s10, $0x1;
	s10 =	sld [smem:$0x3FB4];
	_ =	sdelay $0x3  }
0x37: {  	[smem:$0x3FB4] =	sst s10  }
0x38: {  	s10 =	sld [smem:$0x3FB5]  }
0x39: {  	_ = 	snop;
	(pc) =	sbr.ind lr, $3  }
0x3a: {  	_ = 	snop  }
0x3b: {  	_ = 	snop  }
0x3c: {  	p2 =	seq.s32 s10, $0x1;
	s10 =	sld [smem:$0x3FB4]  }
0x3d: {  	_ =	shalt  }
0x3e: {  	_ =	shalt  }
0x3f: {  	_ =	shalt  }
0x40: {  	_ =	shalt  }
0x41: {  	_ =	shalt  }
0x42: {  	_ =	shalt  }
0x43: {  	_ =	shalt  }
0x44: {  	_ =	shalt  }
0x45: {  	_ =	shalt  }
0x46: {  	_ =	shalt  }
0x47: {  	_ =	shalt  }
0x48: {  	_ =	shalt  }
0x49: {  	_ =	shalt  }
0x4a: {  	_ =	shalt  }
0x4b: {  	_ =	shalt  }
0x4c: {  	_ =	shalt  }
0x4d: {  	_ =	shalt  }
0x4e: {  	_ =	shalt  }
0x4f: {  	_ =	shalt  }
0x50: {  	_ =	shalt  }
0x51: {  	_ =	shalt  }
0x52: {  	_ =	shalt  }
0x53: {  	_ =	shalt  }
0x54: {  	_ =	shalt  }
0x55: {  	_ =	shalt  }
0x56: {  	_ =	shalt  }
0x57: {  	_ =	shalt  }
0x58: {  	_ =	shalt  }
0x59: {  	_ =	shalt  }
0x5a: {  	_ =	shalt  }
0x5b: {  	_ =	shalt  }
0x5c: {  	_ =	shalt  }
0x5d: {  	_ =	shalt  }
0x5e: {  	_ =	shalt  }
0x5f: {  	_ =	shalt  }
0x60: {  	_ =	shalt  }
0x61: {  	_ =	shalt  }
0x62: {  	_ =	shalt  }
0x63: {  	_ =	shalt  }
0x64: {  	_ =	shalt  }
0x65: {  	_ =	shalt  }
0x66: {  	_ =	shalt  }
0x67: {  	_ =	shalt  }
0x68: {  	_ =	shalt  }
0x69: {  	_ =	shalt  }
0x6a: {  	_ =	shalt  }
0x6b: {  	_ =	shalt  }
0x6c: {  	_ =	shalt  }
0x6d: {  	_ =	shalt  }
0x6e: {  	_ =	shalt  }
0x6f: {  	_ =	shalt  }
0x70: {  	_ =	shalt  }
0x71: {  	_ =	shalt  }
0x72: {  	_ =	shalt  }
0x73: {  	_ =	shalt  }
0x74: {  	_ =	shalt  }
0x75: {  	_ =	shalt  }
0x76: {  	_ =	shalt  }
0x77: {  	_ =	shalt  }
0x78: {  	_ =	shalt  }
0x79: {  	_ =	shalt  }
0x7a: {  	_ =	shalt  }
0x7b: {  	_ =	shalt  }
0x7c: {  	_ =	shalt  }
0x7d: {  	_ =	shalt  }
0x7e: {  	_ =	shalt  }
0x7f: {  	_ =	shalt  }
0x80: {  	_ =	shalt  }
0x81: {  	_ =	shalt  }
0x82: {  	_ =	shalt  }
0x83: {  	_ =	shalt  }
0x84: {  	_ =	shalt  }
0x85: {  	_ =	shalt  }
0x86: {  	_ =	shalt  }
0x87: {  	_ =	shalt  }
.Lfunc_end0:
.L_simem_size_0:
called_computation_lowered:
.L_overlay_start_0:
0x88: {  	s2 =	sld [smem:$0x3FD9]  }
0x89: {  	s3 =	sld [smem:$0x3FFE];
	_ =	sdelay $0x1  }
0x8a: {  	s1 =	srdreg.scid  }
0x8b: {  	s0 =	sand.u32 $0x1, s1  }
0x8c: {  	s14 =	sshll.u32 s0, $0xA;
	s2 =	sadd.s32 s3, s2  }
0x8d: {  	s2 =	sadd.s32 s2, s14  }
0x8e: {  	[smem:$0x3FC0] =	sst s2  }
0x8f: {  	_ = 	snop  }
0x90: {  	s2 =	sld [smem:$0x3FD0];
	_ =	sdelay $0x2  }
0x91: {  	s4 =	simm.s32 $0xA;
	s5 =	simm.s32 $0x10;
	s15 =	sld [smem:$0x3FC8]  }
0x92: {  	[smem:s5], [sflag:s4] =	dma.local [hbm:s2], $0x1  }
0x93: {  	_ =	swait.eq [sflag:s4], $0x1  }
0x94: {  	[sflag:s4] =	ssyncset.done $0x0  }
0x95: {  	[sflag:s4] =	ssyncadd.s32 $0xFFFFFFFF  }
0x96: {  	s16 =	sld [smem:$0x10];
	(tm) =	ssettm $0x1  }
0x97: {  	s17 =	sld [smem:$0x3FFB];
	_ =	sdelay $0x3  }
0x98: {  	_ =	strace s17  }
0x99: {  	s4 =	sld [smem:$0x3FFC];
	_ =	sdelay $0x3  }
0x9a: {  	_ =	strace s4  }
0x9b: {  	s4 =	sld [smem:$0x3FFD];
	_ =	sdelay $0x3  }
0x9c: {  	_ =	strace s4  }
0x9d: {  	_ =	strace $0x8FFFFFFF  }
0x9e: {  	s18 =	sld [smem:$0x3FDB];
	_ =	sdelay $0x1  }
0x9f: {  	s19 =	simm.s32 $_scs_section_size  }
0xa0: {  	s6 =	simm.s32 $_size__tile_overlayer_lowered;
	s7 =	simm.s32 $_tile_overlayer_lowered  }
0xa1: {  	s22 =	simm.s32 $0x1BFF;
	s21 =	sshll.u32 s7, $0x1;
	s4 =	sadd.s32 s19, s18  }
0xa2: {  	s8 =	simm.s32 $0x0;
	s20 =	sshll.u32 s6, $0x1;
	s6 =	sadd.s32 s21, s4  }
0xa3: {  	[timem:s8], [sflag:s22] =	dma.local [hbm:s6], s20  }
0xa4: {  	_ =	swait.ge [sflag:s22], s20  }
0xa5: {  	s5 =	ssub.s32 $0x0, s20;
	[sflag:s22] =	ssyncset.done $0x0  }
0xa6: {  	[sflag:s22] =	ssyncadd.s32 s5;
	_ =	sdelay $0x1  }
0xa7: {  	s23 =	simm.s32 $0x1B8B  }
0xa8: {  	_ =	swait.ge [sflag:s23], $0x1  }
0xa9: {  	[sflag:s23] =	ssyncset.done $0x0  }
0xaa: {  	s25 =	simm.s32 $0x1B8E;
	s24 =	sld [smem:$0x3FFE];
	[sflag:s23] =	ssyncadd.s32 $0xFFFFFFFF  }
0xab: {  	s26 =	simm.s32 $execute0_lowered;
	[smem:$0x3FD2] =	sst s25  }
0xac: {  	s6 =	sshll.u32 s26, $0x1;
	_ =	strace $0x80000046;
	[dreg:$0x1] =	wrdreg $0xFFFFFFFF  }
0xad: {  	s28 =	simm.s32 $_size_execute0_lowered;
	s4 =	sadd.s32 s4, s6;
	[dreg:$0x0] =	wrdreg $0x0  }
0xae: {  	s6 =	sshll.u32 s28, $0x1;
	[dreg:$0x2] =	wrdreg s4  }
0xaf: {  	[dreg:$0x3] =	wrdreg s6  }
0xb0: {  	[dreg:$0x4] =	wrdreg $0xC0  }
0xb1: {  	_ =	task [dreg:s8], $0x5FFFF  }
0xb2: {  	[dreg:$0x1] =	wrdreg $0xFFFFFFFF  }
0xb3: {  	[dreg:$0x0] =	wrdreg $0x60  }
0xb4: {  	[dreg:$0x2] =	wrdreg s24  }
0xb5: {  	[dreg:$0x3] =	wrdreg s15  }
0xb6: {  	[dreg:$0x4] =	wrdreg s16  }
0xb7: {  	[dreg:$0x5] =	wrdreg $0x9  }
0xb8: {  	_ =	task.clear_ibuf [dreg:s8], $0x6FFFF;
	_ =	strace $0x90000046  }
0xb9: {  	s29 =	simm.s32 $0x9;
	_ =	strace $0x80000048  }
0xba: {  	_ =	swait.ge [sflag:s29], $0x1  }
0xbb: {  	[sflag:s29] =	ssyncadd.s32 $0xFFFFFFFF  }
0xbc: {  	_ =	strace $0x90000048  }
0xbd: {  	_ =	sfence  }
0xbe: {  	s30 =	sld [smem:$0x0];
	_ =	sdelay $0x2  }
0xbf: {  	s31 =	sshll.u32 s1, $0xD;
	s1 =	sshrl.u32 s1, $0x2  }
0xc0: {  	s3 =	sand.u32 $0x4000, s31;
	s1 =	sadd.s32 s1, s30  }
0xc1: {  	s0 =	sor.u32 s3, s0;
	s1 =	sshll.u32 s1, $0x11  }
0xc2: {  	s0 =	sor.u32 s1, s0  }
0xc3: {  	s0 =	sadd.s32 $0x8F2B, s0  }
0xc4: {  	[sflag:s0] =	ssyncadd.remote.s32 $0x1  }
0xc5: {  	_ =	sfence.sel $0xFFFF  }
0xc6: {  	[dreg:$0x0] =	wrdreg $0xFFFFFFFF;
	(pc) =	sbr.abs _section_cstart, $3  }
0xc7: {  	[dreg:$0x1] =	wrdreg $0xFFFFFFFF  }
0xc8: {  	_ =	task.clear_ibuf [dreg:s8], $0x2FFFF;
	_ =	strace $0x9FFFFFFF  }
0xc9: {  	(tm) =	ssettm $0x7FFFFFFF  }
tec
execute0_lowered:
.L_overlay_start_1:
0x0: {  	(tag) =	ssettag $0x1  }
0x1: {  	s3 =	rddreg [dreg:$0x0]  }
0x2: {  	s1 =	srdreg.scid;
	s5 =	rddreg [dreg:$0x1]  }
0x3: {  	s0 =	stileid.u32;
	s7 =	rddreg [dreg:$0x2];
	s2 =	simm.s32 $0x0  }
0x4: {  	s13 =	simm.s32 $0x1880;
	s14 =	simm.s32 $0x24C0;
	s15 =	simm.s32 $0x3D80  }
0x5: {  	s16 =	simm.s32 $0x80;
	s4 =	sand.u32 $0x1, s1;
	s1 =	rddreg [dreg:$0x3]  }
0x6: {  	s17 =	simm.s32 $0x400;
	s28 =	sshll.u32 s0, $0x1;
	[smem:$0x7FF] =	sst s2  }
0x7: {  	s30 =	sshll.u32 s0, $0x9;
	s10 =	sor.u32 s4, s28;
	s4 =	ssub.s32 $0x2, s4  }
0x8: {  	_ =	strace $0x80000047;
	s31 =	sand.u32 $0x1800, s30;
	s6 =	smul.u32 $0x61, s10  }
0x9: {  	s8 =	smin.u32 s10, $0x15;
	s29 =	sshrl.u32 s4, $0x1;
	s12 =	sshll.u32 s10, $0x4  }
0xa: {  	p0 =	sgt.u32 s10, $0x14;
	s10 =	simm.s32 $0x3100;
	s12 =	sand.u32 $0x70, s12  }
.Ltmp0:
0xb: {  	s6 =	sadd.s32 s8, s6;
	s8 =	sadd.s32 s7, s31;
	(pc) =	sbr.rel .LBB2_1-.Ltmp0, $4  }
0xc: {  	s11 =	ssub.s32 s4, s29;
	s6 =	sshll.u32 s6, $0x2;
	s8 =	sadd.s32 s12, s8  }
0xd: {  	s12 =	simm.s32 $0xC40;
	s9 =	sadd.s32 s6, s3;
	s3 =	sadd.s32 s5, s6  }
0xe: {  	v0 =	vimm.f32 $0.0e+00;
	s4 =	sadd.s32 $0x1400, s9;
	s5 =	sadd.s32 $0x4600, s9;
	s6 =	sadd.s32 $0x7800, s9  }
0xf: {  	v1 =	vimm.s32 $0x0;
	vm0 =	vcmask $0x3F3C;
	vm1 =	vmmov $0x7fff;
	s7 =	sadd.s32 $0xAA00, s9;
	s9 =	smax.u32 s11, $0x1;
	s11 =	simm.s32 $0x1  }
.LBB2_21:
0x10: {  	_ =	sdelay $0x4  }
0x11: {  	s18 =	sshra.s32 s18, $0x2;
	[tilespmem:v2+s15+$0x0] =	vst.idx.add.f32.msk vm2, v3  }
0x12: {  	v2 =	vld [tilespmem:s18+$0x24C0];
	_ =	sdelay $0x4  }
0x13: {  	v2 =	vmul.f32 $1.442695020e+00, v2;
	_ =	sdelay $0x1  }
0x14: {  	(erf) = vpow2.f32 v2;
	_ =	sdelay $0x8  }
0x15: {  	v4 =	vld [tilespmem:s18+$0x3100];
	v3 =	vpop (erf)  }
0x16: {  	v2 =	vld [tilespmem:s18+$0x3101];
	(xrf2) =	vadd.scan.msk.f32 $0xffff, v3;
	_ =	sdelay $0x4  }
0x17: {  	vm2 =	vne.s32 v4, v2  }
0x18: {  	vm3 =	vmor vm2, vm0  }
0x19: {  	vm2 =	vmand vm2, vm1;
	v3 =	vadd.s32 $0x600, v4  }
0x1a: {  	v2 =	vadd.s32 $0x600, v2;
	_ =	sdelay $0x1  }
0x1b: {  	v61, _, _ =	vpop (xrf2)  }
0x1c: {  	v5 =	vsub.f32 $0.0e+00, v61  }
0x1d: {  	[tilespmem:v3+s15+$0x0] =	vst.idx.add.f32.msk vm3, v61  }
0x1e: {  	[tilespmem:v2+s15+$0x0] =	vst.idx.add.f32.msk vm2, v5  }
0x1f: {  	v2 =	vld [tilespmem:s18+$0x24D0];
	_ =	sdelay $0x4  }
0x20: {  	v2 =	vmul.f32 $1.442695020e+00, v2;
	_ =	sdelay $0x1  }
0x21: {  	(erf) = vpow2.f32 v2;
	_ =	sdelay $0x8  }
0x22: {  	v4 =	vld [tilespmem:s18+$0x3111];
	v3 =	vpop (erf)  }
0x23: {  	v2 =	vld [tilespmem:s18+$0x3110];
	(xrf2) =	vadd.scan.msk.f32 $0xffff, v3;
	_ =	sdelay $0x4  }
0x24: {  	vm2 =	vne.s32 v2, v4  }
0x25: {  	vm3 =	vmor vm2, vm0  }
0x26: {  	v2 =	vadd.s32 $0x600, v2;
	vm2 =	vmand vm2, vm1  }
0x27: {  	v3 =	vadd.s32 $0x600, v4;
	_ =	sdelay $0x1  }
0x28: {  	v62, _, _ =	vpop (xrf2)  }
0x29: {  	v63 =	vsub.f32 $0.0e+00, v62  }
0x2a: {  	[tilespmem:v2+s15+$0x0] =	vst.idx.add.f32.msk vm3, v62  }
0x2b: {  	[tilespmem:v3+s15+$0x0] =	vst.idx.add.f32.msk vm2, v63  }
.LBB2_22:
0x2c: {  	s2 =	sadd.s32 $0x1, s2  }
0x2d: {  	p1 =	sne.s32 s2, s9  }
.Ltmp1:
0x2e: {  	_ = 	snop;
	(pc) =	sbr.rel @!p1 .LBB2_23-.Ltmp1, $4  }
0x2f: {  	[hbm4b:s8+s16] =	stream.strided.scatter [tilespmem:s15], [sflag:$0x1], $0x800, s17, s16, $0x38;
	[tilespmem:$0x4580] =	vst v63  }
0x30: {  	_ =	swait.ge [sflag:s11], $0x800  }
0x31: {  	[sflag:s11] =	ssyncset.done $0x0  }
0x32: {  	[sflag:s11] =	ssyncadd.s32 $0xFFFFF800  }
.LBB2_1:
0x33: {  	s18 =	simm.s32 $0x40;
	s19 =	simm.s32 $0x0  }
.LBB2_2:
0x34: {  	p1 =	sne.s32 s18, $0x1FC0;
	[tilespmem:s19+$0x3D80] =	vst v0;
	s19 =	smov.u32 s18;
	s18 =	sadd.s32 $0x40, s18  }
.Ltmp2:
0x35: {  	(pc) =	sbr.rel @p1 .LBB2_2-.Ltmp2, $2  }
0x36: {  	_ =	sdelay $0x2  }
0x37: {  	s19 =	sshra.s32 s19, $0x2  }
.Ltmp3:
0x38: {  	(pc) =	sbr.rel @p0 .LBB2_13-.Ltmp3, $2  }
0x39: {  	_ =	sdelay $0x2  }
0x3a: {  	[tilespmem:s19+$0x3D80] =	vst v0;
	s18 =	simm.s32 $0x0  }
0x3b: {  	[tilespmem:s10], [sflag:$0x1] =	stream.linear.gather [hbm4b:s3+s18], $0xC40, $0x38;
	[tilespmem:$0x4580] =	vst v63  }
0x3c: {  	_ =	swait.ge [sflag:s11], $0xC40  }
0x3d: {  	[sflag:s11] =	ssyncset.done $0x0  }
0x3e: {  	[sflag:s11] =	ssyncadd.s32 $0xFFFFF3C0  }
0x3f: {  	[tilespmem:$0x3D40] =	vst v1  }
0x40: {  	[tilespmem:s18], [sflag:$0x1] =	stream.linear.gather [hbm4b:s4+s18], $0xC40, $0x38;
	[tilespmem:$0x4580] =	vst v63  }
0x41: {  	_ =	swait.ge [sflag:s11], $0xC40  }
0x42: {  	[sflag:s11] =	ssyncset.done $0x0  }
0x43: {  	[sflag:s11] =	ssyncadd.s32 $0xFFFFF3C0  }
0x44: {  	[tilespmem:s12], [sflag:$0x1] =	stream.linear.gather [hbm4b:s5+s18], $0xC40, $0x38;
	[tilespmem:$0x4580] =	vst v63  }
0x45: {  	_ =	swait.ge [sflag:s11], $0xC40  }
0x46: {  	[sflag:s11] =	ssyncset.done $0x0  }
0x47: {  	[sflag:s11] =	ssyncadd.s32 $0xFFFFF3C0  }
0x48: {  	[tilespmem:s13], [sflag:$0x1] =	stream.linear.gather [hbm4b:s6+s18], $0xC40, $0x38;
	[tilespmem:$0x4580] =	vst v63  }
0x49: {  	_ =	swait.ge [sflag:s11], $0xC40  }
0x4a: {  	[sflag:s11] =	ssyncset.done $0x0  }
0x4b: {  	[sflag:s11] =	ssyncadd.s32 $0xFFFFF3C0  }
0x4c: {  	[tilespmem:s14], [sflag:$0x1] =	stream.linear.gather [hbm4b:s7+s18], $0xC40, $0x38;
	[tilespmem:$0x4580] =	vst v63  }
0x4d: {  	_ =	swait.ge [sflag:s11], $0xC40  }
0x4e: {  	[sflag:s11] =	ssyncset.done $0x0  }
0x4f: {  	s19 =	simm.s32 $0x0;
	[sflag:s11] =	ssyncadd.s32 $0xFFFFF3C0  }
0x50: {  	v2 =	vld [tilespmem:s19+$0x0];
	_ =	sdelay $0x4  }
0x51: {  	v2 =	vmul.f32 $1.442695020e+00, v2;
	_ =	sdelay $0x1  }
0x52: {  	(erf) = vpow2.f32 v2;
	_ =	sdelay $0x8  }
0x53: {  	v4 =	vld [tilespmem:s19+$0x3100];
	v3 =	vpop (erf)  }
0x54: {  	v2 =	vld [tilespmem:s19+$0x3101];
	(xrf2) =	vadd.scan.msk.f32 $0xffff, v3;
	_ =	sdelay $0x4  }
0x55: {  	vm2 =	vne.s32 v4, v2  }
0x56: {  	vm3 =	vmor vm2, vm0  }
0x57: {  	vm2 =	vmand vm2, vm1;
	_ =	sdelay $0x2  }
0x58: {  	v3, _, _ =	vpop (xrf2)  }
0x59: {  	v5 =	vsub.f32 $0.0e+00, v3  }
0x5a: {  	[tilespmem:v4+s15+$0x0] =	vst.idx.add.f32.msk vm3, v3  }
0x5b: {  	[tilespmem:v2+s15+$0x0] =	vst.idx.add.f32.msk vm2, v5  }
0x5c: {  	v2 =	vld [tilespmem:s19+$0x10];
	_ =	sdelay $0x4  }
0x5d: {  	v2 =	vmul.f32 $1.442695020e+00, v2;
	_ =	sdelay $0x1  }
0x5e: {  	(erf) = vpow2.f32 v2;
	_ =	sdelay $0x7  }
0x5f: {  	v3 =	vld [tilespmem:s19+$0x3110]  }
0x60: {  	v2 =	vld [tilespmem:s19+$0x3111];
	v4 =	vpop (erf)  }
0x61: {  	(xrf2) =	vadd.scan.msk.f32 $0xffff, v4;
	_ =	sdelay $0x3  }
0x62: {  	vm2 =	vne.s32 v3, v2  }
0x63: {  	vm3 =	vmor vm2, vm0;
	_ =	sdelay $0x1  }
0x64: {  	vm2 =	vmand vm2, vm1;
	_ =	sdelay $0x2  }
0x65: {  	v4, _, _ =	vpop (xrf2)  }
0x66: {  	s20 =	simm.s32 $0x100;
	s21 =	simm.s32 $0x80;
	s18 =	simm.s32 $0x80;
	[tilespmem:v3+s15+$0x0] =	vst.idx.add.f32.msk vm3, v4;
	v3 =	vsub.f32 $0.0e+00, v4  }
.LBB2_5:
0x67: {  	p1 =	sne.s32 s20, $0x3080  }
0x68: {  	s22 =	sshra.s32 s21, $0x2;
	s21 =	smov.u32 s20;
	s20 =	sadd.s32 $0x80, s20;
	[tilespmem:v2+s15+$0x0] =	vst.idx.add.f32.msk vm2, v3  }
0x69: {  	v2 =	vld [tilespmem:s22+$0x0];
	_ =	sdelay $0x4  }
0x6a: {  	v2 =	vmul.f32 $1.442695020e+00, v2;
	_ =	sdelay $0x1  }
0x6b: {  	(erf) = vpow2.f32 v2;
	_ =	sdelay $0x8  }
0x6c: {  	v2 =	vld [tilespmem:s22+$0x3101];
	v3 =	vpop (erf)  }
0x6d: {  	v4 =	vld [tilespmem:s22+$0x3100];
	(xrf2) =	vadd.scan.msk.f32 $0xffff, v3;
	_ =	sdelay $0x4  }
0x6e: {  	vm2 =	vne.s32 v4, v2  }
0x6f: {  	vm3 =	vmor vm2, vm0  }
0x70: {  	vm2 =	vmand vm2, vm1;
	_ =	sdelay $0x2  }
0x71: {  	v3, _, _ =	vpop (xrf2)  }
0x72: {  	v5 =	vsub.f32 $0.0e+00, v3  }
0x73: {  	[tilespmem:v4+s15+$0x0] =	vst.idx.add.f32.msk vm3, v3  }
0x74: {  	[tilespmem:v2+s15+$0x0] =	vst.idx.add.f32.msk vm2, v5  }
0x75: {  	v2 =	vld [tilespmem:s22+$0x10];
	_ =	sdelay $0x4  }
0x76: {  	v2 =	vmul.f32 $1.442695020e+00, v2;
	_ =	sdelay $0x1  }
0x77: {  	(erf) = vpow2.f32 v2;
	_ =	sdelay $0x7  }
0x78: {  	v2 =	vld [tilespmem:s22+$0x3111]  }
0x79: {  	v3 =	vld [tilespmem:s22+$0x3110];
	v4 =	vpop (erf)  }
0x7a: {  	(xrf2) =	vadd.scan.msk.f32 $0xffff, v4;
	_ =	sdelay $0x3  }
0x7b: {  	vm2 =	vne.s32 v3, v2  }
0x7c: {  	vm3 =	vmor vm2, vm0;
	_ =	sdelay $0x1  }
.Ltmp4:
0x7d: {  	vm2 =	vmand vm2, vm1;
	(pc) =	sbr.rel @p1 .LBB2_5-.Ltmp4, $3  }
0x7e: {  	_ =	sdelay $0x1  }
0x7f: {  	v4, _, _ =	vpop (xrf2)  }
0x80: {  	[tilespmem:v3+s15+$0x0] =	vst.idx.add.f32.msk vm3, v4;
	v3 =	vsub.f32 $0.0e+00, v4  }
0x81: {  	_ =	sdelay $0x4  }
0x82: {  	s20 =	sshra.s32 s21, $0x2;
	[tilespmem:v2+s15+$0x0] =	vst.idx.add.f32.msk vm2, v3  }
0x83: {  	v2 =	vld [tilespmem:s20+$0x0];
	_ =	sdelay $0x4  }
0x84: {  	v2 =	vmul.f32 $1.442695020e+00, v2;
	_ =	sdelay $0x1  }
0x85: {  	(erf) = vpow2.f32 v2;
	_ =	sdelay $0x8  }
0x86: {  	v4 =	vld [tilespmem:s20+$0x3100];
	v3 =	vpop (erf)  }
0x87: {  	v2 =	vld [tilespmem:s20+$0x3101];
	(xrf2) =	vadd.scan.msk.f32 $0xffff, v3;
	_ =	sdelay $0x4  }
0x88: {  	vm2 =	vne.s32 v4, v2  }
0x89: {  	vm3 =	vmor vm2, vm0  }
0x8a: {  	vm2 =	vmand vm2, vm1;
	_ =	sdelay $0x2  }
0x8b: {  	v3, _, _ =	vpop (xrf2)  }
0x8c: {  	v5 =	vsub.f32 $0.0e+00, v3  }
0x8d: {  	[tilespmem:v4+s15+$0x0] =	vst.idx.add.f32.msk vm3, v3  }
0x8e: {  	[tilespmem:v2+s15+$0x0] =	vst.idx.add.f32.msk vm2, v5  }
0x8f: {  	v2 =	vld [tilespmem:s20+$0x10];
	_ =	sdelay $0x4  }
0x90: {  	v2 =	vmul.f32 $1.442695020e+00, v2;
	_ =	sdelay $0x1  }
0x91: {  	(erf) = vpow2.f32 v2;
	_ =	sdelay $0x8  }
0x92: {  	v4 =	vld [tilespmem:s20+$0x3110];
	v3 =	vpop (erf)  }
0x93: {  	v2 =	vld [tilespmem:s20+$0x3111];
	(xrf2) =	vadd.scan.msk.f32 $0xffff, v3;
	_ =	sdelay $0x4  }
0x94: {  	vm2 =	vne.s32 v4, v2  }
0x95: {  	vm3 =	vmor vm2, vm0  }
0x96: {  	vm2 =	vmand vm2, vm1;
	_ =	sdelay $0x2  }
0x97: {  	v3, _, _ =	vpop (xrf2)  }
0x98: {  	v5 =	vsub.f32 $0.0e+00, v3  }
0x99: {  	[tilespmem:v4+s15+$0x0] =	vst.idx.add.f32.msk vm3, v3  }
0x9a: {  	[tilespmem:v2+s15+$0x0] =	vst.idx.add.f32.msk vm2, v5  }
0x9b: {  	v2 =	vld [tilespmem:s19+$0xC40];
	_ =	sdelay $0x4  }
0x9c: {  	v2 =	vmul.f32 $1.442695020e+00, v2;
	_ =	sdelay $0x1  }
0x9d: {  	(erf) = vpow2.f32 v2;
	_ =	sdelay $0x8  }
0x9e: {  	v4 =	vld [tilespmem:s19+$0x3100];
	v3 =	vpop (erf)  }
0x9f: {  	v2 =	vld [tilespmem:s19+$0x3101];
	(xrf2) =	vadd.scan.msk.f32 $0xffff, v3;
	_ =	sdelay $0x4  }
0xa0: {  	vm2 =	vne.s32 v4, v2  }
0xa1: {  	vm3 =	vmor vm2, vm0  }
0xa2: {  	vm2 =	vmand vm2, vm1;
	v3 =	vadd.s32 $0x200, v4  }
0xa3: {  	v2 =	vadd.s32 $0x200, v2;
	_ =	sdelay $0x1  }
0xa4: {  	v4, _, _ =	vpop (xrf2)  }
0xa5: {  	v5 =	vsub.f32 $0.0e+00, v4  }
0xa6: {  	[tilespmem:v3+s15+$0x0] =	vst.idx.add.f32.msk vm3, v4  }
0xa7: {  	[tilespmem:v2+s15+$0x0] =	vst.idx.add.f32.msk vm2, v5  }
0xa8: {  	v2 =	vld [tilespmem:s19+$0xC50];
	_ =	sdelay $0x4  }
0xa9: {  	v2 =	vmul.f32 $1.442695020e+00, v2;
	_ =	sdelay $0x1  }
0xaa: {  	(erf) = vpow2.f32 v2;
	_ =	sdelay $0x7  }
0xab: {  	v3 =	vld [tilespmem:s19+$0x3111]  }
0xac: {  	v2 =	vld [tilespmem:s19+$0x3110];
	v4 =	vpop (erf)  }
0xad: {  	(xrf2) =	vadd.scan.msk.f32 $0xffff, v4;
	_ =	sdelay $0x3  }
0xae: {  	vm2 =	vne.s32 v2, v3  }
0xaf: {  	vm3 =	vmor vm2, vm0  }
0xb0: {  	v4 =	vadd.s32 $0x200, v2  }
0xb1: {  	vm2 =	vmand vm2, vm1  }
0xb2: {  	v2 =	vadd.s32 $0x200, v3;
	_ =	sdelay $0x1  }
0xb3: {  	v5, _, _ =	vpop (xrf2)  }
0xb4: {  	s19 =	simm.s32 $0x100;
	[tilespmem:v4+s15+$0x0] =	vst.idx.add.f32.msk vm3, v5;
	v3 =	vsub.f32 $0.0e+00, v5  }
.LBB2_7:
0xb5: {  	p1 =	sne.s32 s19, $0x3080  }
0xb6: {  	s20 =	sshra.s32 s18, $0x2;
	s18 =	smov.u32 s19;
	s19 =	sadd.s32 $0x80, s19;
	[tilespmem:v2+s15+$0x0] =	vst.idx.add.f32.msk vm2, v3  }
0xb7: {  	v2 =	vld [tilespmem:s20+$0xC40];
	_ =	sdelay $0x4  }
0xb8: {  	v2 =	vmul.f32 $1.442695020e+00, v2;
	_ =	sdelay $0x1  }
0xb9: {  	(erf) = vpow2.f32 v2;
	_ =	sdelay $0x8  }
0xba: {  	v2 =	vld [tilespmem:s20+$0x3101];
	v3 =	vpop (erf)  }
0xbb: {  	v4 =	vld [tilespmem:s20+$0x3100];
	(xrf2) =	vadd.scan.msk.f32 $0xffff, v3;
	_ =	sdelay $0x4  }
0xbc: {  	vm2 =	vne.s32 v4, v2  }
0xbd: {  	vm3 =	vmor vm2, vm0  }
0xbe: {  	v3 =	vadd.s32 $0x200, v4;
	vm2 =	vmand vm2, vm1  }
0xbf: {  	v2 =	vadd.s32 $0x200, v2;
	_ =	sdelay $0x1  }
0xc0: {  	v4, _, _ =	vpop (xrf2)  }
0xc1: {  	v5 =	vsub.f32 $0.0e+00, v4  }
0xc2: {  	[tilespmem:v3+s15+$0x0] =	vst.idx.add.f32.msk vm3, v4  }
0xc3: {  	[tilespmem:v2+s15+$0x0] =	vst.idx.add.f32.msk vm2, v5  }
0xc4: {  	v2 =	vld [tilespmem:s20+$0xC50]  }
0xc5: {  	v3 =	vld [tilespmem:s20+$0x3110]  }
0xc6: {  	v4 =	vld [tilespmem:s20+$0x3111];
	_ =	sdelay $0x2  }
0xc7: {  	v2 =	vmul.f32 $1.442695020e+00, v2;
	_ =	sdelay $0x1  }
0xc8: {  	vm2 =	vne.s32 v3, v4;
	(erf) = vpow2.f32 v2;
	_ =	sdelay $0x8  }
0xc9: {  	v2 =	vpop (erf)  }
0xca: {  	(xrf2) =	vadd.scan.msk.f32 $0xffff, v2;
	_ =	sdelay $0x4  }
0xcb: {  	vm3 =	vmor vm2, vm0  }
0xcc: {  	v3 =	vadd.s32 $0x200, v3  }
.Ltmp5:
0xcd: {  	vm2 =	vmand vm2, vm1;
	(pc) =	sbr.rel @p1 .LBB2_7-.Ltmp5, $3  }
0xce: {  	v2 =	vadd.s32 $0x200, v4;
	_ =	sdelay $0x1  }
0xcf: {  	v4, _, _ =	vpop (xrf2)  }
0xd0: {  	[tilespmem:v3+s15+$0x0] =	vst.idx.add.f32.msk vm3, v4;
	v3 =	vsub.f32 $0.0e+00, v4  }
0xd1: {  	_ =	sdelay $0x4  }
0xd2: {  	s18 =	sshra.s32 s18, $0x2;
	[tilespmem:v2+s15+$0x0] =	vst.idx.add.f32.msk vm2, v3  }
0xd3: {  	v2 =	vld [tilespmem:s18+$0xC40];
	_ =	sdelay $0x4  }
0xd4: {  	v2 =	vmul.f32 $1.442695020e+00, v2;
	_ =	sdelay $0x1  }
0xd5: {  	(erf) = vpow2.f32 v2;
	_ =	sdelay $0x8  }
0xd6: {  	v4 =	vld [tilespmem:s18+$0x3100];
	v3 =	vpop (erf)  }
0xd7: {  	v2 =	vld [tilespmem:s18+$0x3101];
	(xrf2) =	vadd.scan.msk.f32 $0xffff, v3;
	_ =	sdelay $0x4  }
0xd8: {  	vm2 =	vne.s32 v4, v2  }
0xd9: {  	vm3 =	vmor vm2, vm0  }
0xda: {  	vm2 =	vmand vm2, vm1;
	v3 =	vadd.s32 $0x200, v4  }
0xdb: {  	v2 =	vadd.s32 $0x200, v2;
	_ =	sdelay $0x1  }
0xdc: {  	v4, _, _ =	vpop (xrf2)  }
0xdd: {  	v5 =	vsub.f32 $0.0e+00, v4  }
0xde: {  	[tilespmem:v3+s15+$0x0] =	vst.idx.add.f32.msk vm3, v4  }
0xdf: {  	[tilespmem:v2+s15+$0x0] =	vst.idx.add.f32.msk vm2, v5  }
0xe0: {  	v2 =	vld [tilespmem:s18+$0xC50];
	_ =	sdelay $0x4  }
0xe1: {  	v2 =	vmul.f32 $1.442695020e+00, v2;
	_ =	sdelay $0x1  }
0xe2: {  	(erf) = vpow2.f32 v2;
	_ =	sdelay $0x8  }
0xe3: {  	v4 =	vld [tilespmem:s18+$0x3111];
	v3 =	vpop (erf)  }
0xe4: {  	v2 =	vld [tilespmem:s18+$0x3110];
	(xrf2) =	vadd.scan.msk.f32 $0xffff, v3;
	_ =	sdelay $0x4  }
0xe5: {  	vm2 =	vne.s32 v2, v4  }
0xe6: {  	vm3 =	vmor vm2, vm0  }
0xe7: {  	v2 =	vadd.s32 $0x200, v2;
	vm2 =	vmand vm2, vm1  }
0xe8: {  	v3 =	vadd.s32 $0x200, v4;
	_ =	sdelay $0x1  }
0xe9: {  	v4, _, _ =	vpop (xrf2)  }
0xea: {  	v5 =	vsub.f32 $0.0e+00, v4  }
0xeb: {  	s31 =	simm.s32 $0x0;
	[tilespmem:v2+s15+$0x0] =	vst.idx.add.f32.msk vm3, v4  }
0xec: {  	s18 =	sand.u32 $0xFE0, s31;
	[tilespmem:v3+s15+$0x0] =	vst.idx.add.f32.msk vm2, v5  }
0xed: {  	v2 =	vld [tilespmem:s18+$0x1880];
	_ =	sdelay $0x4  }
0xee: {  	v2 =	vmul.f32 $1.442695020e+00, v2;
	_ =	sdelay $0x1  }
0xef: {  	(erf) = vpow2.f32 v2;
	_ =	sdelay $0x7  }
0xf0: {  	s19 =	simm.s32 $0x3111  }
0xf1: {  	v4 =	vld [tilespmem:s19+$0xFFFFFFEF];
	v3 =	vpop (erf)  }
0xf2: {  	v2 =	vld [tilespmem:s19+$0xFFFFFFF0];
	(xrf2) =	vadd.scan.msk.f32 $0xffff, v3;
	_ =	sdelay $0x4  }
0xf3: {  	vm2 =	vne.s32 v4, v2  }
0xf4: {  	vm3 =	vmor vm2, vm0  }
0xf5: {  	vm2 =	vmand vm2, vm1;
	v3 =	vadd.s32 $0x400, v4  }
0xf6: {  	v2 =	vadd.s32 $0x400, v2;
	_ =	sdelay $0x1  }
0xf7: {  	v4, _, _ =	vpop (xrf2)  }
0xf8: {  	v5 =	vsub.f32 $0.0e+00, v4  }
0xf9: {  	[tilespmem:v3+s15+$0x0] =	vst.idx.add.f32.msk vm3, v4  }
0xfa: {  	s18 =	simm.s32 $0x1890;
	[tilespmem:v2+s15+$0x0] =	vst.idx.add.f32.msk vm2, v5  }
0xfb: {  	v2 =	vld [tilespmem:s18+$0x0];
	_ =	sdelay $0x4  }
0xfc: {  	v2 =	vmul.f32 $1.442695020e+00, v2;
	_ =	sdelay $0x1  }
0xfd: {  	(erf) = vpow2.f32 v2;
	_ =	sdelay $0x7  }
0xfe: {  	v3 =	vld [tilespmem:s19+$0xFFFFFFFF]  }
0xff: {  	v2 =	vld [tilespmem:s19+$0x0];
	v4 =	vpop (erf)  }
0x100: {  	(xrf2) =	vadd.scan.msk.f32 $0xffff, v4;
	_ =	sdelay $0x3  }
0x101: {  	vm2 =	vne.s32 v3, v2  }
0x102: {  	vm3 =	vmor vm2, vm0  }
0x103: {  	v3 =	vadd.s32 $0x400, v3  }
0x104: {  	vm2 =	vmand vm2, vm1  }
0x105: {  	v2 =	vadd.s32 $0x400, v2;
	_ =	sdelay $0x1  }
0x106: {  	v4, _, _ =	vpop (xrf2)  }
0x107: {  	s20 =	simm.s32 $0x20;
	s22 =	simm.s32 $0x40;
	s19 =	simm.s32 $0x3131;
	[tilespmem:v3+s15+$0x0] =	vst.idx.add.f32.msk vm3, v4;
	v3 =	vsub.f32 $0.0e+00, v4  }
.LBB2_9:
0x108: {  	s23 =	sand.u32 $0xFE0, s20  }
0x109: {  	[tilespmem:v2+s15+$0x0] =	vst.idx.add.f32.msk vm2, v3;
	s18 =	sadd.s32 $0x20, s18;
	s20 =	smov.u32 s22;
	s21 =	sadd.s32 $0x20, s22  }
0x10a: {  	p1 =	sne.s32 s22, $0xC20;
	v2 =	vld [tilespmem:s23+$0x1880];
	_ =	sdelay $0x4  }
0x10b: {  	v2 =	vmul.f32 $1.442695020e+00, v2;
	_ =	sdelay $0x1  }
0x10c: {  	(erf) = vpow2.f32 v2;
	_ =	sdelay $0x8  }
0x10d: {  	v2 =	vld [tilespmem:s19+$0xFFFFFFF0];
	v3 =	vpop (erf)  }
0x10e: {  	v4 =	vld [tilespmem:s19+$0xFFFFFFEF];
	(xrf2) =	vadd.scan.msk.f32 $0xffff, v3;
	_ =	sdelay $0x4  }
0x10f: {  	vm2 =	vne.s32 v4, v2  }
0x110: {  	vm3 =	vmor vm2, vm0  }
0x111: {  	v3 =	vadd.s32 $0x400, v4;
	vm2 =	vmand vm2, vm1  }
0x112: {  	v2 =	vadd.s32 $0x400, v2;
	_ =	sdelay $0x1  }
0x113: {  	v4, _, _ =	vpop (xrf2)  }
0x114: {  	v5 =	vsub.f32 $0.0e+00, v4  }
0x115: {  	[tilespmem:v3+s15+$0x0] =	vst.idx.add.f32.msk vm3, v4  }
0x116: {  	[tilespmem:v2+s15+$0x0] =	vst.idx.add.f32.msk vm2, v5  }
0x117: {  	v2 =	vld [tilespmem:s18+$0x0];
	_ =	sdelay $0x4  }
0x118: {  	v2 =	vmul.f32 $1.442695020e+00, v2;
	_ =	sdelay $0x1  }
0x119: {  	(erf) = vpow2.f32 v2;
	_ =	sdelay $0x7  }
0x11a: {  	v2 =	vld [tilespmem:s19+$0x0]  }
0x11b: {  	v3 =	vld [tilespmem:s19+$0xFFFFFFFF];
	v4 =	vpop (erf)  }
0x11c: {  	(xrf2) =	vadd.scan.msk.f32 $0xffff, v4;
	_ =	sdelay $0x3  }
0x11d: {  	vm2 =	vne.s32 v3, v2  }
0x11e: {  	vm3 =	vmor vm2, vm0  }
0x11f: {  	v3 =	vadd.s32 $0x400, v3  }
0x120: {  	vm2 =	vmand vm2, vm1  }
.Ltmp6:
0x121: {  	v2 =	vadd.s32 $0x400, v2;
	(pc) =	sbr.rel @p1 .LBB2_9-.Ltmp6, $4  }
0x122: {  	_ = 	snop  }
0x123: {  	v4, _, _ =	vpop (xrf2)  }
0x124: {  	[tilespmem:v3+s15+$0x0] =	vst.idx.add.f32.msk vm3, v4;
	v3 =	vsub.f32 $0.0e+00, v4  }
0x125: {  	s22 =	smov.u32 s21;
	s19 =	sadd.s32 $0x20, s19  }
0x126: {  	_ =	sdelay $0x4  }
0x127: {  	s20 =	sand.u32 $0xFE0, s20;
	[tilespmem:v2+s15+$0x0] =	vst.idx.add.f32.msk vm2, v3  }
0x128: {  	v2 =	vld [tilespmem:s20+$0x1880];
	_ =	sdelay $0x4  }
0x129: {  	v2 =	vmul.f32 $1.442695020e+00, v2;
	_ =	sdelay $0x1  }
0x12a: {  	(erf) = vpow2.f32 v2;
	_ =	sdelay $0x8  }
0x12b: {  	v4 =	vld [tilespmem:s19+$0xFFFFFFEF];
	v3 =	vpop (erf)  }
0x12c: {  	v2 =	vld [tilespmem:s19+$0xFFFFFFF0];
	(xrf2) =	vadd.scan.msk.f32 $0xffff, v3;
	_ =	sdelay $0x4  }
0x12d: {  	vm2 =	vne.s32 v4, v2  }
0x12e: {  	vm3 =	vmor vm2, vm0  }
0x12f: {  	vm2 =	vmand vm2, vm1;
	v3 =	vadd.s32 $0x400, v4  }
0x130: {  	v2 =	vadd.s32 $0x400, v2;
	_ =	sdelay $0x1  }
0x131: {  	v4, _, _ =	vpop (xrf2)  }
0x132: {  	v5 =	vsub.f32 $0.0e+00, v4  }
0x133: {  	[tilespmem:v3+s15+$0x0] =	vst.idx.add.f32.msk vm3, v4  }
0x134: {  	s18 =	sadd.s32 $0x20, s18;
	[tilespmem:v2+s15+$0x0] =	vst.idx.add.f32.msk vm2, v5  }
0x135: {  	v2 =	vld [tilespmem:s18+$0x0];
	_ =	sdelay $0x4  }
0x136: {  	v2 =	vmul.f32 $1.442695020e+00, v2;
	_ =	sdelay $0x1  }
0x137: {  	(erf) = vpow2.f32 v2;
	_ =	sdelay $0x8  }
0x138: {  	v4 =	vld [tilespmem:s19+$0xFFFFFFFF];
	v3 =	vpop (erf)  }
0x139: {  	v2 =	vld [tilespmem:s19+$0x0];
	(xrf2) =	vadd.scan.msk.f32 $0xffff, v3;
	_ =	sdelay $0x4  }
0x13a: {  	vm2 =	vne.s32 v4, v2  }
0x13b: {  	vm3 =	vmor vm2, vm0  }
0x13c: {  	vm2 =	vmand vm2, vm1;
	v3 =	vadd.s32 $0x400, v4  }
0x13d: {  	v2 =	vadd.s32 $0x400, v2;
	_ =	sdelay $0x1  }
0x13e: {  	v4, _, _ =	vpop (xrf2)  }
0x13f: {  	v5 =	vsub.f32 $0.0e+00, v4  }
0x140: {  	[tilespmem:v3+s15+$0x0] =	vst.idx.add.f32.msk vm3, v4  }
0x141: {  	s31 =	simm.s32 $0x0;
	[tilespmem:v2+s15+$0x0] =	vst.idx.add.f32.msk vm2, v5  }
0x142: {  	v2 =	vld [tilespmem:s31+$0x24C0];
	_ =	sdelay $0x4  }
0x143: {  	v2 =	vmul.f32 $1.442695020e+00, v2;
	_ =	sdelay $0x1  }
0x144: {  	(erf) = vpow2.f32 v2;
	_ =	sdelay $0x8  }
0x145: {  	v4 =	vld [tilespmem:s31+$0x3100];
	v3 =	vpop (erf)  }
0x146: {  	v2 =	vld [tilespmem:s31+$0x3101];
	(xrf2) =	vadd.scan.msk.f32 $0xffff, v3;
	_ =	sdelay $0x4  }
0x147: {  	vm2 =	vne.s32 v4, v2  }
0x148: {  	vm3 =	vmor vm2, vm0  }
0x149: {  	vm2 =	vmand vm2, vm1;
	v3 =	vadd.s32 $0x600, v4  }
0x14a: {  	v2 =	vadd.s32 $0x600, v2;
	_ =	sdelay $0x1  }
0x14b: {  	v4, _, _ =	vpop (xrf2)  }
0x14c: {  	v5 =	vsub.f32 $0.0e+00, v4  }
0x14d: {  	[tilespmem:v3+s15+$0x0] =	vst.idx.add.f32.msk vm3, v4  }
0x14e: {  	[tilespmem:v2+s15+$0x0] =	vst.idx.add.f32.msk vm2, v5  }
0x14f: {  	v2 =	vld [tilespmem:s31+$0x24D0];
	_ =	sdelay $0x4  }
0x150: {  	v2 =	vmul.f32 $1.442695020e+00, v2;
	_ =	sdelay $0x1  }
0x151: {  	(erf) = vpow2.f32 v2;
	_ =	sdelay $0x7  }
0x152: {  	v3 =	vld [tilespmem:s31+$0x3111]  }
0x153: {  	v2 =	vld [tilespmem:s31+$0x3110];
	v4 =	vpop (erf)  }
0x154: {  	(xrf2) =	vadd.scan.msk.f32 $0xffff, v4;
	_ =	sdelay $0x3  }
0x155: {  	vm2 =	vne.s32 v2, v3  }
0x156: {  	vm3 =	vmor vm2, vm0  }
0x157: {  	v4 =	vadd.s32 $0x600, v2  }
0x158: {  	vm2 =	vmand vm2, vm1  }
0x159: {  	v2 =	vadd.s32 $0x600, v3;
	_ =	sdelay $0x1  }
0x15a: {  	v5, _, _ =	vpop (xrf2)  }
0x15b: {  	s18 =	simm.s32 $0x80;
	s19 =	simm.s32 $0x100;
	[tilespmem:v4+s15+$0x0] =	vst.idx.add.f32.msk vm3, v5;
	v3 =	vsub.f32 $0.0e+00, v5  }
.LBB2_11:
0x15c: {  	p1 =	seq.s32 s19, $0x3080  }
0x15d: {  	s20 =	sshra.s32 s18, $0x2;
	s18 =	smov.u32 s19;
	s19 =	sadd.s32 $0x80, s19;
	[tilespmem:v2+s15+$0x0] =	vst.idx.add.f32.msk vm2, v3  }
0x15e: {  	v2 =	vld [tilespmem:s20+$0x24C0];
	_ =	sdelay $0x4  }
0x15f: {  	v2 =	vmul.f32 $1.442695020e+00, v2;
	_ =	sdelay $0x1  }
0x160: {  	(erf) = vpow2.f32 v2;
	_ =	sdelay $0x8  }
0x161: {  	v2 =	vld [tilespmem:s20+$0x3101];
	v3 =	vpop (erf)  }
0x162: {  	v4 =	vld [tilespmem:s20+$0x3100];
	(xrf2) =	vadd.scan.msk.f32 $0xffff, v3;
	_ =	sdelay $0x4  }
0x163: {  	vm2 =	vne.s32 v4, v2  }
0x164: {  	vm3 =	vmor vm2, vm0  }
0x165: {  	v3 =	vadd.s32 $0x600, v4;
	vm2 =	vmand vm2, vm1  }
0x166: {  	v2 =	vadd.s32 $0x600, v2;
	_ =	sdelay $0x1  }
0x167: {  	v4, _, _ =	vpop (xrf2)  }
0x168: {  	v5 =	vsub.f32 $0.0e+00, v4  }
0x169: {  	[tilespmem:v3+s15+$0x0] =	vst.idx.add.f32.msk vm3, v4  }
0x16a: {  	[tilespmem:v2+s15+$0x0] =	vst.idx.add.f32.msk vm2, v5  }
0x16b: {  	v2 =	vld [tilespmem:s20+$0x24D0]  }
0x16c: {  	v3 =	vld [tilespmem:s20+$0x3110]  }
0x16d: {  	v4 =	vld [tilespmem:s20+$0x3111];
	_ =	sdelay $0x2  }
0x16e: {  	v2 =	vmul.f32 $1.442695020e+00, v2;
	_ =	sdelay $0x1  }
0x16f: {  	vm2 =	vne.s32 v3, v4;
	(erf) = vpow2.f32 v2;
	_ =	sdelay $0x8  }
0x170: {  	v2 =	vpop (erf)  }
0x171: {  	(xrf2) =	vadd.scan.msk.f32 $0xffff, v2;
	_ =	sdelay $0x4  }
0x172: {  	vm3 =	vmor vm2, vm0  }
0x173: {  	v3 =	vadd.s32 $0x600, v3  }
.Ltmp7:
0x174: {  	vm2 =	vmand vm2, vm1;
	(pc) =	sbr.rel @!p1 .LBB2_11-.Ltmp7, $3  }
0x175: {  	v2 =	vadd.s32 $0x600, v4;
	_ =	sdelay $0x1  }
0x176: {  	v4, _, _ =	vpop (xrf2)  }
0x177: {  	[tilespmem:v3+s15+$0x0] =	vst.idx.add.f32.msk vm3, v4;
	v3 =	vsub.f32 $0.0e+00, v4  }
0x178: {  	_ =	sdelay $0x4  }
0x179: {  	s18 =	sshra.s32 s18, $0x2;
	[tilespmem:v2+s15+$0x0] =	vst.idx.add.f32.msk vm2, v3  }
0x17a: {  	v2 =	vld [tilespmem:s18+$0x24C0];
	_ =	sdelay $0x4  }
0x17b: {  	v2 =	vmul.f32 $1.442695020e+00, v2;
	_ =	sdelay $0x1  }
0x17c: {  	(erf) = vpow2.f32 v2;
	_ =	sdelay $0x8  }
0x17d: {  	v4 =	vld [tilespmem:s18+$0x3100];
	v3 =	vpop (erf)  }
0x17e: {  	v2 =	vld [tilespmem:s18+$0x3101];
	(xrf2) =	vadd.scan.msk.f32 $0xffff, v3;
	_ =	sdelay $0x4  }
0x17f: {  	vm2 =	vne.s32 v4, v2  }
0x180: {  	vm3 =	vmor vm2, vm0  }
0x181: {  	vm2 =	vmand vm2, vm1;
	v3 =	vadd.s32 $0x600, v4  }
0x182: {  	v2 =	vadd.s32 $0x600, v2;
	_ =	sdelay $0x1  }
0x183: {  	v61, _, _ =	vpop (xrf2)  }
0x184: {  	v5 =	vsub.f32 $0.0e+00, v61  }
0x185: {  	[tilespmem:v3+s15+$0x0] =	vst.idx.add.f32.msk vm3, v61  }
0x186: {  	[tilespmem:v2+s15+$0x0] =	vst.idx.add.f32.msk vm2, v5  }
0x187: {  	v2 =	vld [tilespmem:s18+$0x24D0];
	_ =	sdelay $0x4  }
0x188: {  	v2 =	vmul.f32 $1.442695020e+00, v2;
	_ =	sdelay $0x1  }
0x189: {  	(erf) = vpow2.f32 v2;
	_ =	sdelay $0x8  }
0x18a: {  	v4 =	vld [tilespmem:s18+$0x3111];
	v3 =	vpop (erf)  }
0x18b: {  	v2 =	vld [tilespmem:s18+$0x3110];
	(xrf2) =	vadd.scan.msk.f32 $0xffff, v3;
	_ =	sdelay $0x4  }
0x18c: {  	vm2 =	vne.s32 v2, v4  }
0x18d: {  	vm3 =	vmor vm2, vm0  }
0x18e: {  	v2 =	vadd.s32 $0x600, v2;
	vm2 =	vmand vm2, vm1  }
0x18f: {  	v3 =	vadd.s32 $0x600, v4  }
.Ltmp8:
0x190: {  	_ = 	snop;
	(pc) =	sbr.rel .LBB2_22-.Ltmp8, $4  }
0x191: {  	v62, _, _ =	vpop (xrf2)  }
0x192: {  	v63 =	vsub.f32 $0.0e+00, v62  }
0x193: {  	[tilespmem:v2+s15+$0x0] =	vst.idx.add.f32.msk vm3, v62  }
0x194: {  	[tilespmem:v3+s15+$0x0] =	vst.idx.add.f32.msk vm2, v63  }
.LBB2_13:
0x195: {  	[tilespmem:s10], [sflag:$0x1] =	stream.linear.gather [hbm4b:s3+s18], $0xC20, $0x38;
	[tilespmem:$0x4580] =	vst v63  }
0x196: {  	_ =	swait.ge [sflag:s11], $0xC20  }
0x197: {  	[sflag:s11] =	ssyncset.done $0x0  }
0x198: {  	[sflag:s11] =	ssyncadd.s32 $0xFFFFF3E0  }
0x199: {  	[tilespmem:$0x3D20] =	vst v1  }
0x19a: {  	[tilespmem:s18], [sflag:$0x1] =	stream.linear.gather [hbm4b:s4+s18], $0xC20, $0x38;
	[tilespmem:$0x4580] =	vst v63  }
0x19b: {  	_ =	swait.ge [sflag:s11], $0xC20  }
0x19c: {  	[sflag:s11] =	ssyncset.done $0x0  }
0x19d: {  	[sflag:s11] =	ssyncadd.s32 $0xFFFFF3E0  }
0x19e: {  	[tilespmem:s12], [sflag:$0x1] =	stream.linear.gather [hbm4b:s5+s18], $0xC20, $0x38;
	[tilespmem:$0x4580] =	vst v63  }
0x19f: {  	_ =	swait.ge [sflag:s11], $0xC20  }
0x1a0: {  	[sflag:s11] =	ssyncset.done $0x0  }
0x1a1: {  	[sflag:s11] =	ssyncadd.s32 $0xFFFFF3E0  }
0x1a2: {  	[tilespmem:s13], [sflag:$0x1] =	stream.linear.gather [hbm4b:s6+s18], $0xC20, $0x38;
	[tilespmem:$0x4580] =	vst v63  }
0x1a3: {  	_ =	swait.ge [sflag:s11], $0xC20  }
0x1a4: {  	[sflag:s11] =	ssyncset.done $0x0  }
0x1a5: {  	[sflag:s11] =	ssyncadd.s32 $0xFFFFF3E0  }
0x1a6: {  	[tilespmem:s14], [sflag:$0x1] =	stream.linear.gather [hbm4b:s7+s18], $0xC20, $0x38;
	[tilespmem:$0x4580] =	vst v63  }
0x1a7: {  	_ =	swait.ge [sflag:s11], $0xC20  }
0x1a8: {  	[sflag:s11] =	ssyncset.done $0x0  }
0x1a9: {  	s19 =	simm.s32 $0x0;
	[sflag:s11] =	ssyncadd.s32 $0xFFFFF3E0  }
0x1aa: {  	v2 =	vld [tilespmem:s19+$0x0];
	_ =	sdelay $0x4  }
0x1ab: {  	v2 =	vmul.f32 $1.442695020e+00, v2;
	_ =	sdelay $0x1  }
0x1ac: {  	(erf) = vpow2.f32 v2;
	_ =	sdelay $0x8  }
0x1ad: {  	v4 =	vld [tilespmem:s19+$0x3100];
	v3 =	vpop (erf)  }
0x1ae: {  	v2 =	vld [tilespmem:s19+$0x3101];
	(xrf2) =	vadd.scan.msk.f32 $0xffff, v3;
	_ =	sdelay $0x4  }
0x1af: {  	vm2 =	vne.s32 v4, v2  }
0x1b0: {  	vm3 =	vmor vm2, vm0  }
0x1b1: {  	vm2 =	vmand vm2, vm1;
	_ =	sdelay $0x2  }
0x1b2: {  	v3, _, _ =	vpop (xrf2)  }
0x1b3: {  	v5 =	vsub.f32 $0.0e+00, v3  }
0x1b4: {  	[tilespmem:v4+s15+$0x0] =	vst.idx.add.f32.msk vm3, v3  }
0x1b5: {  	[tilespmem:v2+s15+$0x0] =	vst.idx.add.f32.msk vm2, v5  }
0x1b6: {  	v2 =	vld [tilespmem:s19+$0x10];
	_ =	sdelay $0x4  }
0x1b7: {  	v2 =	vmul.f32 $1.442695020e+00, v2;
	_ =	sdelay $0x1  }
0x1b8: {  	(erf) = vpow2.f32 v2;
	_ =	sdelay $0x7  }
0x1b9: {  	v3 =	vld [tilespmem:s19+$0x3110]  }
0x1ba: {  	v2 =	vld [tilespmem:s19+$0x3111];
	v4 =	vpop (erf)  }
0x1bb: {  	(xrf2) =	vadd.scan.msk.f32 $0xffff, v4;
	_ =	sdelay $0x3  }
0x1bc: {  	vm2 =	vne.s32 v3, v2  }
0x1bd: {  	vm3 =	vmor vm2, vm0;
	_ =	sdelay $0x1  }
0x1be: {  	vm2 =	vmand vm2, vm1;
	_ =	sdelay $0x2  }
0x1bf: {  	v4, _, _ =	vpop (xrf2)  }
0x1c0: {  	s20 =	simm.s32 $0x100;
	s21 =	simm.s32 $0x80;
	s18 =	simm.s32 $0x80;
	[tilespmem:v3+s15+$0x0] =	vst.idx.add.f32.msk vm3, v4;
	v3 =	vsub.f32 $0.0e+00, v4  }
.LBB2_14:
0x1c1: {  	p1 =	sne.s32 s20, $0x3000  }
0x1c2: {  	s22 =	sshra.s32 s21, $0x2;
	s21 =	smov.u32 s20;
	s20 =	sadd.s32 $0x80, s20;
	[tilespmem:v2+s15+$0x0] =	vst.idx.add.f32.msk vm2, v3  }
0x1c3: {  	v2 =	vld [tilespmem:s22+$0x0];
	_ =	sdelay $0x4  }
0x1c4: {  	v2 =	vmul.f32 $1.442695020e+00, v2;
	_ =	sdelay $0x1  }
0x1c5: {  	(erf) = vpow2.f32 v2;
	_ =	sdelay $0x8  }
0x1c6: {  	v2 =	vld [tilespmem:s22+$0x3101];
	v3 =	vpop (erf)  }
0x1c7: {  	v4 =	vld [tilespmem:s22+$0x3100];
	(xrf2) =	vadd.scan.msk.f32 $0xffff, v3;
	_ =	sdelay $0x4  }
0x1c8: {  	vm2 =	vne.s32 v4, v2  }
0x1c9: {  	vm3 =	vmor vm2, vm0  }
0x1ca: {  	vm2 =	vmand vm2, vm1;
	_ =	sdelay $0x2  }
0x1cb: {  	v3, _, _ =	vpop (xrf2)  }
0x1cc: {  	v5 =	vsub.f32 $0.0e+00, v3  }
0x1cd: {  	[tilespmem:v4+s15+$0x0] =	vst.idx.add.f32.msk vm3, v3  }
0x1ce: {  	[tilespmem:v2+s15+$0x0] =	vst.idx.add.f32.msk vm2, v5  }
0x1cf: {  	v2 =	vld [tilespmem:s22+$0x10];
	_ =	sdelay $0x4  }
0x1d0: {  	v2 =	vmul.f32 $1.442695020e+00, v2;
	_ =	sdelay $0x1  }
0x1d1: {  	(erf) = vpow2.f32 v2;
	_ =	sdelay $0x7  }
0x1d2: {  	v2 =	vld [tilespmem:s22+$0x3111]  }
0x1d3: {  	v3 =	vld [tilespmem:s22+$0x3110];
	v4 =	vpop (erf)  }
0x1d4: {  	(xrf2) =	vadd.scan.msk.f32 $0xffff, v4;
	_ =	sdelay $0x3  }
0x1d5: {  	vm2 =	vne.s32 v3, v2  }
0x1d6: {  	vm3 =	vmor vm2, vm0;
	_ =	sdelay $0x1  }
.Ltmp9:
0x1d7: {  	vm2 =	vmand vm2, vm1;
	(pc) =	sbr.rel @p1 .LBB2_14-.Ltmp9, $3  }
0x1d8: {  	_ =	sdelay $0x1  }
0x1d9: {  	v4, _, _ =	vpop (xrf2)  }
0x1da: {  	[tilespmem:v3+s15+$0x0] =	vst.idx.add.f32.msk vm3, v4;
	v3 =	vsub.f32 $0.0e+00, v4  }
0x1db: {  	_ =	sdelay $0x4  }
0x1dc: {  	s20 =	sshra.s32 s21, $0x2;
	[tilespmem:v2+s15+$0x0] =	vst.idx.add.f32.msk vm2, v3  }
0x1dd: {  	v2 =	vld [tilespmem:s20+$0x0];
	_ =	sdelay $0x4  }
0x1de: {  	v2 =	vmul.f32 $1.442695020e+00, v2;
	_ =	sdelay $0x1  }
0x1df: {  	(erf) = vpow2.f32 v2;
	_ =	sdelay $0x8  }
0x1e0: {  	v4 =	vld [tilespmem:s20+$0x3100];
	v3 =	vpop (erf)  }
0x1e1: {  	v2 =	vld [tilespmem:s20+$0x3101];
	(xrf2) =	vadd.scan.msk.f32 $0xffff, v3;
	_ =	sdelay $0x4  }
0x1e2: {  	vm2 =	vne.s32 v4, v2  }
0x1e3: {  	vm3 =	vmor vm2, vm0  }
0x1e4: {  	vm2 =	vmand vm2, vm1;
	_ =	sdelay $0x2  }
0x1e5: {  	v3, _, _ =	vpop (xrf2)  }
0x1e6: {  	v5 =	vsub.f32 $0.0e+00, v3  }
0x1e7: {  	[tilespmem:v4+s15+$0x0] =	vst.idx.add.f32.msk vm3, v3  }
0x1e8: {  	[tilespmem:v2+s15+$0x0] =	vst.idx.add.f32.msk vm2, v5  }
0x1e9: {  	v2 =	vld [tilespmem:s20+$0x10];
	_ =	sdelay $0x4  }
0x1ea: {  	v2 =	vmul.f32 $1.442695020e+00, v2;
	_ =	sdelay $0x1  }
0x1eb: {  	(erf) = vpow2.f32 v2;
	_ =	sdelay $0x8  }
0x1ec: {  	v4 =	vld [tilespmem:s20+$0x3110];
	v3 =	vpop (erf)  }
0x1ed: {  	v2 =	vld [tilespmem:s20+$0x3111];
	(xrf2) =	vadd.scan.msk.f32 $0xffff, v3;
	_ =	sdelay $0x4  }
0x1ee: {  	vm2 =	vne.s32 v4, v2  }
0x1ef: {  	vm3 =	vmor vm2, vm0  }
0x1f0: {  	vm2 =	vmand vm2, vm1;
	_ =	sdelay $0x2  }
0x1f1: {  	v3, _, _ =	vpop (xrf2)  }
0x1f2: {  	v5 =	vsub.f32 $0.0e+00, v3  }
0x1f3: {  	[tilespmem:v4+s15+$0x0] =	vst.idx.add.f32.msk vm3, v3  }
0x1f4: {  	[tilespmem:v2+s15+$0x0] =	vst.idx.add.f32.msk vm2, v5  }
0x1f5: {  	v2 =	vld [tilespmem:s19+$0xC40];
	_ =	sdelay $0x4  }
0x1f6: {  	v2 =	vmul.f32 $1.442695020e+00, v2;
	_ =	sdelay $0x1  }
0x1f7: {  	(erf) = vpow2.f32 v2;
	_ =	sdelay $0x8  }
0x1f8: {  	v4 =	vld [tilespmem:s19+$0x3100];
	v3 =	vpop (erf)  }
0x1f9: {  	v2 =	vld [tilespmem:s19+$0x3101];
	(xrf2) =	vadd.scan.msk.f32 $0xffff, v3;
	_ =	sdelay $0x4  }
0x1fa: {  	vm2 =	vne.s32 v4, v2  }
0x1fb: {  	vm3 =	vmor vm2, vm0  }
0x1fc: {  	vm2 =	vmand vm2, vm1;
	v3 =	vadd.s32 $0x200, v4  }
0x1fd: {  	v2 =	vadd.s32 $0x200, v2;
	_ =	sdelay $0x1  }
0x1fe: {  	v4, _, _ =	vpop (xrf2)  }
0x1ff: {  	v5 =	vsub.f32 $0.0e+00, v4  }
0x200: {  	[tilespmem:v3+s15+$0x0] =	vst.idx.add.f32.msk vm3, v4  }
0x201: {  	[tilespmem:v2+s15+$0x0] =	vst.idx.add.f32.msk vm2, v5  }
0x202: {  	v2 =	vld [tilespmem:s19+$0xC50];
	_ =	sdelay $0x4  }
0x203: {  	v2 =	vmul.f32 $1.442695020e+00, v2;
	_ =	sdelay $0x1  }
0x204: {  	(erf) = vpow2.f32 v2;
	_ =	sdelay $0x7  }
0x205: {  	v3 =	vld [tilespmem:s19+$0x3111]  }
0x206: {  	v2 =	vld [tilespmem:s19+$0x3110];
	v4 =	vpop (erf)  }
0x207: {  	(xrf2) =	vadd.scan.msk.f32 $0xffff, v4;
	_ =	sdelay $0x3  }
0x208: {  	vm2 =	vne.s32 v2, v3  }
0x209: {  	vm3 =	vmor vm2, vm0  }
0x20a: {  	v4 =	vadd.s32 $0x200, v2  }
0x20b: {  	vm2 =	vmand vm2, vm1  }
0x20c: {  	v2 =	vadd.s32 $0x200, v3;
	_ =	sdelay $0x1  }
0x20d: {  	v5, _, _ =	vpop (xrf2)  }
0x20e: {  	s19 =	simm.s32 $0x100;
	[tilespmem:v4+s15+$0x0] =	vst.idx.add.f32.msk vm3, v5;
	v3 =	vsub.f32 $0.0e+00, v5  }
.LBB2_16:
0x20f: {  	p1 =	sne.s32 s19, $0x3000  }
0x210: {  	s20 =	sshra.s32 s18, $0x2;
	s18 =	smov.u32 s19;
	s19 =	sadd.s32 $0x80, s19;
	[tilespmem:v2+s15+$0x0] =	vst.idx.add.f32.msk vm2, v3  }
0x211: {  	v2 =	vld [tilespmem:s20+$0xC40];
	_ =	sdelay $0x4  }
0x212: {  	v2 =	vmul.f32 $1.442695020e+00, v2;
	_ =	sdelay $0x1  }
0x213: {  	(erf) = vpow2.f32 v2;
	_ =	sdelay $0x8  }
0x214: {  	v2 =	vld [tilespmem:s20+$0x3101];
	v3 =	vpop (erf)  }
0x215: {  	v4 =	vld [tilespmem:s20+$0x3100];
	(xrf2) =	vadd.scan.msk.f32 $0xffff, v3;
	_ =	sdelay $0x4  }
0x216: {  	vm2 =	vne.s32 v4, v2  }
0x217: {  	vm3 =	vmor vm2, vm0  }
0x218: {  	v3 =	vadd.s32 $0x200, v4;
	vm2 =	vmand vm2, vm1  }
0x219: {  	v2 =	vadd.s32 $0x200, v2;
	_ =	sdelay $0x1  }
0x21a: {  	v4, _, _ =	vpop (xrf2)  }
0x21b: {  	v5 =	vsub.f32 $0.0e+00, v4  }
0x21c: {  	[tilespmem:v3+s15+$0x0] =	vst.idx.add.f32.msk vm3, v4  }
0x21d: {  	[tilespmem:v2+s15+$0x0] =	vst.idx.add.f32.msk vm2, v5  }
0x21e: {  	v2 =	vld [tilespmem:s20+$0xC50]  }
0x21f: {  	v3 =	vld [tilespmem:s20+$0x3110]  }
0x220: {  	v4 =	vld [tilespmem:s20+$0x3111];
	_ =	sdelay $0x2  }
0x221: {  	v2 =	vmul.f32 $1.442695020e+00, v2;
	_ =	sdelay $0x1  }
0x222: {  	vm2 =	vne.s32 v3, v4;
	(erf) = vpow2.f32 v2;
	_ =	sdelay $0x8  }
0x223: {  	v2 =	vpop (erf)  }
0x224: {  	(xrf2) =	vadd.scan.msk.f32 $0xffff, v2;
	_ =	sdelay $0x4  }
0x225: {  	vm3 =	vmor vm2, vm0  }
0x226: {  	v3 =	vadd.s32 $0x200, v3  }
.Ltmp10:
0x227: {  	vm2 =	vmand vm2, vm1;
	(pc) =	sbr.rel @p1 .LBB2_16-.Ltmp10, $3  }
0x228: {  	v2 =	vadd.s32 $0x200, v4;
	_ =	sdelay $0x1  }
0x229: {  	v4, _, _ =	vpop (xrf2)  }
0x22a: {  	[tilespmem:v3+s15+$0x0] =	vst.idx.add.f32.msk vm3, v4;
	v3 =	vsub.f32 $0.0e+00, v4  }
0x22b: {  	_ =	sdelay $0x4  }
0x22c: {  	s18 =	sshra.s32 s18, $0x2;
	[tilespmem:v2+s15+$0x0] =	vst.idx.add.f32.msk vm2, v3  }
0x22d: {  	v2 =	vld [tilespmem:s18+$0xC40];
	_ =	sdelay $0x4  }
0x22e: {  	v2 =	vmul.f32 $1.442695020e+00, v2;
	_ =	sdelay $0x1  }
0x22f: {  	(erf) = vpow2.f32 v2;
	_ =	sdelay $0x8  }
0x230: {  	v4 =	vld [tilespmem:s18+$0x3100];
	v3 =	vpop (erf)  }
0x231: {  	v2 =	vld [tilespmem:s18+$0x3101];
	(xrf2) =	vadd.scan.msk.f32 $0xffff, v3;
	_ =	sdelay $0x4  }
0x232: {  	vm2 =	vne.s32 v4, v2  }
0x233: {  	vm3 =	vmor vm2, vm0  }
0x234: {  	vm2 =	vmand vm2, vm1;
	v3 =	vadd.s32 $0x200, v4  }
0x235: {  	v2 =	vadd.s32 $0x200, v2;
	_ =	sdelay $0x1  }
0x236: {  	v4, _, _ =	vpop (xrf2)  }
0x237: {  	v5 =	vsub.f32 $0.0e+00, v4  }
0x238: {  	[tilespmem:v3+s15+$0x0] =	vst.idx.add.f32.msk vm3, v4  }
0x239: {  	[tilespmem:v2+s15+$0x0] =	vst.idx.add.f32.msk vm2, v5  }
0x23a: {  	v2 =	vld [tilespmem:s18+$0xC50];
	_ =	sdelay $0x4  }
0x23b: {  	v2 =	vmul.f32 $1.442695020e+00, v2;
	_ =	sdelay $0x1  }
0x23c: {  	(erf) = vpow2.f32 v2;
	_ =	sdelay $0x8  }
0x23d: {  	v4 =	vld [tilespmem:s18+$0x3111];
	v3 =	vpop (erf)  }
0x23e: {  	v2 =	vld [tilespmem:s18+$0x3110];
	(xrf2) =	vadd.scan.msk.f32 $0xffff, v3;
	_ =	sdelay $0x4  }
0x23f: {  	vm2 =	vne.s32 v2, v4  }
0x240: {  	vm3 =	vmor vm2, vm0  }
0x241: {  	v2 =	vadd.s32 $0x200, v2;
	vm2 =	vmand vm2, vm1  }
0x242: {  	v3 =	vadd.s32 $0x200, v4;
	_ =	sdelay $0x1  }
0x243: {  	v4, _, _ =	vpop (xrf2)  }
0x244: {  	v5 =	vsub.f32 $0.0e+00, v4  }
0x245: {  	s31 =	simm.s32 $0x0;
	[tilespmem:v2+s15+$0x0] =	vst.idx.add.f32.msk vm3, v4  }
0x246: {  	s18 =	sand.u32 $0xFE0, s31;
	[tilespmem:v3+s15+$0x0] =	vst.idx.add.f32.msk vm2, v5  }
0x247: {  	v2 =	vld [tilespmem:s18+$0x1880];
	_ =	sdelay $0x4  }
0x248: {  	v2 =	vmul.f32 $1.442695020e+00, v2;
	_ =	sdelay $0x1  }
0x249: {  	(erf) = vpow2.f32 v2;
	_ =	sdelay $0x7  }
0x24a: {  	s19 =	simm.s32 $0x3111  }
0x24b: {  	v4 =	vld [tilespmem:s19+$0xFFFFFFEF];
	v3 =	vpop (erf)  }
0x24c: {  	v2 =	vld [tilespmem:s19+$0xFFFFFFF0];
	(xrf2) =	vadd.scan.msk.f32 $0xffff, v3;
	_ =	sdelay $0x4  }
0x24d: {  	vm2 =	vne.s32 v4, v2  }
0x24e: {  	vm3 =	vmor vm2, vm0  }
0x24f: {  	vm2 =	vmand vm2, vm1;
	v3 =	vadd.s32 $0x400, v4  }
0x250: {  	v2 =	vadd.s32 $0x400, v2;
	_ =	sdelay $0x1  }
0x251: {  	v4, _, _ =	vpop (xrf2)  }
0x252: {  	v5 =	vsub.f32 $0.0e+00, v4  }
0x253: {  	[tilespmem:v3+s15+$0x0] =	vst.idx.add.f32.msk vm3, v4  }
0x254: {  	s18 =	simm.s32 $0x1890;
	[tilespmem:v2+s15+$0x0] =	vst.idx.add.f32.msk vm2, v5  }
0x255: {  	v2 =	vld [tilespmem:s18+$0x0];
	_ =	sdelay $0x4  }
0x256: {  	v2 =	vmul.f32 $1.442695020e+00, v2;
	_ =	sdelay $0x1  }
0x257: {  	(erf) = vpow2.f32 v2;
	_ =	sdelay $0x7  }
0x258: {  	v3 =	vld [tilespmem:s19+$0xFFFFFFFF]  }
0x259: {  	v2 =	vld [tilespmem:s19+$0x0];
	v4 =	vpop (erf)  }
0x25a: {  	(xrf2) =	vadd.scan.msk.f32 $0xffff, v4;
	_ =	sdelay $0x3  }
0x25b: {  	vm2 =	vne.s32 v3, v2  }
0x25c: {  	vm3 =	vmor vm2, vm0  }
0x25d: {  	v3 =	vadd.s32 $0x400, v3  }
0x25e: {  	vm2 =	vmand vm2, vm1  }
0x25f: {  	v2 =	vadd.s32 $0x400, v2;
	_ =	sdelay $0x1  }
0x260: {  	v4, _, _ =	vpop (xrf2)  }
0x261: {  	s20 =	simm.s32 $0x20;
	s22 =	simm.s32 $0x40;
	s19 =	simm.s32 $0x3131;
	[tilespmem:v3+s15+$0x0] =	vst.idx.add.f32.msk vm3, v4;
	v3 =	vsub.f32 $0.0e+00, v4  }
.LBB2_18:
0x262: {  	s23 =	sand.u32 $0xFE0, s20  }
0x263: {  	[tilespmem:v2+s15+$0x0] =	vst.idx.add.f32.msk vm2, v3;
	s18 =	sadd.s32 $0x20, s18;
	s20 =	smov.u32 s22;
	s21 =	sadd.s32 $0x20, s22  }
0x264: {  	p1 =	sne.s32 s22, $0xC00;
	v2 =	vld [tilespmem:s23+$0x1880];
	_ =	sdelay $0x4  }
0x265: {  	v2 =	vmul.f32 $1.442695020e+00, v2;
	_ =	sdelay $0x1  }
0x266: {  	(erf) = vpow2.f32 v2;
	_ =	sdelay $0x8  }
0x267: {  	v2 =	vld [tilespmem:s19+$0xFFFFFFF0];
	v3 =	vpop (erf)  }
0x268: {  	v4 =	vld [tilespmem:s19+$0xFFFFFFEF];
	(xrf2) =	vadd.scan.msk.f32 $0xffff, v3;
	_ =	sdelay $0x4  }
0x269: {  	vm2 =	vne.s32 v4, v2  }
0x26a: {  	vm3 =	vmor vm2, vm0  }
0x26b: {  	v3 =	vadd.s32 $0x400, v4;
	vm2 =	vmand vm2, vm1  }
0x26c: {  	v2 =	vadd.s32 $0x400, v2;
	_ =	sdelay $0x1  }
0x26d: {  	v4, _, _ =	vpop (xrf2)  }
0x26e: {  	v5 =	vsub.f32 $0.0e+00, v4  }
0x26f: {  	[tilespmem:v3+s15+$0x0] =	vst.idx.add.f32.msk vm3, v4  }
0x270: {  	[tilespmem:v2+s15+$0x0] =	vst.idx.add.f32.msk vm2, v5  }
0x271: {  	v2 =	vld [tilespmem:s18+$0x0];
	_ =	sdelay $0x4  }
0x272: {  	v2 =	vmul.f32 $1.442695020e+00, v2;
	_ =	sdelay $0x1  }
0x273: {  	(erf) = vpow2.f32 v2;
	_ =	sdelay $0x7  }
0x274: {  	v2 =	vld [tilespmem:s19+$0x0]  }
0x275: {  	v3 =	vld [tilespmem:s19+$0xFFFFFFFF];
	v4 =	vpop (erf)  }
0x276: {  	(xrf2) =	vadd.scan.msk.f32 $0xffff, v4;
	_ =	sdelay $0x3  }
0x277: {  	vm2 =	vne.s32 v3, v2  }
0x278: {  	vm3 =	vmor vm2, vm0  }
0x279: {  	v3 =	vadd.s32 $0x400, v3  }
0x27a: {  	vm2 =	vmand vm2, vm1  }
.Ltmp11:
0x27b: {  	v2 =	vadd.s32 $0x400, v2;
	(pc) =	sbr.rel @p1 .LBB2_18-.Ltmp11, $4  }
0x27c: {  	_ = 	snop  }
0x27d: {  	v4, _, _ =	vpop (xrf2)  }
0x27e: {  	[tilespmem:v3+s15+$0x0] =	vst.idx.add.f32.msk vm3, v4;
	v3 =	vsub.f32 $0.0e+00, v4  }
0x27f: {  	s22 =	smov.u32 s21;
	s19 =	sadd.s32 $0x20, s19  }
0x280: {  	_ =	sdelay $0x4  }
0x281: {  	s20 =	sand.u32 $0xFE0, s20;
	[tilespmem:v2+s15+$0x0] =	vst.idx.add.f32.msk vm2, v3  }
0x282: {  	v2 =	vld [tilespmem:s20+$0x1880];
	_ =	sdelay $0x4  }
0x283: {  	v2 =	vmul.f32 $1.442695020e+00, v2;
	_ =	sdelay $0x1  }
0x284: {  	(erf) = vpow2.f32 v2;
	_ =	sdelay $0x8  }
0x285: {  	v4 =	vld [tilespmem:s19+$0xFFFFFFEF];
	v3 =	vpop (erf)  }
0x286: {  	v2 =	vld [tilespmem:s19+$0xFFFFFFF0];
	(xrf2) =	vadd.scan.msk.f32 $0xffff, v3;
	_ =	sdelay $0x4  }
0x287: {  	vm2 =	vne.s32 v4, v2  }
0x288: {  	vm3 =	vmor vm2, vm0  }
0x289: {  	vm2 =	vmand vm2, vm1;
	v3 =	vadd.s32 $0x400, v4  }
0x28a: {  	v2 =	vadd.s32 $0x400, v2;
	_ =	sdelay $0x1  }
0x28b: {  	v4, _, _ =	vpop (xrf2)  }
0x28c: {  	v5 =	vsub.f32 $0.0e+00, v4  }
0x28d: {  	[tilespmem:v3+s15+$0x0] =	vst.idx.add.f32.msk vm3, v4  }
0x28e: {  	s18 =	sadd.s32 $0x20, s18;
	[tilespmem:v2+s15+$0x0] =	vst.idx.add.f32.msk vm2, v5  }
0x28f: {  	v2 =	vld [tilespmem:s18+$0x0];
	_ =	sdelay $0x4  }
0x290: {  	v2 =	vmul.f32 $1.442695020e+00, v2;
	_ =	sdelay $0x1  }
0x291: {  	(erf) = vpow2.f32 v2;
	_ =	sdelay $0x8  }
0x292: {  	v4 =	vld [tilespmem:s19+$0xFFFFFFFF];
	v3 =	vpop (erf)  }
0x293: {  	v2 =	vld [tilespmem:s19+$0x0];
	(xrf2) =	vadd.scan.msk.f32 $0xffff, v3;
	_ =	sdelay $0x4  }
0x294: {  	vm2 =	vne.s32 v4, v2  }
0x295: {  	vm3 =	vmor vm2, vm0  }
0x296: {  	vm2 =	vmand vm2, vm1;
	v3 =	vadd.s32 $0x400, v4  }
0x297: {  	v2 =	vadd.s32 $0x400, v2;
	_ =	sdelay $0x1  }
0x298: {  	v4, _, _ =	vpop (xrf2)  }
0x299: {  	v5 =	vsub.f32 $0.0e+00, v4  }
0x29a: {  	[tilespmem:v3+s15+$0x0] =	vst.idx.add.f32.msk vm3, v4  }
0x29b: {  	s31 =	simm.s32 $0x0;
	[tilespmem:v2+s15+$0x0] =	vst.idx.add.f32.msk vm2, v5  }
0x29c: {  	v2 =	vld [tilespmem:s31+$0x24C0];
	_ =	sdelay $0x4  }
0x29d: {  	v2 =	vmul.f32 $1.442695020e+00, v2;
	_ =	sdelay $0x1  }
0x29e: {  	(erf) = vpow2.f32 v2;
	_ =	sdelay $0x8  }
0x29f: {  	v4 =	vld [tilespmem:s31+$0x3100];
	v3 =	vpop (erf)  }
0x2a0: {  	v2 =	vld [tilespmem:s31+$0x3101];
	(xrf2) =	vadd.scan.msk.f32 $0xffff, v3;
	_ =	sdelay $0x4  }
0x2a1: {  	vm2 =	vne.s32 v4, v2  }
0x2a2: {  	vm3 =	vmor vm2, vm0  }
0x2a3: {  	vm2 =	vmand vm2, vm1;
	v3 =	vadd.s32 $0x600, v4  }
0x2a4: {  	v2 =	vadd.s32 $0x600, v2;
	_ =	sdelay $0x1  }
0x2a5: {  	v4, _, _ =	vpop (xrf2)  }
0x2a6: {  	v5 =	vsub.f32 $0.0e+00, v4  }
0x2a7: {  	[tilespmem:v3+s15+$0x0] =	vst.idx.add.f32.msk vm3, v4  }
0x2a8: {  	[tilespmem:v2+s15+$0x0] =	vst.idx.add.f32.msk vm2, v5  }
0x2a9: {  	v2 =	vld [tilespmem:s31+$0x24D0];
	_ =	sdelay $0x4  }
0x2aa: {  	v2 =	vmul.f32 $1.442695020e+00, v2;
	_ =	sdelay $0x1  }
0x2ab: {  	(erf) = vpow2.f32 v2;
	_ =	sdelay $0x7  }
0x2ac: {  	v3 =	vld [tilespmem:s31+$0x3111]  }
0x2ad: {  	v2 =	vld [tilespmem:s31+$0x3110];
	v4 =	vpop (erf)  }
0x2ae: {  	(xrf2) =	vadd.scan.msk.f32 $0xffff, v4;
	_ =	sdelay $0x3  }
0x2af: {  	vm2 =	vne.s32 v2, v3  }
0x2b0: {  	vm3 =	vmor vm2, vm0  }
0x2b1: {  	v4 =	vadd.s32 $0x600, v2  }
0x2b2: {  	vm2 =	vmand vm2, vm1  }
0x2b3: {  	v2 =	vadd.s32 $0x600, v3;
	_ =	sdelay $0x1  }
0x2b4: {  	v5, _, _ =	vpop (xrf2)  }
0x2b5: {  	s18 =	simm.s32 $0x80;
	s19 =	simm.s32 $0x100;
	[tilespmem:v4+s15+$0x0] =	vst.idx.add.f32.msk vm3, v5;
	v3 =	vsub.f32 $0.0e+00, v5  }
.LBB2_20:
0x2b6: {  	p1 =	sne.s32 s19, $0x3000  }
0x2b7: {  	s20 =	sshra.s32 s18, $0x2;
	[tilespmem:v2+s15+$0x0] =	vst.idx.add.f32.msk vm2, v3;
	s18 =	smov.u32 s19;
	s19 =	sadd.s32 $0x80, s19  }
0x2b8: {  	v2 =	vld [tilespmem:s20+$0x24C0];
	_ =	sdelay $0x4  }
0x2b9: {  	v2 =	vmul.f32 $1.442695020e+00, v2;
	_ =	sdelay $0x1  }
0x2ba: {  	(erf) = vpow2.f32 v2;
	_ =	sdelay $0x8  }
0x2bb: {  	v2 =	vld [tilespmem:s20+$0x3101];
	v3 =	vpop (erf)  }
0x2bc: {  	v4 =	vld [tilespmem:s20+$0x3100];
	(xrf2) =	vadd.scan.msk.f32 $0xffff, v3;
	_ =	sdelay $0x4  }
0x2bd: {  	vm2 =	vne.s32 v4, v2  }
0x2be: {  	vm3 =	vmor vm2, vm0  }
0x2bf: {  	v3 =	vadd.s32 $0x600, v4;
	vm2 =	vmand vm2, vm1  }
0x2c0: {  	v2 =	vadd.s32 $0x600, v2;
	_ =	sdelay $0x1  }
0x2c1: {  	v4, _, _ =	vpop (xrf2)  }
0x2c2: {  	v5 =	vsub.f32 $0.0e+00, v4  }
0x2c3: {  	[tilespmem:v3+s15+$0x0] =	vst.idx.add.f32.msk vm3, v4  }
0x2c4: {  	[tilespmem:v2+s15+$0x0] =	vst.idx.add.f32.msk vm2, v5  }
0x2c5: {  	v2 =	vld [tilespmem:s20+$0x24D0]  }
0x2c6: {  	v3 =	vld [tilespmem:s20+$0x3110]  }
0x2c7: {  	v4 =	vld [tilespmem:s20+$0x3111];
	_ =	sdelay $0x2  }
0x2c8: {  	v2 =	vmul.f32 $1.442695020e+00, v2;
	_ =	sdelay $0x1  }
0x2c9: {  	vm2 =	vne.s32 v3, v4;
	(erf) = vpow2.f32 v2;
	_ =	sdelay $0x8  }
0x2ca: {  	v2 =	vpop (erf)  }
0x2cb: {  	(xrf2) =	vadd.scan.msk.f32 $0xffff, v2;
	_ =	sdelay $0x4  }
0x2cc: {  	vm3 =	vmor vm2, vm0  }
0x2cd: {  	v3 =	vadd.s32 $0x600, v3  }
.Ltmp12:
0x2ce: {  	vm2 =	vmand vm2, vm1;
	(pc) =	sbr.rel @p1 .LBB2_20-.Ltmp12, $3  }
0x2cf: {  	v2 =	vadd.s32 $0x600, v4;
	_ =	sdelay $0x1  }
0x2d0: {  	v4, _, _ =	vpop (xrf2)  }
0x2d1: {  	[tilespmem:v3+s15+$0x0] =	vst.idx.add.f32.msk vm3, v4;
	v3 =	vsub.f32 $0.0e+00, v4  }
.Ltmp13:
0x2d2: {  	_ = 	snop;
	(pc) =	sbr.rel .LBB2_21-.Ltmp13, $1  }
0x2d3: {  	_ =	sdelay $0x3  }
.LBB2_23:
0x2d4: {  	_ =	sfence.sel $0x180000  }
0x2d5: {  	[bflag:$0x0] =	sbarrier.arrive $0xFFFF  }
0x2d6: {  	p0 =	sne.s32 s0, $0x0;
	_ =	strace $0x90000047  }
0x2d7: {  	s0 =	sadd.s32 @!p0 $0x100000, s1;
	[bflag:$0x2] =	sbarrier.arrive $0xFFFF  }
0x2d8: {  	[sflag:s0] =	ssyncadd.tile.s32 @!p0 $0x1;
	_ =	shalt  }
.Lfunc_end2:
_tile_overlayer_lowered:
.L_overlay_start_2:
0x2d9: {  	(tag) =	ssettag $0x2  }
0x2da: {  	s0 =	rddreg [dreg:$0x0];
	s2 =	stileid.u32  }
0x2db: {  	s1 =	rddreg [dreg:$0x1];
	p0 =	sne.s32 s2, $0x0  }
0x2dc: {  	s3 =	rddreg [dreg:$0x2];
	[bflag:$0x3] =	sbarrier.arrive $0xFFFF;
	s2 =	simm.s32 @!p0 $0x1C01  }
0x2dd: {  	[timem:s3], [sflag:s2] =	dma.local @!p0 [hbm:s0], s1  }
0x2de: {  	s0 =	simm.s32 @!p0 $0x1  }
0x2df: {  	_ =	swait.ge @!p0 [sflag:s0], s1  }
0x2e0: {  	s1 =	ssub.s32 @!p0 $0x0, s1;
	[sflag:s0] =	ssyncset.done @!p0 $0x0  }
0x2e1: {  	[sflag:s0] =	ssyncadd.s32 @!p0 s1  }
0x2e2: {  	[bflag:$0x3] =	sbarrier.arrive $0xFFFF  }
0x2e3: {  	_ =	shalt  }

</sc_bundles>
